<compile_context>
chip_gen: v7x
topology: tpu7x:2x2x1
jax: 0.10.2.dev20260603
libtpu: 0.0.44.dev20260713+nightly
codegen_flags: <defaults>
</compile_context>

<pallas_src>
import jax
import jax.numpy as jnp
from jax.experimental import pallas as pl

K = 16
ALPHA = 3.0
NEG = -3.0e38


def _round_up(x, m):
    return (x + m - 1) // m * m


def _nodevec_kernel(n, rb1, emb_ref, wt_ref, b_ref, nv_ref):
    i = pl.program_id(0)
    x = jax.lax.dot_general(
        emb_ref[...], wt_ref[...], (((1,), (0,)), ((), ())),
        preferred_element_type=jnp.float32)
    x = jnp.tanh(ALPHA * (x + b_ref[0:1, :]))
    rows = i * rb1 + jax.lax.broadcasted_iota(jnp.int32, (rb1, 1), 0)
    nv_ref[...] = jnp.where(rows < n, x, 0.0)


P = 6


def _adj_kernel(n, npad, nv_blk_ref, nvt_ref, out_ref):
    a = jax.lax.dot_general(
        nv_blk_ref[...], nvt_ref[...], (((1,), (0,)), ((), ())),
        preferred_element_type=jnp.float32)
    nj = npad // 128
    slices = [a[:, 128 * j:128 * (j + 1)] for j in range(nj)]
    t = slices[0]
    for s in slices[1:]:
        t = jnp.maximum(t, s)
    cands = [t]
    for _ in range(P - 1):
        acc = jnp.full_like(t, NEG)
        for s in slices:
            acc = jnp.maximum(acc, jnp.where(s < t, s, NEG))
        t = acc
        cands.append(t)
    cc = jnp.concatenate(cands, axis=1)
    tt = jnp.max(cc, axis=1, keepdims=True)
    for _ in range(K - 1):
        cc = jnp.where(cc < tt, cc, NEG)
        tt = jnp.max(cc, axis=1, keepdims=True)
    adj = jnp.maximum(jnp.tanh(ALPHA * a), 0.0)
    adj = jnp.where(a >= tt, adj, 0.0)
    out_ref[...] = adj[:, :n]


def kernel(idx, emb, W, b):
    n, d = emb.shape
    npad = _round_up(n, 128)
    rb1 = 256 if npad % 256 == 0 else 128
    rb2 = 200 if n % 200 == 0 else 8

    emb_g = jnp.take(emb, idx, axis=0)
    emb_p = jnp.pad(emb_g, ((0, npad - n), (0, 0)))
    wt = W.T
    b2 = jnp.broadcast_to(b.reshape(1, d), (8, d))

    nv = pl.pallas_call(
        lambda e, w, bb, o: _nodevec_kernel(n, rb1, e, w, bb, o),
        grid=(npad // rb1,),
        in_specs=[
            pl.BlockSpec((rb1, d), lambda i: (i, 0)),
            pl.BlockSpec((d, d), lambda i: (0, 0)),
            pl.BlockSpec((8, d), lambda i: (0, 0)),
        ],
        out_specs=pl.BlockSpec((rb1, d), lambda i: (i, 0)),
        out_shape=jax.ShapeDtypeStruct((npad, d), jnp.float32),
    )(emb_p, wt, b2)

    nvt = nv.T

    out = pl.pallas_call(
        lambda nb, nt, o: _adj_kernel(n, npad, nb, nt, o),
        grid=(n // rb2,),
        in_specs=[
            pl.BlockSpec((rb2, d), lambda i: (i, 0)),
            pl.BlockSpec((d, npad), lambda i: (0, 0)),
        ],
        out_specs=pl.BlockSpec((rb2, n), lambda i: (i, 0)),
        out_shape=jax.ShapeDtypeStruct((n, n), jnp.float32),
    )(nv, nvt)
    return out

# --- scband reference (transcript-rebuilt; emitter-appended) ---
"""Pipeline reference for scband-graph-constructor-symetric-87780541595828 (READ-ONLY COPY).

The authoritative reference and input builder live on the scoring server;
editing this copy changes nothing except your own understanding.
"""

import jax, jax.numpy as jnp
import numpy as np

N = 10000
D = 256
K = 16
ALPHA = 3.0


def setup_inputs(seed: int = 0) -> dict:
    key = jax.random.key(seed)
    k1, k2, k3 = jax.random.split(key, 3)
    idx = jnp.arange(N)
    emb = jax.random.normal(k1, (N, D), dtype=jnp.float32) * 0.02
    W = jax.random.normal(k2, (D, D), dtype=jnp.float32) * (1.0 / np.sqrt(D))
    b = jnp.zeros((D,), dtype=jnp.float32)
    return {"idx": idx, "emb": emb, "W": W, "b": b}


def reference(idx, emb, W, b):
    # nodevec = tanh(alpha * Linear(Embedding(idx)))
    nodevec = emb[idx]                      # gather / embedding lookup
    nodevec = jnp.tanh(ALPHA * (nodevec @ W.T + b))
    # pairwise similarity
    a = nodevec @ nodevec.T
    adj = jax.nn.relu(jnp.tanh(ALPHA * a))
    # per-row top-k masking: keep only k strongest edges per node
    s1, t1 = jax.lax.top_k(adj, K)
    rows = jnp.arange(adj.shape[0])[:, None]
    mask = jnp.zeros_like(adj).at[rows, t1].set(1.0)  # scatter of ones at top-k cols
    adj = adj * mask
    return adj

if __name__ == "__main__":
    import jax
    _d = setup_inputs()
    print(jax.jit(kernel)(*tuple(_d.values())))

</pallas_src>

<mosaic_0001>
module attributes {stable_mosaic.version = 14 : i64} {
  func.func @_lambda_(%arg0: i32, %arg1: memref<128x256xf32, #tpu.memory_space<vmem>>, %arg2: memref<256x256xf32, #tpu.memory_space<vmem>>, %arg3: memref<8x256xf32, #tpu.memory_space<vmem>>, %arg4: memref<128x256xf32, #tpu.memory_space<vmem>>) attributes {dimension_semantics = [#tpu.dimension_semantics<arbitrary>], iteration_bounds = array<i64: 79>, scalar_prefetch = 0 : i64, scratch_operands = 0 : i64, tpu.core_type = #tpu.core_type<tc>, window_params = [{transform_indices = @transform_0, window_bounds = array<i64: 128, 256>}, {pipeline_mode = #tpu.pipeline_mode<synchronous>, transform_indices = @transform_1, window_bounds = array<i64: 256, 256>}, {pipeline_mode = #tpu.pipeline_mode<synchronous>, transform_indices = @transform_2, window_bounds = array<i64: 8, 256>}, {transform_indices = @transform_3, window_bounds = array<i64: 128, 256>}]} {
    %get3A = arith.constant 0 : index
    %get3A_0 = arith.constant 0 : index
    %get3A_1 = vector.load %arg1[%get3A, %get3A_0] : memref<128x256xf32, #tpu.memory_space<vmem>>, vector<128x256xf32>
    %get3A_2 = arith.constant 0 : index
    %get3A_3 = arith.constant 0 : index
    %get3A_4 = vector.load %arg2[%get3A_2, %get3A_3] : memref<256x256xf32, #tpu.memory_space<vmem>>, vector<256x256xf32>
    %dot_general3A = arith.constant dense<0.000000e+00> : vector<128x256xf32>
    %dot_general3A_5 = tpu.matmul %get3A_1, %get3A_4, %dot_general3A {dimension_numbers = #tpu.dot_dimension_numbers<[1], [0], [0], [1], [0, 0, 1, 1], [], []>, transpose_lhs_hint = false} : vector<128x256xf32>, vector<256x256xf32>, vector<128x256xf32> -> vector<128x256xf32>
    %get3A_6 = arith.constant 0 : index
    %get3A_7 = arith.constant 0 : index
    %get3A_8 = vector.load %arg3[%get3A_6, %get3A_7] : memref<8x256xf32, #tpu.memory_space<vmem>>, vector<1x256xf32>
    %add3A = vector.broadcast %get3A_8 : vector<1x256xf32> to vector<128x256xf32>
    %add3A_9 = arith.addf %dot_general3A_5, %add3A : vector<128x256xf32>
    %mul3A = arith.constant 3.000000e+00 : f32
    %mul3A_10 = vector.broadcast %mul3A : f32 to vector<128x256xf32>
    %mul3A_11 = arith.mulf %mul3A_10, %add3A_9 : vector<128x256xf32>
    %tanh3A = math.tanh %mul3A_11 : vector<128x256xf32>
    %mul3A_12 = arith.constant 128 : i32
    %mul3A_13 = arith.muli %arg0, %mul3A_12 : i32
    %iota3A = tpu.iota {dimensions = array<i32: 0>} : vector<128x1xi32>
    %add3A_14 = vector.broadcast %mul3A_13 : i32 to vector<128x1xi32>
    %add3A_15 = arith.addi %add3A_14, %iota3A : vector<128x1xi32>
    %lt3A = arith.constant 10000 : i32
    %lt3A_16 = vector.broadcast %lt3A : i32 to vector<128x1xi32>
    %lt3A_17 = arith.cmpi slt, %add3A_15, %lt3A_16 : vector<128x1xi32>
    %jit3A = arith.constant 0.000000e+00 : f32
    %broadcast_in_dim3A = vector.shape_cast %lt3A_17 : vector<128x1xi1> to vector<128x1xi1>
    %broadcast_in_dim3A_18 = vector.broadcast %broadcast_in_dim3A : vector<128x1xi1> to vector<128x256xi1>
    %broadcast_in_dim3A_19 = vector.broadcast %jit3A : f32 to vector<128x256xf32>
    %select_n3A = arith.select %broadcast_in_dim3A_18, %tanh3A, %broadcast_in_dim3A_19 : vector<128x256xi1>, vector<128x256xf32>
    %swap3A = arith.constant 0 : index
    %swap3A_20 = arith.constant 0 : index
    %swap3A_21 = vector.load %arg4[%swap3A, %swap3A_20] : memref<128x256xf32, #tpu.memory_space<vmem>>, vector<128x256xf32>
    tpu.vector_store %arg4[%swap3A, %swap3A_20], %select_n3A {strides = array<i32>} : memref<128x256xf32, #tpu.memory_space<vmem>>, vector<128x256xf32>,
    return
  }
  func.func @transform_0(%arg0: i32) -> (i32, i32) {
    %c0_i32 = arith.constant 0 : i32
    %c0_i32_0 = arith.constant 0 : i32
    return %arg0, %c0_i32 : i32, i32
  }
  func.func @transform_1(%arg0: i32) -> (i32, i32) {
    %c0_i32 = arith.constant 0 : i32
    %c0_i32_0 = arith.constant 0 : i32
    %c0_i32_1 = arith.constant 0 : i32
    return %c0_i32, %c0_i32_0 : i32, i32
  }
  func.func @transform_2(%arg0: i32) -> (i32, i32) {
    %c0_i32 = arith.constant 0 : i32
    %c0_i32_0 = arith.constant 0 : i32
    %c0_i32_1 = arith.constant 0 : i32
    return %c0_i32, %c0_i32_0 : i32, i32
  }
  func.func @transform_3(%arg0: i32) -> (i32, i32) {
    %c0_i32 = arith.constant 0 : i32
    %c0_i32_0 = arith.constant 0 : i32
    return %arg0, %c0_i32 : i32, i32
  }
}

module attributes {stable_mosaic.version = 14 : i64} {
  func.func @_lambda_(%arg0: i32, %arg1: memref<200x256xf32, #tpu.memory_space<vmem>>, %arg2: memref<256x10112xf32, #tpu.memory_space<vmem>>, %arg3: memref<200x10000xf32, #tpu.memory_space<vmem>>) attributes {dimension_semantics = [#tpu.dimension_semantics<arbitrary>], iteration_bounds = array<i64: 50>, scalar_prefetch = 0 : i64, scratch_operands = 0 : i64, tpu.core_type = #tpu.core_type<tc>, window_params = [{transform_indices = @transform_0, window_bounds = array<i64: 200, 256>}, {pipeline_mode = #tpu.pipeline_mode<synchronous>, transform_indices = @transform_1, window_bounds = array<i64: 256, 10112>}, {transform_indices = @transform_2, window_bounds = array<i64: 200, 10000>}]} {
    %get3A = arith.constant 0 : index
    %get3A_0 = arith.constant 0 : index
    %get3A_1 = vector.load %arg1[%get3A, %get3A_0] : memref<200x256xf32, #tpu.memory_space<vmem>>, vector<200x256xf32>
    %get3A_2 = arith.constant 0 : index
    %get3A_3 = arith.constant 0 : index
    %get3A_4 = vector.load %arg2[%get3A_2, %get3A_3] : memref<256x10112xf32, #tpu.memory_space<vmem>>, vector<256x10112xf32>
    %dot_general3A = arith.constant dense<0.000000e+00> : vector<200x10112xf32>
    %dot_general3A_5 = tpu.matmul %get3A_1, %get3A_4, %dot_general3A {dimension_numbers = #tpu.dot_dimension_numbers<[1], [0], [0], [1], [0, 0, 1, 1], [], []>, transpose_lhs_hint = false} : vector<200x256xf32>, vector<256x10112xf32>, vector<200x10112xf32> -> vector<200x10112xf32>
    %slice3A = vector.extract_strided_slice %dot_general3A_5 {offsets = [0, 0], sizes = [200, 128], strides = [1, 1]} : vector<200x10112xf32> to vector<200x128xf32>
    %slice3A_6 = vector.extract_strided_slice %dot_general3A_5 {offsets = [0, 128], sizes = [200, 128], strides = [1, 1]} : vector<200x10112xf32> to vector<200x128xf32>
    %slice3A_7 = vector.extract_strided_slice %dot_general3A_5 {offsets = [0, 256], sizes = [200, 128], strides = [1, 1]} : vector<200x10112xf32> to vector<200x128xf32>
    %slice3A_8 = vector.extract_strided_slice %dot_general3A_5 {offsets = [0, 384], sizes = [200, 128], strides = [1, 1]} : vector<200x10112xf32> to vector<200x128xf32>
    %slice3A_9 = vector.extract_strided_slice %dot_general3A_5 {offsets = [0, 512], sizes = [200, 128], strides = [1, 1]} : vector<200x10112xf32> to vector<200x128xf32>
    %slice3A_10 = vector.extract_strided_slice %dot_general3A_5 {offsets = [0, 640], sizes = [200, 128], strides = [1, 1]} : vector<200x10112xf32> to vector<200x128xf32>
    %slice3A_11 = vector.extract_strided_slice %dot_general3A_5 {offsets = [0, 768], sizes = [200, 128], strides = [1, 1]} : vector<200x10112xf32> to vector<200x128xf32>
    %slice3A_12 = vector.extract_strided_slice %dot_general3A_5 {offsets = [0, 896], sizes = [200, 128], strides = [1, 1]} : vector<200x10112xf32> to vector<200x128xf32>
    %slice3A_13 = vector.extract_strided_slice %dot_general3A_5 {offsets = [0, 1024], sizes = [200, 128], strides = [1, 1]} : vector<200x10112xf32> to vector<200x128xf32>
    %slice3A_14 = vector.extract_strided_slice %dot_general3A_5 {offsets = [0, 1152], sizes = [200, 128], strides = [1, 1]} : vector<200x10112xf32> to vector<200x128xf32>
    %slice3A_15 = vector.extract_strided_slice %dot_general3A_5 {offsets = [0, 1280], sizes = [200, 128], strides = [1, 1]} : vector<200x10112xf32> to vector<200x128xf32>
    %slice3A_16 = vector.extract_strided_slice %dot_general3A_5 {offsets = [0, 1408], sizes = [200, 128], strides = [1, 1]} : vector<200x10112xf32> to vector<200x128xf32>
    %slice3A_17 = vector.extract_strided_slice %dot_general3A_5 {offsets = [0, 1536], sizes = [200, 128], strides = [1, 1]} : vector<200x10112xf32> to vector<200x128xf32>
    %slice3A_18 = vector.extract_strided_slice %dot_general3A_5 {offsets = [0, 1664], sizes = [200, 128], strides = [1, 1]} : vector<200x10112xf32> to vector<200x128xf32>
    %slice3A_19 = vector.extract_strided_slice %dot_general3A_5 {offsets = [0, 1792], sizes = [200, 128], strides = [1, 1]} : vector<200x10112xf32> to vector<200x128xf32>
    %slice3A_20 = vector.extract_strided_slice %dot_general3A_5 {offsets = [0, 1920], sizes = [200, 128], strides = [1, 1]} : vector<200x10112xf32> to vector<200x128xf32>
    %slice3A_21 = vector.extract_strided_slice %dot_general3A_5 {offsets = [0, 2048], sizes = [200, 128], strides = [1, 1]} : vector<200x10112xf32> to vector<200x128xf32>
    %slice3A_22 = vector.extract_strided_slice %dot_general3A_5 {offsets = [0, 2176], sizes = [200, 128], strides = [1, 1]} : vector<200x10112xf32> to vector<200x128xf32>
    %slice3A_23 = vector.extract_strided_slice %dot_general3A_5 {offsets = [0, 2304], sizes = [200, 128], strides = [1, 1]} : vector<200x10112xf32> to vector<200x128xf32>
    %slice3A_24 = vector.extract_strided_slice %dot_general3A_5 {offsets = [0, 2432], sizes = [200, 128], strides = [1, 1]} : vector<200x10112xf32> to vector<200x128xf32>
    %slice3A_25 = vector.extract_strided_slice %dot_general3A_5 {offsets = [0, 2560], sizes = [200, 128], strides = [1, 1]} : vector<200x10112xf32> to vector<200x128xf32>
    %slice3A_26 = vector.extract_strided_slice %dot_general3A_5 {offsets = [0, 2688], sizes = [200, 128], strides = [1, 1]} : vector<200x10112xf32> to vector<200x128xf32>
    %slice3A_27 = vector.extract_strided_slice %dot_general3A_5 {offsets = [0, 2816], sizes = [200, 128], strides = [1, 1]} : vector<200x10112xf32> to vector<200x128xf32>
    %slice3A_28 = vector.extract_strided_slice %dot_general3A_5 {offsets = [0, 2944], sizes = [200, 128], strides = [1, 1]} : vector<200x10112xf32> to vector<200x128xf32>
    %slice3A_29 = vector.extract_strided_slice %dot_general3A_5 {offsets = [0, 3072], sizes = [200, 128], strides = [1, 1]} : vector<200x10112xf32> to vector<200x128xf32>
    %slice3A_30 = vector.extract_strided_slice %dot_general3A_5 {offsets = [0, 3200], sizes = [200, 128], strides = [1, 1]} : vector<200x10112xf32> to vector<200x128xf32>
    %slice3A_31 = vector.extract_strided_slice %dot_general3A_5 {offsets = [0, 3328], sizes = [200, 128], strides = [1, 1]} : vector<200x10112xf32> to vector<200x128xf32>
    %slice3A_32 = vector.extract_strided_slice %dot_general3A_5 {offsets = [0, 3456], sizes = [200, 128], strides = [1, 1]} : vector<200x10112xf32> to vector<200x128xf32>
    %slice3A_33 = vector.extract_strided_slice %dot_general3A_5 {offsets = [0, 3584], sizes = [200, 128], strides = [1, 1]} : vector<200x10112xf32> to vector<200x128xf32>
    %slice3A_34 = vector.extract_strided_slice %dot_general3A_5 {offsets = [0, 3712], sizes = [200, 128], strides = [1, 1]} : vector<200x10112xf32> to vector<200x128xf32>
    %slice3A_35 = vector.extract_strided_slice %dot_general3A_5 {offsets = [0, 3840], sizes = [200, 128], strides = [1, 1]} : vector<200x10112xf32> to vector<200x128xf32>
    %slice3A_36 = vector.extract_strided_slice %dot_general3A_5 {offsets = [0, 3968], sizes = [200, 128], strides = [1, 1]} : vector<200x10112xf32> to vector<200x128xf32>
    %slice3A_37 = vector.extract_strided_slice %dot_general3A_5 {offsets = [0, 4096], sizes = [200, 128], strides = [1, 1]} : vector<200x10112xf32> to vector<200x128xf32>
    %slice3A_38 = vector.extract_strided_slice %dot_general3A_5 {offsets = [0, 4224], sizes = [200, 128], strides = [1, 1]} : vector<200x10112xf32> to vector<200x128xf32>
    %slice3A_39 = vector.extract_strided_slice %dot_general3A_5 {offsets = [0, 4352], sizes = [200, 128], strides = [1, 1]} : vector<200x10112xf32> to vector<200x128xf32>
    %slice3A_40 = vector.extract_strided_slice %dot_general3A_5 {offsets = [0, 4480], sizes = [200, 128], strides = [1, 1]} : vector<200x10112xf32> to vector<200x128xf32>
    %slice3A_41 = vector.extract_strided_slice %dot_general3A_5 {offsets = [0, 4608], sizes = [200, 128], strides = [1, 1]} : vector<200x10112xf32> to vector<200x128xf32>
    %slice3A_42 = vector.extract_strided_slice %dot_general3A_5 {offsets = [0, 4736], sizes = [200, 128], strides = [1, 1]} : vector<200x10112xf32> to vector<200x128xf32>
    %slice3A_43 = vector.extract_strided_slice %dot_general3A_5 {offsets = [0, 4864], sizes = [200, 128], strides = [1, 1]} : vector<200x10112xf32> to vector<200x128xf32>
    %slice3A_44 = vector.extract_strided_slice %dot_general3A_5 {offsets = [0, 4992], sizes = [200, 128], strides = [1, 1]} : vector<200x10112xf32> to vector<200x128xf32>
    %slice3A_45 = vector.extract_strided_slice %dot_general3A_5 {offsets = [0, 5120], sizes = [200, 128], strides = [1, 1]} : vector<200x10112xf32> to vector<200x128xf32>
    %slice3A_46 = vector.extract_strided_slice %dot_general3A_5 {offsets = [0, 5248], sizes = [200, 128], strides = [1, 1]} : vector<200x10112xf32> to vector<200x128xf32>
    %slice3A_47 = vector.extract_strided_slice %dot_general3A_5 {offsets = [0, 5376], sizes = [200, 128], strides = [1, 1]} : vector<200x10112xf32> to vector<200x128xf32>
    %slice3A_48 = vector.extract_strided_slice %dot_general3A_5 {offsets = [0, 5504], sizes = [200, 128], strides = [1, 1]} : vector<200x10112xf32> to vector<200x128xf32>
    %slice3A_49 = vector.extract_strided_slice %dot_general3A_5 {offsets = [0, 5632], sizes = [200, 128], strides = [1, 1]} : vector<200x10112xf32> to vector<200x128xf32>
    %slice3A_50 = vector.extract_strided_slice %dot_general3A_5 {offsets = [0, 5760], sizes = [200, 128], strides = [1, 1]} : vector<200x10112xf32> to vector<200x128xf32>
    %slice3A_51 = vector.extract_strided_slice %dot_general3A_5 {offsets = [0, 5888], sizes = [200, 128], strides = [1, 1]} : vector<200x10112xf32> to vector<200x128xf32>
    %slice3A_52 = vector.extract_strided_slice %dot_general3A_5 {offsets = [0, 6016], sizes = [200, 128], strides = [1, 1]} : vector<200x10112xf32> to vector<200x128xf32>
    %slice3A_53 = vector.extract_strided_slice %dot_general3A_5 {offsets = [0, 6144], sizes = [200, 128], strides = [1, 1]} : vector<200x10112xf32> to vector<200x128xf32>
    %slice3A_54 = vector.extract_strided_slice %dot_general3A_5 {offsets = [0, 6272], sizes = [200, 128], strides = [1, 1]} : vector<200x10112xf32> to vector<200x128xf32>
    %slice3A_55 = vector.extract_strided_slice %dot_general3A_5 {offsets = [0, 6400], sizes = [200, 128], strides = [1, 1]} : vector<200x10112xf32> to vector<200x128xf32>
    %slice3A_56 = vector.extract_strided_slice %dot_general3A_5 {offsets = [0, 6528], sizes = [200, 128], strides = [1, 1]} : vector<200x10112xf32> to vector<200x128xf32>
    %slice3A_57 = vector.extract_strided_slice %dot_general3A_5 {offsets = [0, 6656], sizes = [200, 128], strides = [1, 1]} : vector<200x10112xf32> to vector<200x128xf32>
    %slice3A_58 = vector.extract_strided_slice %dot_general3A_5 {offsets = [0, 6784], sizes = [200, 128], strides = [1, 1]} : vector<200x10112xf32> to vector<200x128xf32>
    %slice3A_59 = vector.extract_strided_slice %dot_general3A_5 {offsets = [0, 6912], sizes = [200, 128], strides = [1, 1]} : vector<200x10112xf32> to vector<200x128xf32>
    %slice3A_60 = vector.extract_strided_slice %dot_general3A_5 {offsets = [0, 7040], sizes = [200, 128], strides = [1, 1]} : vector<200x10112xf32> to vector<200x128xf32>
    %slice3A_61 = vector.extract_strided_slice %dot_general3A_5 {offsets = [0, 7168], sizes = [200, 128], strides = [1, 1]} : vector<200x10112xf32> to vector<200x128xf32>
    %slice3A_62 = vector.extract_strided_slice %dot_general3A_5 {offsets = [0, 7296], sizes = [200, 128], strides = [1, 1]} : vector<200x10112xf32> to vector<200x128xf32>
    %slice3A_63 = vector.extract_strided_slice %dot_general3A_5 {offsets = [0, 7424], sizes = [200, 128], strides = [1, 1]} : vector<200x10112xf32> to vector<200x128xf32>
    %slice3A_64 = vector.extract_strided_slice %dot_general3A_5 {offsets = [0, 7552], sizes = [200, 128], strides = [1, 1]} : vector<200x10112xf32> to vector<200x128xf32>
    %slice3A_65 = vector.extract_strided_slice %dot_general3A_5 {offsets = [0, 7680], sizes = [200, 128], strides = [1, 1]} : vector<200x10112xf32> to vector<200x128xf32>
    %slice3A_66 = vector.extract_strided_slice %dot_general3A_5 {offsets = [0, 7808], sizes = [200, 128], strides = [1, 1]} : vector<200x10112xf32> to vector<200x128xf32>
    %slice3A_67 = vector.extract_strided_slice %dot_general3A_5 {offsets = [0, 7936], sizes = [200, 128], strides = [1, 1]} : vector<200x10112xf32> to vector<200x128xf32>
    %slice3A_68 = vector.extract_strided_slice %dot_general3A_5 {offsets = [0, 8064], sizes = [200, 128], strides = [1, 1]} : vector<200x10112xf32> to vector<200x128xf32>
    %slice3A_69 = vector.extract_strided_slice %dot_general3A_5 {offsets = [0, 8192], sizes = [200, 128], strides = [1, 1]} : vector<200x10112xf32> to vector<200x128xf32>
    %slice3A_70 = vector.extract_strided_slice %dot_general3A_5 {offsets = [0, 8320], sizes = [200, 128], strides = [1, 1]} : vector<200x10112xf32> to vector<200x128xf32>
    %slice3A_71 = vector.extract_strided_slice %dot_general3A_5 {offsets = [0, 8448], sizes = [200, 128], strides = [1, 1]} : vector<200x10112xf32> to vector<200x128xf32>
    %slice3A_72 = vector.extract_strided_slice %dot_general3A_5 {offsets = [0, 8576], sizes = [200, 128], strides = [1, 1]} : vector<200x10112xf32> to vector<200x128xf32>
    %slice3A_73 = vector.extract_strided_slice %dot_general3A_5 {offsets = [0, 8704], sizes = [200, 128], strides = [1, 1]} : vector<200x10112xf32> to vector<200x128xf32>
    %slice3A_74 = vector.extract_strided_slice %dot_general3A_5 {offsets = [0, 8832], sizes = [200, 128], strides = [1, 1]} : vector<200x10112xf32> to vector<200x128xf32>
    %slice3A_75 = vector.extract_strided_slice %dot_general3A_5 {offsets = [0, 8960], sizes = [200, 128], strides = [1, 1]} : vector<200x10112xf32> to vector<200x128xf32>
    %slice3A_76 = vector.extract_strided_slice %dot_general3A_5 {offsets = [0, 9088], sizes = [200, 128], strides = [1, 1]} : vector<200x10112xf32> to vector<200x128xf32>
    %slice3A_77 = vector.extract_strided_slice %dot_general3A_5 {offsets = [0, 9216], sizes = [200, 128], strides = [1, 1]} : vector<200x10112xf32> to vector<200x128xf32>
    %slice3A_78 = vector.extract_strided_slice %dot_general3A_5 {offsets = [0, 9344], sizes = [200, 128], strides = [1, 1]} : vector<200x10112xf32> to vector<200x128xf32>
    %slice3A_79 = vector.extract_strided_slice %dot_general3A_5 {offsets = [0, 9472], sizes = [200, 128], strides = [1, 1]} : vector<200x10112xf32> to vector<200x128xf32>
    %slice3A_80 = vector.extract_strided_slice %dot_general3A_5 {offsets = [0, 9600], sizes = [200, 128], strides = [1, 1]} : vector<200x10112xf32> to vector<200x128xf32>
    %slice3A_81 = vector.extract_strided_slice %dot_general3A_5 {offsets = [0, 9728], sizes = [200, 128], strides = [1, 1]} : vector<200x10112xf32> to vector<200x128xf32>
    %slice3A_82 = vector.extract_strided_slice %dot_general3A_5 {offsets = [0, 9856], sizes = [200, 128], strides = [1, 1]} : vector<200x10112xf32> to vector<200x128xf32>
    %slice3A_83 = vector.extract_strided_slice %dot_general3A_5 {offsets = [0, 9984], sizes = [200, 128], strides = [1, 1]} : vector<200x10112xf32> to vector<200x128xf32>
    %max3A = arith.maximumf %slice3A, %slice3A_6 : vector<200x128xf32>
    %max3A_84 = arith.maximumf %max3A, %slice3A_7 : vector<200x128xf32>
    %max3A_85 = arith.maximumf %max3A_84, %slice3A_8 : vector<200x128xf32>
    %max3A_86 = arith.maximumf %max3A_85, %slice3A_9 : vector<200x128xf32>
    %max3A_87 = arith.maximumf %max3A_86, %slice3A_10 : vector<200x128xf32>
    %max3A_88 = arith.maximumf %max3A_87, %slice3A_11 : vector<200x128xf32>
    %max3A_89 = arith.maximumf %max3A_88, %slice3A_12 : vector<200x128xf32>
    %max3A_90 = arith.maximumf %max3A_89, %slice3A_13 : vector<200x128xf32>
    %max3A_91 = arith.maximumf %max3A_90, %slice3A_14 : vector<200x128xf32>
    %max3A_92 = arith.maximumf %max3A_91, %slice3A_15 : vector<200x128xf32>
    %max3A_93 = arith.maximumf %max3A_92, %slice3A_16 : vector<200x128xf32>
    %max3A_94 = arith.maximumf %max3A_93, %slice3A_17 : vector<200x128xf32>
    %max3A_95 = arith.maximumf %max3A_94, %slice3A_18 : vector<200x128xf32>
    %max3A_96 = arith.maximumf %max3A_95, %slice3A_19 : vector<200x128xf32>
    %max3A_97 = arith.maximumf %max3A_96, %slice3A_20 : vector<200x128xf32>
    %max3A_98 = arith.maximumf %max3A_97, %slice3A_21 : vector<200x128xf32>
    %max3A_99 = arith.maximumf %max3A_98, %slice3A_22 : vector<200x128xf32>
    %max3A_100 = arith.maximumf %max3A_99, %slice3A_23 : vector<200x128xf32>
    %max3A_101 = arith.maximumf %max3A_100, %slice3A_24 : vector<200x128xf32>
    %max3A_102 = arith.maximumf %max3A_101, %slice3A_25 : vector<200x128xf32>
    %max3A_103 = arith.maximumf %max3A_102, %slice3A_26 : vector<200x128xf32>
    %max3A_104 = arith.maximumf %max3A_103, %slice3A_27 : vector<200x128xf32>
    %max3A_105 = arith.maximumf %max3A_104, %slice3A_28 : vector<200x128xf32>
    %max3A_106 = arith.maximumf %max3A_105, %slice3A_29 : vector<200x128xf32>
    %max3A_107 = arith.maximumf %max3A_106, %slice3A_30 : vector<200x128xf32>
    %max3A_108 = arith.maximumf %max3A_107, %slice3A_31 : vector<200x128xf32>
    %max3A_109 = arith.maximumf %max3A_108, %slice3A_32 : vector<200x128xf32>
    %max3A_110 = arith.maximumf %max3A_109, %slice3A_33 : vector<200x128xf32>
    %max3A_111 = arith.maximumf %max3A_110, %slice3A_34 : vector<200x128xf32>
    %max3A_112 = arith.maximumf %max3A_111, %slice3A_35 : vector<200x128xf32>
    %max3A_113 = arith.maximumf %max3A_112, %slice3A_36 : vector<200x128xf32>
    %max3A_114 = arith.maximumf %max3A_113, %slice3A_37 : vector<200x128xf32>
    %max3A_115 = arith.maximumf %max3A_114, %slice3A_38 : vector<200x128xf32>
    %max3A_116 = arith.maximumf %max3A_115, %slice3A_39 : vector<200x128xf32>
    %max3A_117 = arith.maximumf %max3A_116, %slice3A_40 : vector<200x128xf32>
    %max3A_118 = arith.maximumf %max3A_117, %slice3A_41 : vector<200x128xf32>
    %max3A_119 = arith.maximumf %max3A_118, %slice3A_42 : vector<200x128xf32>
    %max3A_120 = arith.maximumf %max3A_119, %slice3A_43 : vector<200x128xf32>
    %max3A_121 = arith.maximumf %max3A_120, %slice3A_44 : vector<200x128xf32>
    %max3A_122 = arith.maximumf %max3A_121, %slice3A_45 : vector<200x128xf32>
    %max3A_123 = arith.maximumf %max3A_122, %slice3A_46 : vector<200x128xf32>
    %max3A_124 = arith.maximumf %max3A_123, %slice3A_47 : vector<200x128xf32>
    %max3A_125 = arith.maximumf %max3A_124, %slice3A_48 : vector<200x128xf32>
    %max3A_126 = arith.maximumf %max3A_125, %slice3A_49 : vector<200x128xf32>
    %max3A_127 = arith.maximumf %max3A_126, %slice3A_50 : vector<200x128xf32>
    %max3A_128 = arith.maximumf %max3A_127, %slice3A_51 : vector<200x128xf32>
    %max3A_129 = arith.maximumf %max3A_128, %slice3A_52 : vector<200x128xf32>
    %max3A_130 = arith.maximumf %max3A_129, %slice3A_53 : vector<200x128xf32>
    %max3A_131 = arith.maximumf %max3A_130, %slice3A_54 : vector<200x128xf32>
    %max3A_132 = arith.maximumf %max3A_131, %slice3A_55 : vector<200x128xf32>
    %max3A_133 = arith.maximumf %max3A_132, %slice3A_56 : vector<200x128xf32>
    %max3A_134 = arith.maximumf %max3A_133, %slice3A_57 : vector<200x128xf32>
    %max3A_135 = arith.maximumf %max3A_134, %slice3A_58 : vector<200x128xf32>
    %max3A_136 = arith.maximumf %max3A_135, %slice3A_59 : vector<200x128xf32>
    %max3A_137 = arith.maximumf %max3A_136, %slice3A_60 : vector<200x128xf32>
    %max3A_138 = arith.maximumf %max3A_137, %slice3A_61 : vector<200x128xf32>
    %max3A_139 = arith.maximumf %max3A_138, %slice3A_62 : vector<200x128xf32>
    %max3A_140 = arith.maximumf %max3A_139, %slice3A_63 : vector<200x128xf32>
    %max3A_141 = arith.maximumf %max3A_140, %slice3A_64 : vector<200x128xf32>
    %max3A_142 = arith.maximumf %max3A_141, %slice3A_65 : vector<200x128xf32>
    %max3A_143 = arith.maximumf %max3A_142, %slice3A_66 : vector<200x128xf32>
    %max3A_144 = arith.maximumf %max3A_143, %slice3A_67 : vector<200x128xf32>
    %max3A_145 = arith.maximumf %max3A_144, %slice3A_68 : vector<200x128xf32>
    %max3A_146 = arith.maximumf %max3A_145, %slice3A_69 : vector<200x128xf32>
    %max3A_147 = arith.maximumf %max3A_146, %slice3A_70 : vector<200x128xf32>
    %max3A_148 = arith.maximumf %max3A_147, %slice3A_71 : vector<200x128xf32>
    %max3A_149 = arith.maximumf %max3A_148, %slice3A_72 : vector<200x128xf32>
    %max3A_150 = arith.maximumf %max3A_149, %slice3A_73 : vector<200x128xf32>
    %max3A_151 = arith.maximumf %max3A_150, %slice3A_74 : vector<200x128xf32>
    %max3A_152 = arith.maximumf %max3A_151, %slice3A_75 : vector<200x128xf32>
    %max3A_153 = arith.maximumf %max3A_152, %slice3A_76 : vector<200x128xf32>
    %max3A_154 = arith.maximumf %max3A_153, %slice3A_77 : vector<200x128xf32>
    %max3A_155 = arith.maximumf %max3A_154, %slice3A_78 : vector<200x128xf32>
    %max3A_156 = arith.maximumf %max3A_155, %slice3A_79 : vector<200x128xf32>
    %max3A_157 = arith.maximumf %max3A_156, %slice3A_80 : vector<200x128xf32>
    %max3A_158 = arith.maximumf %max3A_157, %slice3A_81 : vector<200x128xf32>
    %max3A_159 = arith.maximumf %max3A_158, %slice3A_82 : vector<200x128xf32>
    %max3A_160 = arith.maximumf %max3A_159, %slice3A_83 : vector<200x128xf32>
    %broadcast_in_dim3A = arith.constant -3.000000e+38 : f32
    %broadcast_in_dim3A_161 = vector.broadcast %broadcast_in_dim3A : f32 to vector<200x128xf32>
    %lt3A = arith.cmpf olt, %slice3A, %max3A_160 : vector<200x128xf32>
    %jit3A = arith.constant -3.000000e+38 : f32
    %broadcast_in_dim3A_162 = vector.broadcast %jit3A : f32 to vector<200x128xf32>
    %select_n3A = arith.select %lt3A, %slice3A, %broadcast_in_dim3A_162 : vector<200x128xi1>, vector<200x128xf32>
    %max3A_163 = arith.maximumf %broadcast_in_dim3A_161, %select_n3A : vector<200x128xf32>
    %lt3A_164 = arith.cmpf olt, %slice3A_6, %max3A_160 : vector<200x128xf32>
    %jit3A_165 = arith.constant -3.000000e+38 : f32
    %broadcast_in_dim3A_166 = vector.broadcast %jit3A_165 : f32 to vector<200x128xf32>
    %select_n3A_167 = arith.select %lt3A_164, %slice3A_6, %broadcast_in_dim3A_166 : vector<200x128xi1>, vector<200x128xf32>
    %max3A_168 = arith.maximumf %max3A_163, %select_n3A_167 : vector<200x128xf32>
    %lt3A_169 = arith.cmpf olt, %slice3A_7, %max3A_160 : vector<200x128xf32>
    %jit3A_170 = arith.constant -3.000000e+38 : f32
    %broadcast_in_dim3A_171 = vector.broadcast %jit3A_170 : f32 to vector<200x128xf32>
    %select_n3A_172 = arith.select %lt3A_169, %slice3A_7, %broadcast_in_dim3A_171 : vector<200x128xi1>, vector<200x128xf32>
    %max3A_173 = arith.maximumf %max3A_168, %select_n3A_172 : vector<200x128xf32>
    %lt3A_174 = arith.cmpf olt, %slice3A_8, %max3A_160 : vector<200x128xf32>
    %jit3A_175 = arith.constant -3.000000e+38 : f32
    %broadcast_in_dim3A_176 = vector.broadcast %jit3A_175 : f32 to vector<200x128xf32>
    %select_n3A_177 = arith.select %lt3A_174, %slice3A_8, %broadcast_in_dim3A_176 : vector<200x128xi1>, vector<200x128xf32>
    %max3A_178 = arith.maximumf %max3A_173, %select_n3A_177 : vector<200x128xf32>
    %lt3A_179 = arith.cmpf olt, %slice3A_9, %max3A_160 : vector<200x128xf32>
    %jit3A_180 = arith.constant -3.000000e+38 : f32
    %broadcast_in_dim3A_181 = vector.broadcast %jit3A_180 : f32 to vector<200x128xf32>
    %select_n3A_182 = arith.select %lt3A_179, %slice3A_9, %broadcast_in_dim3A_181 : vector<200x128xi1>, vector<200x128xf32>
    %max3A_183 = arith.maximumf %max3A_178, %select_n3A_182 : vector<200x128xf32>
    %lt3A_184 = arith.cmpf olt, %slice3A_10, %max3A_160 : vector<200x128xf32>
    %jit3A_185 = arith.constant -3.000000e+38 : f32
    %broadcast_in_dim3A_186 = vector.broadcast %jit3A_185 : f32 to vector<200x128xf32>
    %select_n3A_187 = arith.select %lt3A_184, %slice3A_10, %broadcast_in_dim3A_186 : vector<200x128xi1>, vector<200x128xf32>
    %max3A_188 = arith.maximumf %max3A_183, %select_n3A_187 : vector<200x128xf32>
    %lt3A_189 = arith.cmpf olt, %slice3A_11, %max3A_160 : vector<200x128xf32>
    %jit3A_190 = arith.constant -3.000000e+38 : f32
    %broadcast_in_dim3A_191 = vector.broadcast %jit3A_190 : f32 to vector<200x128xf32>
    %select_n3A_192 = arith.select %lt3A_189, %slice3A_11, %broadcast_in_dim3A_191 : vector<200x128xi1>, vector<200x128xf32>
    %max3A_193 = arith.maximumf %max3A_188, %select_n3A_192 : vector<200x128xf32>
    %lt3A_194 = arith.cmpf olt, %slice3A_12, %max3A_160 : vector<200x128xf32>
    %jit3A_195 = arith.constant -3.000000e+38 : f32
    %broadcast_in_dim3A_196 = vector.broadcast %jit3A_195 : f32 to vector<200x128xf32>
    %select_n3A_197 = arith.select %lt3A_194, %slice3A_12, %broadcast_in_dim3A_196 : vector<200x128xi1>, vector<200x128xf32>
    %max3A_198 = arith.maximumf %max3A_193, %select_n3A_197 : vector<200x128xf32>
    %lt3A_199 = arith.cmpf olt, %slice3A_13, %max3A_160 : vector<200x128xf32>
    %jit3A_200 = arith.constant -3.000000e+38 : f32
    %broadcast_in_dim3A_201 = vector.broadcast %jit3A_200 : f32 to vector<200x128xf32>
    %select_n3A_202 = arith.select %lt3A_199, %slice3A_13, %broadcast_in_dim3A_201 : vector<200x128xi1>, vector<200x128xf32>
    %max3A_203 = arith.maximumf %max3A_198, %select_n3A_202 : vector<200x128xf32>
    %lt3A_204 = arith.cmpf olt, %slice3A_14, %max3A_160 : vector<200x128xf32>
    %jit3A_205 = arith.constant -3.000000e+38 : f32
    %broadcast_in_dim3A_206 = vector.broadcast %jit3A_205 : f32 to vector<200x128xf32>
    %select_n3A_207 = arith.select %lt3A_204, %slice3A_14, %broadcast_in_dim3A_206 : vector<200x128xi1>, vector<200x128xf32>
    %max3A_208 = arith.maximumf %max3A_203, %select_n3A_207 : vector<200x128xf32>
    %lt3A_209 = arith.cmpf olt, %slice3A_15, %max3A_160 : vector<200x128xf32>
    %jit3A_210 = arith.constant -3.000000e+38 : f32
    %broadcast_in_dim3A_211 = vector.broadcast %jit3A_210 : f32 to vector<200x128xf32>
    %select_n3A_212 = arith.select %lt3A_209, %slice3A_15, %broadcast_in_dim3A_211 : vector<200x128xi1>, vector<200x128xf32>
    %max3A_213 = arith.maximumf %max3A_208, %select_n3A_212 : vector<200x128xf32>
    %lt3A_214 = arith.cmpf olt, %slice3A_16, %max3A_160 : vector<200x128xf32>
    %jit3A_215 = arith.constant -3.000000e+38 : f32
    %broadcast_in_dim3A_216 = vector.broadcast %jit3A_215 : f32 to vector<200x128xf32>
    %select_n3A_217 = arith.select %lt3A_214, %slice3A_16, %broadcast_in_dim3A_216 : vector<200x128xi1>, vector<200x128xf32>
    %max3A_218 = arith.maximumf %max3A_213, %select_n3A_217 : vector<200x128xf32>
    %lt3A_219 = arith.cmpf olt, %slice3A_17, %max3A_160 : vector<200x128xf32>
    %jit3A_220 = arith.constant -3.000000e+38 : f32
    %broadcast_in_dim3A_221 = vector.broadcast %jit3A_220 : f32 to vector<200x128xf32>
    %select_n3A_222 = arith.select %lt3A_219, %slice3A_17, %broadcast_in_dim3A_221 : vector<200x128xi1>, vector<200x128xf32>
    %max3A_223 = arith.maximumf %max3A_218, %select_n3A_222 : vector<200x128xf32>
    %lt3A_224 = arith.cmpf olt, %slice3A_18, %max3A_160 : vector<200x128xf32>
    %jit3A_225 = arith.constant -3.000000e+38 : f32
    %broadcast_in_dim3A_226 = vector.broadcast %jit3A_225 : f32 to vector<200x128xf32>
    %select_n3A_227 = arith.select %lt3A_224, %slice3A_18, %broadcast_in_dim3A_226 : vector<200x128xi1>, vector<200x128xf32>
    %max3A_228 = arith.maximumf %max3A_223, %select_n3A_227 : vector<200x128xf32>
    %lt3A_229 = arith.cmpf olt, %slice3A_19, %max3A_160 : vector<200x128xf32>
    %jit3A_230 = arith.constant -3.000000e+38 : f32
    %broadcast_in_dim3A_231 = vector.broadcast %jit3A_230 : f32 to vector<200x128xf32>
    %select_n3A_232 = arith.select %lt3A_229, %slice3A_19, %broadcast_in_dim3A_231 : vector<200x128xi1>, vector<200x128xf32>
    %max3A_233 = arith.maximumf %max3A_228, %select_n3A_232 : vector<200x128xf32>
    %lt3A_234 = arith.cmpf olt, %slice3A_20, %max3A_160 : vector<200x128xf32>
    %jit3A_235 = arith.constant -3.000000e+38 : f32
    %broadcast_in_dim3A_236 = vector.broadcast %jit3A_235 : f32 to vector<200x128xf32>
    %select_n3A_237 = arith.select %lt3A_234, %slice3A_20, %broadcast_in_dim3A_236 : vector<200x128xi1>, vector<200x128xf32>
    %max3A_238 = arith.maximumf %max3A_233, %select_n3A_237 : vector<200x128xf32>
    %lt3A_239 = arith.cmpf olt, %slice3A_21, %max3A_160 : vector<200x128xf32>
    %jit3A_240 = arith.constant -3.000000e+38 : f32
    %broadcast_in_dim3A_241 = vector.broadcast %jit3A_240 : f32 to vector<200x128xf32>
    %select_n3A_242 = arith.select %lt3A_239, %slice3A_21, %broadcast_in_dim3A_241 : vector<200x128xi1>, vector<200x128xf32>
    %max3A_243 = arith.maximumf %max3A_238, %select_n3A_242 : vector<200x128xf32>
    %lt3A_244 = arith.cmpf olt, %slice3A_22, %max3A_160 : vector<200x128xf32>
    %jit3A_245 = arith.constant -3.000000e+38 : f32
    %broadcast_in_dim3A_246 = vector.broadcast %jit3A_245 : f32 to vector<200x128xf32>
    %select_n3A_247 = arith.select %lt3A_244, %slice3A_22, %broadcast_in_dim3A_246 : vector<200x128xi1>, vector<200x128xf32>
    %max3A_248 = arith.maximumf %max3A_243, %select_n3A_247 : vector<200x128xf32>
    %lt3A_249 = arith.cmpf olt, %slice3A_23, %max3A_160 : vector<200x128xf32>
    %jit3A_250 = arith.constant -3.000000e+38 : f32
    %broadcast_in_dim3A_251 = vector.broadcast %jit3A_250 : f32 to vector<200x128xf32>
    %select_n3A_252 = arith.select %lt3A_249, %slice3A_23, %broadcast_in_dim3A_251 : vector<200x128xi1>, vector<200x128xf32>
    %max3A_253 = arith.maximumf %max3A_248, %select_n3A_252 : vector<200x128xf32>
    %lt3A_254 = arith.cmpf olt, %slice3A_24, %max3A_160 : vector<200x128xf32>
    %jit3A_255 = arith.constant -3.000000e+38 : f32
    %broadcast_in_dim3A_256 = vector.broadcast %jit3A_255 : f32 to vector<200x128xf32>
    %select_n3A_257 = arith.select %lt3A_254, %slice3A_24, %broadcast_in_dim3A_256 : vector<200x128xi1>, vector<200x128xf32>
    %max3A_258 = arith.maximumf %max3A_253, %select_n3A_257 : vector<200x128xf32>
    %lt3A_259 = arith.cmpf olt, %slice3A_25, %max3A_160 : vector<200x128xf32>
    %jit3A_260 = arith.constant -3.000000e+38 : f32
    %broadcast_in_dim3A_261 = vector.broadcast %jit3A_260 : f32 to vector<200x128xf32>
    %select_n3A_262 = arith.select %lt3A_259, %slice3A_25, %broadcast_in_dim3A_261 : vector<200x128xi1>, vector<200x128xf32>
    %max3A_263 = arith.maximumf %max3A_258, %select_n3A_262 : vector<200x128xf32>
    %lt3A_264 = arith.cmpf olt, %slice3A_26, %max3A_160 : vector<200x128xf32>
    %jit3A_265 = arith.constant -3.000000e+38 : f32
    %broadcast_in_dim3A_266 = vector.broadcast %jit3A_265 : f32 to vector<200x128xf32>
    %select_n3A_267 = arith.select %lt3A_264, %slice3A_26, %broadcast_in_dim3A_266 : vector<200x128xi1>, vector<200x128xf32>
    %max3A_268 = arith.maximumf %max3A_263, %select_n3A_267 : vector<200x128xf32>
    %lt3A_269 = arith.cmpf olt, %slice3A_27, %max3A_160 : vector<200x128xf32>
    %jit3A_270 = arith.constant -3.000000e+38 : f32
    %broadcast_in_dim3A_271 = vector.broadcast %jit3A_270 : f32 to vector<200x128xf32>
    %select_n3A_272 = arith.select %lt3A_269, %slice3A_27, %broadcast_in_dim3A_271 : vector<200x128xi1>, vector<200x128xf32>
    %max3A_273 = arith.maximumf %max3A_268, %select_n3A_272 : vector<200x128xf32>
    %lt3A_274 = arith.cmpf olt, %slice3A_28, %max3A_160 : vector<200x128xf32>
    %jit3A_275 = arith.constant -3.000000e+38 : f32
    %broadcast_in_dim3A_276 = vector.broadcast %jit3A_275 : f32 to vector<200x128xf32>
    %select_n3A_277 = arith.select %lt3A_274, %slice3A_28, %broadcast_in_dim3A_276 : vector<200x128xi1>, vector<200x128xf32>
    %max3A_278 = arith.maximumf %max3A_273, %select_n3A_277 : vector<200x128xf32>
    %lt3A_279 = arith.cmpf olt, %slice3A_29, %max3A_160 : vector<200x128xf32>
    %jit3A_280 = arith.constant -3.000000e+38 : f32
    %broadcast_in_dim3A_281 = vector.broadcast %jit3A_280 : f32 to vector<200x128xf32>
    %select_n3A_282 = arith.select %lt3A_279, %slice3A_29, %broadcast_in_dim3A_281 : vector<200x128xi1>, vector<200x128xf32>
    %max3A_283 = arith.maximumf %max3A_278, %select_n3A_282 : vector<200x128xf32>
    %lt3A_284 = arith.cmpf olt, %slice3A_30, %max3A_160 : vector<200x128xf32>
    %jit3A_285 = arith.constant -3.000000e+38 : f32
    %broadcast_in_dim3A_286 = vector.broadcast %jit3A_285 : f32 to vector<200x128xf32>
    %select_n3A_287 = arith.select %lt3A_284, %slice3A_30, %broadcast_in_dim3A_286 : vector<200x128xi1>, vector<200x128xf32>
    %max3A_288 = arith.maximumf %max3A_283, %select_n3A_287 : vector<200x128xf32>
    %lt3A_289 = arith.cmpf olt, %slice3A_31, %max3A_160 : vector<200x128xf32>
    %jit3A_290 = arith.constant -3.000000e+38 : f32
    %broadcast_in_dim3A_291 = vector.broadcast %jit3A_290 : f32 to vector<200x128xf32>
    %select_n3A_292 = arith.select %lt3A_289, %slice3A_31, %broadcast_in_dim3A_291 : vector<200x128xi1>, vector<200x128xf32>
    %max3A_293 = arith.maximumf %max3A_288, %select_n3A_292 : vector<200x128xf32>
    %lt3A_294 = arith.cmpf olt, %slice3A_32, %max3A_160 : vector<200x128xf32>
    %jit3A_295 = arith.constant -3.000000e+38 : f32
    %broadcast_in_dim3A_296 = vector.broadcast %jit3A_295 : f32 to vector<200x128xf32>
    %select_n3A_297 = arith.select %lt3A_294, %slice3A_32, %broadcast_in_dim3A_296 : vector<200x128xi1>, vector<200x128xf32>
    %max3A_298 = arith.maximumf %max3A_293, %select_n3A_297 : vector<200x128xf32>
    %lt3A_299 = arith.cmpf olt, %slice3A_33, %max3A_160 : vector<200x128xf32>
    %jit3A_300 = arith.constant -3.000000e+38 : f32
    %broadcast_in_dim3A_301 = vector.broadcast %jit3A_300 : f32 to vector<200x128xf32>
    %select_n3A_302 = arith.select %lt3A_299, %slice3A_33, %broadcast_in_dim3A_301 : vector<200x128xi1>, vector<200x128xf32>
    %max3A_303 = arith.maximumf %max3A_298, %select_n3A_302 : vector<200x128xf32>
    %lt3A_304 = arith.cmpf olt, %slice3A_34, %max3A_160 : vector<200x128xf32>
    %jit3A_305 = arith.constant -3.000000e+38 : f32
    %broadcast_in_dim3A_306 = vector.broadcast %jit3A_305 : f32 to vector<200x128xf32>
    %select_n3A_307 = arith.select %lt3A_304, %slice3A_34, %broadcast_in_dim3A_306 : vector<200x128xi1>, vector<200x128xf32>
    %max3A_308 = arith.maximumf %max3A_303, %select_n3A_307 : vector<200x128xf32>
    %lt3A_309 = arith.cmpf olt, %slice3A_35, %max3A_160 : vector<200x128xf32>
    %jit3A_310 = arith.constant -3.000000e+38 : f32
    %broadcast_in_dim3A_311 = vector.broadcast %jit3A_310 : f32 to vector<200x128xf32>
    %select_n3A_312 = arith.select %lt3A_309, %slice3A_35, %broadcast_in_dim3A_311 : vector<200x128xi1>, vector<200x128xf32>
    %max3A_313 = arith.maximumf %max3A_308, %select_n3A_312 : vector<200x128xf32>
    %lt3A_314 = arith.cmpf olt, %slice3A_36, %max3A_160 : vector<200x128xf32>
    %jit3A_315 = arith.constant -3.000000e+38 : f32
    %broadcast_in_dim3A_316 = vector.broadcast %jit3A_315 : f32 to vector<200x128xf32>
    %select_n3A_317 = arith.select %lt3A_314, %slice3A_36, %broadcast_in_dim3A_316 : vector<200x128xi1>, vector<200x128xf32>
    %max3A_318 = arith.maximumf %max3A_313, %select_n3A_317 : vector<200x128xf32>
    %lt3A_319 = arith.cmpf olt, %slice3A_37, %max3A_160 : vector<200x128xf32>
    %jit3A_320 = arith.constant -3.000000e+38 : f32
    %broadcast_in_dim3A_321 = vector.broadcast %jit3A_320 : f32 to vector<200x128xf32>
    %select_n3A_322 = arith.select %lt3A_319, %slice3A_37, %broadcast_in_dim3A_321 : vector<200x128xi1>, vector<200x128xf32>
    %max3A_323 = arith.maximumf %max3A_318, %select_n3A_322 : vector<200x128xf32>
    %lt3A_324 = arith.cmpf olt, %slice3A_38, %max3A_160 : vector<200x128xf32>
    %jit3A_325 = arith.constant -3.000000e+38 : f32
    %broadcast_in_dim3A_326 = vector.broadcast %jit3A_325 : f32 to vector<200x128xf32>
    %select_n3A_327 = arith.select %lt3A_324, %slice3A_38, %broadcast_in_dim3A_326 : vector<200x128xi1>, vector<200x128xf32>
    %max3A_328 = arith.maximumf %max3A_323, %select_n3A_327 : vector<200x128xf32>
    %lt3A_329 = arith.cmpf olt, %slice3A_39, %max3A_160 : vector<200x128xf32>
    %jit3A_330 = arith.constant -3.000000e+38 : f32
    %broadcast_in_dim3A_331 = vector.broadcast %jit3A_330 : f32 to vector<200x128xf32>
    %select_n3A_332 = arith.select %lt3A_329, %slice3A_39, %broadcast_in_dim3A_331 : vector<200x128xi1>, vector<200x128xf32>
    %max3A_333 = arith.maximumf %max3A_328, %select_n3A_332 : vector<200x128xf32>
    %lt3A_334 = arith.cmpf olt, %slice3A_40, %max3A_160 : vector<200x128xf32>
    %jit3A_335 = arith.constant -3.000000e+38 : f32
    %broadcast_in_dim3A_336 = vector.broadcast %jit3A_335 : f32 to vector<200x128xf32>
    %select_n3A_337 = arith.select %lt3A_334, %slice3A_40, %broadcast_in_dim3A_336 : vector<200x128xi1>, vector<200x128xf32>
    %max3A_338 = arith.maximumf %max3A_333, %select_n3A_337 : vector<200x128xf32>
    %lt3A_339 = arith.cmpf olt, %slice3A_41, %max3A_160 : vector<200x128xf32>
    %jit3A_340 = arith.constant -3.000000e+38 : f32
    %broadcast_in_dim3A_341 = vector.broadcast %jit3A_340 : f32 to vector<200x128xf32>
    %select_n3A_342 = arith.select %lt3A_339, %slice3A_41, %broadcast_in_dim3A_341 : vector<200x128xi1>, vector<200x128xf32>
    %max3A_343 = arith.maximumf %max3A_338, %select_n3A_342 : vector<200x128xf32>
    %lt3A_344 = arith.cmpf olt, %slice3A_42, %max3A_160 : vector<200x128xf32>
    %jit3A_345 = arith.constant -3.000000e+38 : f32
    %broadcast_in_dim3A_346 = vector.broadcast %jit3A_345 : f32 to vector<200x128xf32>
    %select_n3A_347 = arith.select %lt3A_344, %slice3A_42, %broadcast_in_dim3A_346 : vector<200x128xi1>, vector<200x128xf32>
    %max3A_348 = arith.maximumf %max3A_343, %select_n3A_347 : vector<200x128xf32>
    %lt3A_349 = arith.cmpf olt, %slice3A_43, %max3A_160 : vector<200x128xf32>
    %jit3A_350 = arith.constant -3.000000e+38 : f32
    %broadcast_in_dim3A_351 = vector.broadcast %jit3A_350 : f32 to vector<200x128xf32>
    %select_n3A_352 = arith.select %lt3A_349, %slice3A_43, %broadcast_in_dim3A_351 : vector<200x128xi1>, vector<200x128xf32>
    %max3A_353 = arith.maximumf %max3A_348, %select_n3A_352 : vector<200x128xf32>
    %lt3A_354 = arith.cmpf olt, %slice3A_44, %max3A_160 : vector<200x128xf32>
    %jit3A_355 = arith.constant -3.000000e+38 : f32
    %broadcast_in_dim3A_356 = vector.broadcast %jit3A_355 : f32 to vector<200x128xf32>
    %select_n3A_357 = arith.select %lt3A_354, %slice3A_44, %broadcast_in_dim3A_356 : vector<200x128xi1>, vector<200x128xf32>
    %max3A_358 = arith.maximumf %max3A_353, %select_n3A_357 : vector<200x128xf32>
    %lt3A_359 = arith.cmpf olt, %slice3A_45, %max3A_160 : vector<200x128xf32>
    %jit3A_360 = arith.constant -3.000000e+38 : f32
    %broadcast_in_dim3A_361 = vector.broadcast %jit3A_360 : f32 to vector<200x128xf32>
    %select_n3A_362 = arith.select %lt3A_359, %slice3A_45, %broadcast_in_dim3A_361 : vector<200x128xi1>, vector<200x128xf32>
    %max3A_363 = arith.maximumf %max3A_358, %select_n3A_362 : vector<200x128xf32>
    %lt3A_364 = arith.cmpf olt, %slice3A_46, %max3A_160 : vector<200x128xf32>
    %jit3A_365 = arith.constant -3.000000e+38 : f32
    %broadcast_in_dim3A_366 = vector.broadcast %jit3A_365 : f32 to vector<200x128xf32>
    %select_n3A_367 = arith.select %lt3A_364, %slice3A_46, %broadcast_in_dim3A_366 : vector<200x128xi1>, vector<200x128xf32>
    %max3A_368 = arith.maximumf %max3A_363, %select_n3A_367 : vector<200x128xf32>
    %lt3A_369 = arith.cmpf olt, %slice3A_47, %max3A_160 : vector<200x128xf32>
    %jit3A_370 = arith.constant -3.000000e+38 : f32
    %broadcast_in_dim3A_371 = vector.broadcast %jit3A_370 : f32 to vector<200x128xf32>
    %select_n3A_372 = arith.select %lt3A_369, %slice3A_47, %broadcast_in_dim3A_371 : vector<200x128xi1>, vector<200x128xf32>
    %max3A_373 = arith.maximumf %max3A_368, %select_n3A_372 : vector<200x128xf32>
    %lt3A_374 = arith.cmpf olt, %slice3A_48, %max3A_160 : vector<200x128xf32>
    %jit3A_375 = arith.constant -3.000000e+38 : f32
    %broadcast_in_dim3A_376 = vector.broadcast %jit3A_375 : f32 to vector<200x128xf32>
    %select_n3A_377 = arith.select %lt3A_374, %slice3A_48, %broadcast_in_dim3A_376 : vector<200x128xi1>, vector<200x128xf32>
    %max3A_378 = arith.maximumf %max3A_373, %select_n3A_377 : vector<200x128xf32>
    %lt3A_379 = arith.cmpf olt, %slice3A_49, %max3A_160 : vector<200x128xf32>
    %jit3A_380 = arith.constant -3.000000e+38 : f32
    %broadcast_in_dim3A_381 = vector.broadcast %jit3A_380 : f32 to vector<200x128xf32>
    %select_n3A_382 = arith.select %lt3A_379, %slice3A_49, %broadcast_in_dim3A_381 : vector<200x128xi1>, vector<200x128xf32>
    %max3A_383 = arith.maximumf %max3A_378, %select_n3A_382 : vector<200x128xf32>
    %lt3A_384 = arith.cmpf olt, %slice3A_50, %max3A_160 : vector<200x128xf32>
    %jit3A_385 = arith.constant -3.000000e+38 : f32
    %broadcast_in_dim3A_386 = vector.broadcast %jit3A_385 : f32 to vector<200x128xf32>
    %select_n3A_387 = arith.select %lt3A_384, %slice3A_50, %broadcast_in_dim3A_386 : vector<200x128xi1>, vector<200x128xf32>
    %max3A_388 = arith.maximumf %max3A_383, %select_n3A_387 : vector<200x128xf32>
    %lt3A_389 = arith.cmpf olt, %slice3A_51, %max3A_160 : vector<200x128xf32>
    %jit3A_390 = arith.constant -3.000000e+38 : f32
    %broadcast_in_dim3A_391 = vector.broadcast %jit3A_390 : f32 to vector<200x128xf32>
    %select_n3A_392 = arith.select %lt3A_389, %slice3A_51, %broadcast_in_dim3A_391 : vector<200x128xi1>, vector<200x128xf32>
    %max3A_393 = arith.maximumf %max3A_388, %select_n3A_392 : vector<200x128xf32>
    %lt3A_394 = arith.cmpf olt, %slice3A_52, %max3A_160 : vector<200x128xf32>
    %jit3A_395 = arith.constant -3.000000e+38 : f32
    %broadcast_in_dim3A_396 = vector.broadcast %jit3A_395 : f32 to vector<200x128xf32>
    %select_n3A_397 = arith.select %lt3A_394, %slice3A_52, %broadcast_in_dim3A_396 : vector<200x128xi1>, vector<200x128xf32>
    %max3A_398 = arith.maximumf %max3A_393, %select_n3A_397 : vector<200x128xf32>
    %lt3A_399 = arith.cmpf olt, %slice3A_53, %max3A_160 : vector<200x128xf32>
    %jit3A_400 = arith.constant -3.000000e+38 : f32
    %broadcast_in_dim3A_401 = vector.broadcast %jit3A_400 : f32 to vector<200x128xf32>
    %select_n3A_402 = arith.select %lt3A_399, %slice3A_53, %broadcast_in_dim3A_401 : vector<200x128xi1>, vector<200x128xf32>
    %max3A_403 = arith.maximumf %max3A_398, %select_n3A_402 : vector<200x128xf32>
    %lt3A_404 = arith.cmpf olt, %slice3A_54, %max3A_160 : vector<200x128xf32>
    %jit3A_405 = arith.constant -3.000000e+38 : f32
    %broadcast_in_dim3A_406 = vector.broadcast %jit3A_405 : f32 to vector<200x128xf32>
    %select_n3A_407 = arith.select %lt3A_404, %slice3A_54, %broadcast_in_dim3A_406 : vector<200x128xi1>, vector<200x128xf32>
    %max3A_408 = arith.maximumf %max3A_403, %select_n3A_407 : vector<200x128xf32>
    %lt3A_409 = arith.cmpf olt, %slice3A_55, %max3A_160 : vector<200x128xf32>
    %jit3A_410 = arith.constant -3.000000e+38 : f32
    %broadcast_in_dim3A_411 = vector.broadcast %jit3A_410 : f32 to vector<200x128xf32>
    %select_n3A_412 = arith.select %lt3A_409, %slice3A_55, %broadcast_in_dim3A_411 : vector<200x128xi1>, vector<200x128xf32>
    %max3A_413 = arith.maximumf %max3A_408, %select_n3A_412 : vector<200x128xf32>
    %lt3A_414 = arith.cmpf olt, %slice3A_56, %max3A_160 : vector<200x128xf32>
    %jit3A_415 = arith.constant -3.000000e+38 : f32
    %broadcast_in_dim3A_416 = vector.broadcast %jit3A_415 : f32 to vector<200x128xf32>
    %select_n3A_417 = arith.select %lt3A_414, %slice3A_56, %broadcast_in_dim3A_416 : vector<200x128xi1>, vector<200x128xf32>
    %max3A_418 = arith.maximumf %max3A_413, %select_n3A_417 : vector<200x128xf32>
    %lt3A_419 = arith.cmpf olt, %slice3A_57, %max3A_160 : vector<200x128xf32>
    %jit3A_420 = arith.constant -3.000000e+38 : f32
    %broadcast_in_dim3A_421 = vector.broadcast %jit3A_420 : f32 to vector<200x128xf32>
    %select_n3A_422 = arith.select %lt3A_419, %slice3A_57, %broadcast_in_dim3A_421 : vector<200x128xi1>, vector<200x128xf32>
    %max3A_423 = arith.maximumf %max3A_418, %select_n3A_422 : vector<200x128xf32>
    %lt3A_424 = arith.cmpf olt, %slice3A_58, %max3A_160 : vector<200x128xf32>
    %jit3A_425 = arith.constant -3.000000e+38 : f32
    %broadcast_in_dim3A_426 = vector.broadcast %jit3A_425 : f32 to vector<200x128xf32>
    %select_n3A_427 = arith.select %lt3A_424, %slice3A_58, %broadcast_in_dim3A_426 : vector<200x128xi1>, vector<200x128xf32>
    %max3A_428 = arith.maximumf %max3A_423, %select_n3A_427 : vector<200x128xf32>
    %lt3A_429 = arith.cmpf olt, %slice3A_59, %max3A_160 : vector<200x128xf32>
    %jit3A_430 = arith.constant -3.000000e+38 : f32
    %broadcast_in_dim3A_431 = vector.broadcast %jit3A_430 : f32 to vector<200x128xf32>
    %select_n3A_432 = arith.select %lt3A_429, %slice3A_59, %broadcast_in_dim3A_431 : vector<200x128xi1>, vector<200x128xf32>
    %max3A_433 = arith.maximumf %max3A_428, %select_n3A_432 : vector<200x128xf32>
    %lt3A_434 = arith.cmpf olt, %slice3A_60, %max3A_160 : vector<200x128xf32>
    %jit3A_435 = arith.constant -3.000000e+38 : f32
    %broadcast_in_dim3A_436 = vector.broadcast %jit3A_435 : f32 to vector<200x128xf32>
    %select_n3A_437 = arith.select %lt3A_434, %slice3A_60, %broadcast_in_dim3A_436 : vector<200x128xi1>, vector<200x128xf32>
    %max3A_438 = arith.maximumf %max3A_433, %select_n3A_437 : vector<200x128xf32>
    %lt3A_439 = arith.cmpf olt, %slice3A_61, %max3A_160 : vector<200x128xf32>
    %jit3A_440 = arith.constant -3.000000e+38 : f32
    %broadcast_in_dim3A_441 = vector.broadcast %jit3A_440 : f32 to vector<200x128xf32>
    %select_n3A_442 = arith.select %lt3A_439, %slice3A_61, %broadcast_in_dim3A_441 : vector<200x128xi1>, vector<200x128xf32>
    %max3A_443 = arith.maximumf %max3A_438, %select_n3A_442 : vector<200x128xf32>
    %lt3A_444 = arith.cmpf olt, %slice3A_62, %max3A_160 : vector<200x128xf32>
    %jit3A_445 = arith.constant -3.000000e+38 : f32
    %broadcast_in_dim3A_446 = vector.broadcast %jit3A_445 : f32 to vector<200x128xf32>
    %select_n3A_447 = arith.select %lt3A_444, %slice3A_62, %broadcast_in_dim3A_446 : vector<200x128xi1>, vector<200x128xf32>
    %max3A_448 = arith.maximumf %max3A_443, %select_n3A_447 : vector<200x128xf32>
    %lt3A_449 = arith.cmpf olt, %slice3A_63, %max3A_160 : vector<200x128xf32>
    %jit3A_450 = arith.constant -3.000000e+38 : f32
    %broadcast_in_dim3A_451 = vector.broadcast %jit3A_450 : f32 to vector<200x128xf32>
    %select_n3A_452 = arith.select %lt3A_449, %slice3A_63, %broadcast_in_dim3A_451 : vector<200x128xi1>, vector<200x128xf32>
    %max3A_453 = arith.maximumf %max3A_448, %select_n3A_452 : vector<200x128xf32>
    %lt3A_454 = arith.cmpf olt, %slice3A_64, %max3A_160 : vector<200x128xf32>
    %jit3A_455 = arith.constant -3.000000e+38 : f32
    %broadcast_in_dim3A_456 = vector.broadcast %jit3A_455 : f32 to vector<200x128xf32>
    %select_n3A_457 = arith.select %lt3A_454, %slice3A_64, %broadcast_in_dim3A_456 : vector<200x128xi1>, vector<200x128xf32>
    %max3A_458 = arith.maximumf %max3A_453, %select_n3A_457 : vector<200x128xf32>
    %lt3A_459 = arith.cmpf olt, %slice3A_65, %max3A_160 : vector<200x128xf32>
    %jit3A_460 = arith.constant -3.000000e+38 : f32
    %broadcast_in_dim3A_461 = vector.broadcast %jit3A_460 : f32 to vector<200x128xf32>
    %select_n3A_462 = arith.select %lt3A_459, %slice3A_65, %broadcast_in_dim3A_461 : vector<200x128xi1>, vector<200x128xf32>
    %max3A_463 = arith.maximumf %max3A_458, %select_n3A_462 : vector<200x128xf32>
    %lt3A_464 = arith.cmpf olt, %slice3A_66, %max3A_160 : vector<200x128xf32>
    %jit3A_465 = arith.constant -3.000000e+38 : f32
    %broadcast_in_dim3A_466 = vector.broadcast %jit3A_465 : f32 to vector<200x128xf32>
    %select_n3A_467 = arith.select %lt3A_464, %slice3A_66, %broadcast_in_dim3A_466 : vector<200x128xi1>, vector<200x128xf32>
    %max3A_468 = arith.maximumf %max3A_463, %select_n3A_467 : vector<200x128xf32>
    %lt3A_469 = arith.cmpf olt, %slice3A_67, %max3A_160 : vector<200x128xf32>
    %jit3A_470 = arith.constant -3.000000e+38 : f32
    %broadcast_in_dim3A_471 = vector.broadcast %jit3A_470 : f32 to vector<200x128xf32>
    %select_n3A_472 = arith.select %lt3A_469, %slice3A_67, %broadcast_in_dim3A_471 : vector<200x128xi1>, vector<200x128xf32>
    %max3A_473 = arith.maximumf %max3A_468, %select_n3A_472 : vector<200x128xf32>
    %lt3A_474 = arith.cmpf olt, %slice3A_68, %max3A_160 : vector<200x128xf32>
    %jit3A_475 = arith.constant -3.000000e+38 : f32
    %broadcast_in_dim3A_476 = vector.broadcast %jit3A_475 : f32 to vector<200x128xf32>
    %select_n3A_477 = arith.select %lt3A_474, %slice3A_68, %broadcast_in_dim3A_476 : vector<200x128xi1>, vector<200x128xf32>
    %max3A_478 = arith.maximumf %max3A_473, %select_n3A_477 : vector<200x128xf32>
    %lt3A_479 = arith.cmpf olt, %slice3A_69, %max3A_160 : vector<200x128xf32>
    %jit3A_480 = arith.constant -3.000000e+38 : f32
    %broadcast_in_dim3A_481 = vector.broadcast %jit3A_480 : f32 to vector<200x128xf32>
    %select_n3A_482 = arith.select %lt3A_479, %slice3A_69, %broadcast_in_dim3A_481 : vector<200x128xi1>, vector<200x128xf32>
    %max3A_483 = arith.maximumf %max3A_478, %select_n3A_482 : vector<200x128xf32>
    %lt3A_484 = arith.cmpf olt, %slice3A_70, %max3A_160 : vector<200x128xf32>
    %jit3A_485 = arith.constant -3.000000e+38 : f32
    %broadcast_in_dim3A_486 = vector.broadcast %jit3A_485 : f32 to vector<200x128xf32>
    %select_n3A_487 = arith.select %lt3A_484, %slice3A_70, %broadcast_in_dim3A_486 : vector<200x128xi1>, vector<200x128xf32>
    %max3A_488 = arith.maximumf %max3A_483, %select_n3A_487 : vector<200x128xf32>
    %lt3A_489 = arith.cmpf olt, %slice3A_71, %max3A_160 : vector<200x128xf32>
    %jit3A_490 = arith.constant -3.000000e+38 : f32
    %broadcast_in_dim3A_491 = vector.broadcast %jit3A_490 : f32 to vector<200x128xf32>
    %select_n3A_492 = arith.select %lt3A_489, %slice3A_71, %broadcast_in_dim3A_491 : vector<200x128xi1>, vector<200x128xf32>
    %max3A_493 = arith.maximumf %max3A_488, %select_n3A_492 : vector<200x128xf32>
    %lt3A_494 = arith.cmpf olt, %slice3A_72, %max3A_160 : vector<200x128xf32>
    %jit3A_495 = arith.constant -3.000000e+38 : f32
    %broadcast_in_dim3A_496 = vector.broadcast %jit3A_495 : f32 to vector<200x128xf32>
    %select_n3A_497 = arith.select %lt3A_494, %slice3A_72, %broadcast_in_dim3A_496 : vector<200x128xi1>, vector<200x128xf32>
    %max3A_498 = arith.maximumf %max3A_493, %select_n3A_497 : vector<200x128xf32>
    %lt3A_499 = arith.cmpf olt, %slice3A_73, %max3A_160 : vector<200x128xf32>
    %jit3A_500 = arith.constant -3.000000e+38 : f32
    %broadcast_in_dim3A_501 = vector.broadcast %jit3A_500 : f32 to vector<200x128xf32>
    %select_n3A_502 = arith.select %lt3A_499, %slice3A_73, %broadcast_in_dim3A_501 : vector<200x128xi1>, vector<200x128xf32>
    %max3A_503 = arith.maximumf %max3A_498, %select_n3A_502 : vector<200x128xf32>
    %lt3A_504 = arith.cmpf olt, %slice3A_74, %max3A_160 : vector<200x128xf32>
    %jit3A_505 = arith.constant -3.000000e+38 : f32
    %broadcast_in_dim3A_506 = vector.broadcast %jit3A_505 : f32 to vector<200x128xf32>
    %select_n3A_507 = arith.select %lt3A_504, %slice3A_74, %broadcast_in_dim3A_506 : vector<200x128xi1>, vector<200x128xf32>
    %max3A_508 = arith.maximumf %max3A_503, %select_n3A_507 : vector<200x128xf32>
    %lt3A_509 = arith.cmpf olt, %slice3A_75, %max3A_160 : vector<200x128xf32>
    %jit3A_510 = arith.constant -3.000000e+38 : f32
    %broadcast_in_dim3A_511 = vector.broadcast %jit3A_510 : f32 to vector<200x128xf32>
    %select_n3A_512 = arith.select %lt3A_509, %slice3A_75, %broadcast_in_dim3A_511 : vector<200x128xi1>, vector<200x128xf32>
    %max3A_513 = arith.maximumf %max3A_508, %select_n3A_512 : vector<200x128xf32>
    %lt3A_514 = arith.cmpf olt, %slice3A_76, %max3A_160 : vector<200x128xf32>
    %jit3A_515 = arith.constant -3.000000e+38 : f32
    %broadcast_in_dim3A_516 = vector.broadcast %jit3A_515 : f32 to vector<200x128xf32>
    %select_n3A_517 = arith.select %lt3A_514, %slice3A_76, %broadcast_in_dim3A_516 : vector<200x128xi1>, vector<200x128xf32>
    %max3A_518 = arith.maximumf %max3A_513, %select_n3A_517 : vector<200x128xf32>
    %lt3A_519 = arith.cmpf olt, %slice3A_77, %max3A_160 : vector<200x128xf32>
    %jit3A_520 = arith.constant -3.000000e+38 : f32
    %broadcast_in_dim3A_521 = vector.broadcast %jit3A_520 : f32 to vector<200x128xf32>
    %select_n3A_522 = arith.select %lt3A_519, %slice3A_77, %broadcast_in_dim3A_521 : vector<200x128xi1>, vector<200x128xf32>
    %max3A_523 = arith.maximumf %max3A_518, %select_n3A_522 : vector<200x128xf32>
    %lt3A_524 = arith.cmpf olt, %slice3A_78, %max3A_160 : vector<200x128xf32>
    %jit3A_525 = arith.constant -3.000000e+38 : f32
    %broadcast_in_dim3A_526 = vector.broadcast %jit3A_525 : f32 to vector<200x128xf32>
    %select_n3A_527 = arith.select %lt3A_524, %slice3A_78, %broadcast_in_dim3A_526 : vector<200x128xi1>, vector<200x128xf32>
    %max3A_528 = arith.maximumf %max3A_523, %select_n3A_527 : vector<200x128xf32>
    %lt3A_529 = arith.cmpf olt, %slice3A_79, %max3A_160 : vector<200x128xf32>
    %jit3A_530 = arith.constant -3.000000e+38 : f32
    %broadcast_in_dim3A_531 = vector.broadcast %jit3A_530 : f32 to vector<200x128xf32>
    %select_n3A_532 = arith.select %lt3A_529, %slice3A_79, %broadcast_in_dim3A_531 : vector<200x128xi1>, vector<200x128xf32>
    %max3A_533 = arith.maximumf %max3A_528, %select_n3A_532 : vector<200x128xf32>
    %lt3A_534 = arith.cmpf olt, %slice3A_80, %max3A_160 : vector<200x128xf32>
    %jit3A_535 = arith.constant -3.000000e+38 : f32
    %broadcast_in_dim3A_536 = vector.broadcast %jit3A_535 : f32 to vector<200x128xf32>
    %select_n3A_537 = arith.select %lt3A_534, %slice3A_80, %broadcast_in_dim3A_536 : vector<200x128xi1>, vector<200x128xf32>
    %max3A_538 = arith.maximumf %max3A_533, %select_n3A_537 : vector<200x128xf32>
    %lt3A_539 = arith.cmpf olt, %slice3A_81, %max3A_160 : vector<200x128xf32>
    %jit3A_540 = arith.constant -3.000000e+38 : f32
    %broadcast_in_dim3A_541 = vector.broadcast %jit3A_540 : f32 to vector<200x128xf32>
    %select_n3A_542 = arith.select %lt3A_539, %slice3A_81, %broadcast_in_dim3A_541 : vector<200x128xi1>, vector<200x128xf32>
    %max3A_543 = arith.maximumf %max3A_538, %select_n3A_542 : vector<200x128xf32>
    %lt3A_544 = arith.cmpf olt, %slice3A_82, %max3A_160 : vector<200x128xf32>
    %jit3A_545 = arith.constant -3.000000e+38 : f32
    %broadcast_in_dim3A_546 = vector.broadcast %jit3A_545 : f32 to vector<200x128xf32>
    %select_n3A_547 = arith.select %lt3A_544, %slice3A_82, %broadcast_in_dim3A_546 : vector<200x128xi1>, vector<200x128xf32>
    %max3A_548 = arith.maximumf %max3A_543, %select_n3A_547 : vector<200x128xf32>
    %lt3A_549 = arith.cmpf olt, %slice3A_83, %max3A_160 : vector<200x128xf32>
    %jit3A_550 = arith.constant -3.000000e+38 : f32
    %broadcast_in_dim3A_551 = vector.broadcast %jit3A_550 : f32 to vector<200x128xf32>
    %select_n3A_552 = arith.select %lt3A_549, %slice3A_83, %broadcast_in_dim3A_551 : vector<200x128xi1>, vector<200x128xf32>
    %max3A_553 = arith.maximumf %max3A_548, %select_n3A_552 : vector<200x128xf32>
    %broadcast_in_dim3A_554 = arith.constant -3.000000e+38 : f32
    %broadcast_in_dim3A_555 = vector.broadcast %broadcast_in_dim3A_554 : f32 to vector<200x128xf32>
    %lt3A_556 = arith.cmpf olt, %slice3A, %max3A_553 : vector<200x128xf32>
    %jit3A_557 = arith.constant -3.000000e+38 : f32
    %broadcast_in_dim3A_558 = vector.broadcast %jit3A_557 : f32 to vector<200x128xf32>
    %select_n3A_559 = arith.select %lt3A_556, %slice3A, %broadcast_in_dim3A_558 : vector<200x128xi1>, vector<200x128xf32>
    %max3A_560 = arith.maximumf %broadcast_in_dim3A_555, %select_n3A_559 : vector<200x128xf32>
    %lt3A_561 = arith.cmpf olt, %slice3A_6, %max3A_553 : vector<200x128xf32>
    %jit3A_562 = arith.constant -3.000000e+38 : f32
    %broadcast_in_dim3A_563 = vector.broadcast %jit3A_562 : f32 to vector<200x128xf32>
    %select_n3A_564 = arith.select %lt3A_561, %slice3A_6, %broadcast_in_dim3A_563 : vector<200x128xi1>, vector<200x128xf32>
    %max3A_565 = arith.maximumf %max3A_560, %select_n3A_564 : vector<200x128xf32>
    %lt3A_566 = arith.cmpf olt, %slice3A_7, %max3A_553 : vector<200x128xf32>
    %jit3A_567 = arith.constant -3.000000e+38 : f32
    %broadcast_in_dim3A_568 = vector.broadcast %jit3A_567 : f32 to vector<200x128xf32>
    %select_n3A_569 = arith.select %lt3A_566, %slice3A_7, %broadcast_in_dim3A_568 : vector<200x128xi1>, vector<200x128xf32>
    %max3A_570 = arith.maximumf %max3A_565, %select_n3A_569 : vector<200x128xf32>
    %lt3A_571 = arith.cmpf olt, %slice3A_8, %max3A_553 : vector<200x128xf32>
    %jit3A_572 = arith.constant -3.000000e+38 : f32
    %broadcast_in_dim3A_573 = vector.broadcast %jit3A_572 : f32 to vector<200x128xf32>
    %select_n3A_574 = arith.select %lt3A_571, %slice3A_8, %broadcast_in_dim3A_573 : vector<200x128xi1>, vector<200x128xf32>
    %max3A_575 = arith.maximumf %max3A_570, %select_n3A_574 : vector<200x128xf32>
    %lt3A_576 = arith.cmpf olt, %slice3A_9, %max3A_553 : vector<200x128xf32>
    %jit3A_577 = arith.constant -3.000000e+38 : f32
    %broadcast_in_dim3A_578 = vector.broadcast %jit3A_577 : f32 to vector<200x128xf32>
    %select_n3A_579 = arith.select %lt3A_576, %slice3A_9, %broadcast_in_dim3A_578 : vector<200x128xi1>, vector<200x128xf32>
    %max3A_580 = arith.maximumf %max3A_575, %select_n3A_579 : vector<200x128xf32>
    %lt3A_581 = arith.cmpf olt, %slice3A_10, %max3A_553 : vector<200x128xf32>
    %jit3A_582 = arith.constant -3.000000e+38 : f32
    %broadcast_in_dim3A_583 = vector.broadcast %jit3A_582 : f32 to vector<200x128xf32>
    %select_n3A_584 = arith.select %lt3A_581, %slice3A_10, %broadcast_in_dim3A_583 : vector<200x128xi1>, vector<200x128xf32>
    %max3A_585 = arith.maximumf %max3A_580, %select_n3A_584 : vector<200x128xf32>
    %lt3A_586 = arith.cmpf olt, %slice3A_11, %max3A_553 : vector<200x128xf32>
    %jit3A_587 = arith.constant -3.000000e+38 : f32
    %broadcast_in_dim3A_588 = vector.broadcast %jit3A_587 : f32 to vector<200x128xf32>
    %select_n3A_589 = arith.select %lt3A_586, %slice3A_11, %broadcast_in_dim3A_588 : vector<200x128xi1>, vector<200x128xf32>
    %max3A_590 = arith.maximumf %max3A_585, %select_n3A_589 : vector<200x128xf32>
    %lt3A_591 = arith.cmpf olt, %slice3A_12, %max3A_553 : vector<200x128xf32>
    %jit3A_592 = arith.constant -3.000000e+38 : f32
    %broadcast_in_dim3A_593 = vector.broadcast %jit3A_592 : f32 to vector<200x128xf32>
    %select_n3A_594 = arith.select %lt3A_591, %slice3A_12, %broadcast_in_dim3A_593 : vector<200x128xi1>, vector<200x128xf32>
    %max3A_595 = arith.maximumf %max3A_590, %select_n3A_594 : vector<200x128xf32>
    %lt3A_596 = arith.cmpf olt, %slice3A_13, %max3A_553 : vector<200x128xf32>
    %jit3A_597 = arith.constant -3.000000e+38 : f32
    %broadcast_in_dim3A_598 = vector.broadcast %jit3A_597 : f32 to vector<200x128xf32>
    %select_n3A_599 = arith.select %lt3A_596, %slice3A_13, %broadcast_in_dim3A_598 : vector<200x128xi1>, vector<200x128xf32>
    %max3A_600 = arith.maximumf %max3A_595, %select_n3A_599 : vector<200x128xf32>
    %lt3A_601 = arith.cmpf olt, %slice3A_14, %max3A_553 : vector<200x128xf32>
    %jit3A_602 = arith.constant -3.000000e+38 : f32
    %broadcast_in_dim3A_603 = vector.broadcast %jit3A_602 : f32 to vector<200x128xf32>
    %select_n3A_604 = arith.select %lt3A_601, %slice3A_14, %broadcast_in_dim3A_603 : vector<200x128xi1>, vector<200x128xf32>
    %max3A_605 = arith.maximumf %max3A_600, %select_n3A_604 : vector<200x128xf32>
    %lt3A_606 = arith.cmpf olt, %slice3A_15, %max3A_553 : vector<200x128xf32>
    %jit3A_607 = arith.constant -3.000000e+38 : f32
    %broadcast_in_dim3A_608 = vector.broadcast %jit3A_607 : f32 to vector<200x128xf32>
    %select_n3A_609 = arith.select %lt3A_606, %slice3A_15, %broadcast_in_dim3A_608 : vector<200x128xi1>, vector<200x128xf32>
    %max3A_610 = arith.maximumf %max3A_605, %select_n3A_609 : vector<200x128xf32>
    %lt3A_611 = arith.cmpf olt, %slice3A_16, %max3A_553 : vector<200x128xf32>
    %jit3A_612 = arith.constant -3.000000e+38 : f32
    %broadcast_in_dim3A_613 = vector.broadcast %jit3A_612 : f32 to vector<200x128xf32>
    %select_n3A_614 = arith.select %lt3A_611, %slice3A_16, %broadcast_in_dim3A_613 : vector<200x128xi1>, vector<200x128xf32>
    %max3A_615 = arith.maximumf %max3A_610, %select_n3A_614 : vector<200x128xf32>
    %lt3A_616 = arith.cmpf olt, %slice3A_17, %max3A_553 : vector<200x128xf32>
    %jit3A_617 = arith.constant -3.000000e+38 : f32
    %broadcast_in_dim3A_618 = vector.broadcast %jit3A_617 : f32 to vector<200x128xf32>
    %select_n3A_619 = arith.select %lt3A_616, %slice3A_17, %broadcast_in_dim3A_618 : vector<200x128xi1>, vector<200x128xf32>
    %max3A_620 = arith.maximumf %max3A_615, %select_n3A_619 : vector<200x128xf32>
    %lt3A_621 = arith.cmpf olt, %slice3A_18, %max3A_553 : vector<200x128xf32>
    %jit3A_622 = arith.constant -3.000000e+38 : f32
    %broadcast_in_dim3A_623 = vector.broadcast %jit3A_622 : f32 to vector<200x128xf32>
    %select_n3A_624 = arith.select %lt3A_621, %slice3A_18, %broadcast_in_dim3A_623 : vector<200x128xi1>, vector<200x128xf32>
    %max3A_625 = arith.maximumf %max3A_620, %select_n3A_624 : vector<200x128xf32>
    %lt3A_626 = arith.cmpf olt, %slice3A_19, %max3A_553 : vector<200x128xf32>
    %jit3A_627 = arith.constant -3.000000e+38 : f32
    %broadcast_in_dim3A_628 = vector.broadcast %jit3A_627 : f32 to vector<200x128xf32>
    %select_n3A_629 = arith.select %lt3A_626, %slice3A_19, %broadcast_in_dim3A_628 : vector<200x128xi1>, vector<200x128xf32>
    %max3A_630 = arith.maximumf %max3A_625, %select_n3A_629 : vector<200x128xf32>
    %lt3A_631 = arith.cmpf olt, %slice3A_20, %max3A_553 : vector<200x128xf32>
    %jit3A_632 = arith.constant -3.000000e+38 : f32
    %broadcast_in_dim3A_633 = vector.broadcast %jit3A_632 : f32 to vector<200x128xf32>
    %select_n3A_634 = arith.select %lt3A_631, %slice3A_20, %broadcast_in_dim3A_633 : vector<200x128xi1>, vector<200x128xf32>
    %max3A_635 = arith.maximumf %max3A_630, %select_n3A_634 : vector<200x128xf32>
    %lt3A_636 = arith.cmpf olt, %slice3A_21, %max3A_553 : vector<200x128xf32>
    %jit3A_637 = arith.constant -3.000000e+38 : f32
    %broadcast_in_dim3A_638 = vector.broadcast %jit3A_637 : f32 to vector<200x128xf32>
    %select_n3A_639 = arith.select %lt3A_636, %slice3A_21, %broadcast_in_dim3A_638 : vector<200x128xi1>, vector<200x128xf32>
    %max3A_640 = arith.maximumf %max3A_635, %select_n3A_639 : vector<200x128xf32>
    %lt3A_641 = arith.cmpf olt, %slice3A_22, %max3A_553 : vector<200x128xf32>
    %jit3A_642 = arith.constant -3.000000e+38 : f32
    %broadcast_in_dim3A_643 = vector.broadcast %jit3A_642 : f32 to vector<200x128xf32>
    %select_n3A_644 = arith.select %lt3A_641, %slice3A_22, %broadcast_in_dim3A_643 : vector<200x128xi1>, vector<200x128xf32>
    %max3A_645 = arith.maximumf %max3A_640, %select_n3A_644 : vector<200x128xf32>
    %lt3A_646 = arith.cmpf olt, %slice3A_23, %max3A_553 : vector<200x128xf32>
    %jit3A_647 = arith.constant -3.000000e+38 : f32
    %broadcast_in_dim3A_648 = vector.broadcast %jit3A_647 : f32 to vector<200x128xf32>
    %select_n3A_649 = arith.select %lt3A_646, %slice3A_23, %broadcast_in_dim3A_648 : vector<200x128xi1>, vector<200x128xf32>
    %max3A_650 = arith.maximumf %max3A_645, %select_n3A_649 : vector<200x128xf32>
    %lt3A_651 = arith.cmpf olt, %slice3A_24, %max3A_553 : vector<200x128xf32>
    %jit3A_652 = arith.constant -3.000000e+38 : f32
    %broadcast_in_dim3A_653 = vector.broadcast %jit3A_652 : f32 to vector<200x128xf32>
    %select_n3A_654 = arith.select %lt3A_651, %slice3A_24, %broadcast_in_dim3A_653 : vector<200x128xi1>, vector<200x128xf32>
    %max3A_655 = arith.maximumf %max3A_650, %select_n3A_654 : vector<200x128xf32>
    %lt3A_656 = arith.cmpf olt, %slice3A_25, %max3A_553 : vector<200x128xf32>
    %jit3A_657 = arith.constant -3.000000e+38 : f32
    %broadcast_in_dim3A_658 = vector.broadcast %jit3A_657 : f32 to vector<200x128xf32>
    %select_n3A_659 = arith.select %lt3A_656, %slice3A_25, %broadcast_in_dim3A_658 : vector<200x128xi1>, vector<200x128xf32>
    %max3A_660 = arith.maximumf %max3A_655, %select_n3A_659 : vector<200x128xf32>
    %lt3A_661 = arith.cmpf olt, %slice3A_26, %max3A_553 : vector<200x128xf32>
    %jit3A_662 = arith.constant -3.000000e+38 : f32
    %broadcast_in_dim3A_663 = vector.broadcast %jit3A_662 : f32 to vector<200x128xf32>
    %select_n3A_664 = arith.select %lt3A_661, %slice3A_26, %broadcast_in_dim3A_663 : vector<200x128xi1>, vector<200x128xf32>
    %max3A_665 = arith.maximumf %max3A_660, %select_n3A_664 : vector<200x128xf32>
    %lt3A_666 = arith.cmpf olt, %slice3A_27, %max3A_553 : vector<200x128xf32>
    %jit3A_667 = arith.constant -3.000000e+38 : f32
    %broadcast_in_dim3A_668 = vector.broadcast %jit3A_667 : f32 to vector<200x128xf32>
    %select_n3A_669 = arith.select %lt3A_666, %slice3A_27, %broadcast_in_dim3A_668 : vector<200x128xi1>, vector<200x128xf32>
    %max3A_670 = arith.maximumf %max3A_665, %select_n3A_669 : vector<200x128xf32>
    %lt3A_671 = arith.cmpf olt, %slice3A_28, %max3A_553 : vector<200x128xf32>
    %jit3A_672 = arith.constant -3.000000e+38 : f32
    %broadcast_in_dim3A_673 = vector.broadcast %jit3A_672 : f32 to vector<200x128xf32>
    %select_n3A_674 = arith.select %lt3A_671, %slice3A_28, %broadcast_in_dim3A_673 : vector<200x128xi1>, vector<200x128xf32>
    %max3A_675 = arith.maximumf %max3A_670, %select_n3A_674 : vector<200x128xf32>
    %lt3A_676 = arith.cmpf olt, %slice3A_29, %max3A_553 : vector<200x128xf32>
    %jit3A_677 = arith.constant -3.000000e+38 : f32
    %broadcast_in_dim3A_678 = vector.broadcast %jit3A_677 : f32 to vector<200x128xf32>
    %select_n3A_679 = arith.select %lt3A_676, %slice3A_29, %broadcast_in_dim3A_678 : vector<200x128xi1>, vector<200x128xf32>
    %max3A_680 = arith.maximumf %max3A_675, %select_n3A_679 : vector<200x128xf32>
    %lt3A_681 = arith.cmpf olt, %slice3A_30, %max3A_553 : vector<200x128xf32>
    %jit3A_682 = arith.constant -3.000000e+38 : f32
    %broadcast_in_dim3A_683 = vector.broadcast %jit3A_682 : f32 to vector<200x128xf32>
    %select_n3A_684 = arith.select %lt3A_681, %slice3A_30, %broadcast_in_dim3A_683 : vector<200x128xi1>, vector<200x128xf32>
    %max3A_685 = arith.maximumf %max3A_680, %select_n3A_684 : vector<200x128xf32>
    %lt3A_686 = arith.cmpf olt, %slice3A_31, %max3A_553 : vector<200x128xf32>
    %jit3A_687 = arith.constant -3.000000e+38 : f32
    %broadcast_in_dim3A_688 = vector.broadcast %jit3A_687 : f32 to vector<200x128xf32>
    %select_n3A_689 = arith.select %lt3A_686, %slice3A_31, %broadcast_in_dim3A_688 : vector<200x128xi1>, vector<200x128xf32>
    %max3A_690 = arith.maximumf %max3A_685, %select_n3A_689 : vector<200x128xf32>
    %lt3A_691 = arith.cmpf olt, %slice3A_32, %max3A_553 : vector<200x128xf32>
    %jit3A_692 = arith.constant -3.000000e+38 : f32
    %broadcast_in_dim3A_693 = vector.broadcast %jit3A_692 : f32 to vector<200x128xf32>
    %select_n3A_694 = arith.select %lt3A_691, %slice3A_32, %broadcast_in_dim3A_693 : vector<200x128xi1>, vector<200x128xf32>
    %max3A_695 = arith.maximumf %max3A_690, %select_n3A_694 : vector<200x128xf32>
    %lt3A_696 = arith.cmpf olt, %slice3A_33, %max3A_553 : vector<200x128xf32>
    %jit3A_697 = arith.constant -3.000000e+38 : f32
    %broadcast_in_dim3A_698 = vector.broadcast %jit3A_697 : f32 to vector<200x128xf32>
    %select_n3A_699 = arith.select %lt3A_696, %slice3A_33, %broadcast_in_dim3A_698 : vector<200x128xi1>, vector<200x128xf32>
    %max3A_700 = arith.maximumf %max3A_695, %select_n3A_699 : vector<200x128xf32>
    %lt3A_701 = arith.cmpf olt, %slice3A_34, %max3A_553 : vector<200x128xf32>
    %jit3A_702 = arith.constant -3.000000e+38 : f32
    %broadcast_in_dim3A_703 = vector.broadcast %jit3A_702 : f32 to vector<200x128xf32>
    %select_n3A_704 = arith.select %lt3A_701, %slice3A_34, %broadcast_in_dim3A_703 : vector<200x128xi1>, vector<200x128xf32>
    %max3A_705 = arith.maximumf %max3A_700, %select_n3A_704 : vector<200x128xf32>
    %lt3A_706 = arith.cmpf olt, %slice3A_35, %max3A_553 : vector<200x128xf32>
    %jit3A_707 = arith.constant -3.000000e+38 : f32
    %broadcast_in_dim3A_708 = vector.broadcast %jit3A_707 : f32 to vector<200x128xf32>
    %select_n3A_709 = arith.select %lt3A_706, %slice3A_35, %broadcast_in_dim3A_708 : vector<200x128xi1>, vector<200x128xf32>
    %max3A_710 = arith.maximumf %max3A_705, %select_n3A_709 : vector<200x128xf32>
    %lt3A_711 = arith.cmpf olt, %slice3A_36, %max3A_553 : vector<200x128xf32>
    %jit3A_712 = arith.constant -3.000000e+38 : f32
    %broadcast_in_dim3A_713 = vector.broadcast %jit3A_712 : f32 to vector<200x128xf32>
    %select_n3A_714 = arith.select %lt3A_711, %slice3A_36, %broadcast_in_dim3A_713 : vector<200x128xi1>, vector<200x128xf32>
    %max3A_715 = arith.maximumf %max3A_710, %select_n3A_714 : vector<200x128xf32>
    %lt3A_716 = arith.cmpf olt, %slice3A_37, %max3A_553 : vector<200x128xf32>
    %jit3A_717 = arith.constant -3.000000e+38 : f32
    %broadcast_in_dim3A_718 = vector.broadcast %jit3A_717 : f32 to vector<200x128xf32>
    %select_n3A_719 = arith.select %lt3A_716, %slice3A_37, %broadcast_in_dim3A_718 : vector<200x128xi1>, vector<200x128xf32>
    %max3A_720 = arith.maximumf %max3A_715, %select_n3A_719 : vector<200x128xf32>
    %lt3A_721 = arith.cmpf olt, %slice3A_38, %max3A_553 : vector<200x128xf32>
    %jit3A_722 = arith.constant -3.000000e+38 : f32
    %broadcast_in_dim3A_723 = vector.broadcast %jit3A_722 : f32 to vector<200x128xf32>
    %select_n3A_724 = arith.select %lt3A_721, %slice3A_38, %broadcast_in_dim3A_723 : vector<200x128xi1>, vector<200x128xf32>
    %max3A_725 = arith.maximumf %max3A_720, %select_n3A_724 : vector<200x128xf32>
    %lt3A_726 = arith.cmpf olt, %slice3A_39, %max3A_553 : vector<200x128xf32>
    %jit3A_727 = arith.constant -3.000000e+38 : f32
    %broadcast_in_dim3A_728 = vector.broadcast %jit3A_727 : f32 to vector<200x128xf32>
    %select_n3A_729 = arith.select %lt3A_726, %slice3A_39, %broadcast_in_dim3A_728 : vector<200x128xi1>, vector<200x128xf32>
    %max3A_730 = arith.maximumf %max3A_725, %select_n3A_729 : vector<200x128xf32>
    %lt3A_731 = arith.cmpf olt, %slice3A_40, %max3A_553 : vector<200x128xf32>
    %jit3A_732 = arith.constant -3.000000e+38 : f32
    %broadcast_in_dim3A_733 = vector.broadcast %jit3A_732 : f32 to vector<200x128xf32>
    %select_n3A_734 = arith.select %lt3A_731, %slice3A_40, %broadcast_in_dim3A_733 : vector<200x128xi1>, vector<200x128xf32>
    %max3A_735 = arith.maximumf %max3A_730, %select_n3A_734 : vector<200x128xf32>
    %lt3A_736 = arith.cmpf olt, %slice3A_41, %max3A_553 : vector<200x128xf32>
    %jit3A_737 = arith.constant -3.000000e+38 : f32
    %broadcast_in_dim3A_738 = vector.broadcast %jit3A_737 : f32 to vector<200x128xf32>
    %select_n3A_739 = arith.select %lt3A_736, %slice3A_41, %broadcast_in_dim3A_738 : vector<200x128xi1>, vector<200x128xf32>
    %max3A_740 = arith.maximumf %max3A_735, %select_n3A_739 : vector<200x128xf32>
    %lt3A_741 = arith.cmpf olt, %slice3A_42, %max3A_553 : vector<200x128xf32>
    %jit3A_742 = arith.constant -3.000000e+38 : f32
    %broadcast_in_dim3A_743 = vector.broadcast %jit3A_742 : f32 to vector<200x128xf32>
    %select_n3A_744 = arith.select %lt3A_741, %slice3A_42, %broadcast_in_dim3A_743 : vector<200x128xi1>, vector<200x128xf32>
    %max3A_745 = arith.maximumf %max3A_740, %select_n3A_744 : vector<200x128xf32>
    %lt3A_746 = arith.cmpf olt, %slice3A_43, %max3A_553 : vector<200x128xf32>
    %jit3A_747 = arith.constant -3.000000e+38 : f32
    %broadcast_in_dim3A_748 = vector.broadcast %jit3A_747 : f32 to vector<200x128xf32>
    %select_n3A_749 = arith.select %lt3A_746, %slice3A_43, %broadcast_in_dim3A_748 : vector<200x128xi1>, vector<200x128xf32>
    %max3A_750 = arith.maximumf %max3A_745, %select_n3A_749 : vector<200x128xf32>
    %lt3A_751 = arith.cmpf olt, %slice3A_44, %max3A_553 : vector<200x128xf32>
    %jit3A_752 = arith.constant -3.000000e+38 : f32
    %broadcast_in_dim3A_753 = vector.broadcast %jit3A_752 : f32 to vector<200x128xf32>
    %select_n3A_754 = arith.select %lt3A_751, %slice3A_44, %broadcast_in_dim3A_753 : vector<200x128xi1>, vector<200x128xf32>
    %max3A_755 = arith.maximumf %max3A_750, %select_n3A_754 : vector<200x128xf32>
    %lt3A_756 = arith.cmpf olt, %slice3A_45, %max3A_553 : vector<200x128xf32>
    %jit3A_757 = arith.constant -3.000000e+38 : f32
    %broadcast_in_dim3A_758 = vector.broadcast %jit3A_757 : f32 to vector<200x128xf32>
    %select_n3A_759 = arith.select %lt3A_756, %slice3A_45, %broadcast_in_dim3A_758 : vector<200x128xi1>, vector<200x128xf32>
    %max3A_760 = arith.maximumf %max3A_755, %select_n3A_759 : vector<200x128xf32>
    %lt3A_761 = arith.cmpf olt, %slice3A_46, %max3A_553 : vector<200x128xf32>
    %jit3A_762 = arith.constant -3.000000e+38 : f32
    %broadcast_in_dim3A_763 = vector.broadcast %jit3A_762 : f32 to vector<200x128xf32>
    %select_n3A_764 = arith.select %lt3A_761, %slice3A_46, %broadcast_in_dim3A_763 : vector<200x128xi1>, vector<200x128xf32>
    %max3A_765 = arith.maximumf %max3A_760, %select_n3A_764 : vector<200x128xf32>
    %lt3A_766 = arith.cmpf olt, %slice3A_47, %max3A_553 : vector<200x128xf32>
    %jit3A_767 = arith.constant -3.000000e+38 : f32
    %broadcast_in_dim3A_768 = vector.broadcast %jit3A_767 : f32 to vector<200x128xf32>
    %select_n3A_769 = arith.select %lt3A_766, %slice3A_47, %broadcast_in_dim3A_768 : vector<200x128xi1>, vector<200x128xf32>
    %max3A_770 = arith.maximumf %max3A_765, %select_n3A_769 : vector<200x128xf32>
    %lt3A_771 = arith.cmpf olt, %slice3A_48, %max3A_553 : vector<200x128xf32>
    %jit3A_772 = arith.constant -3.000000e+38 : f32
    %broadcast_in_dim3A_773 = vector.broadcast %jit3A_772 : f32 to vector<200x128xf32>
    %select_n3A_774 = arith.select %lt3A_771, %slice3A_48, %broadcast_in_dim3A_773 : vector<200x128xi1>, vector<200x128xf32>
    %max3A_775 = arith.maximumf %max3A_770, %select_n3A_774 : vector<200x128xf32>
    %lt3A_776 = arith.cmpf olt, %slice3A_49, %max3A_553 : vector<200x128xf32>
    %jit3A_777 = arith.constant -3.000000e+38 : f32
    %broadcast_in_dim3A_778 = vector.broadcast %jit3A_777 : f32 to vector<200x128xf32>
    %select_n3A_779 = arith.select %lt3A_776, %slice3A_49, %broadcast_in_dim3A_778 : vector<200x128xi1>, vector<200x128xf32>
    %max3A_780 = arith.maximumf %max3A_775, %select_n3A_779 : vector<200x128xf32>
    %lt3A_781 = arith.cmpf olt, %slice3A_50, %max3A_553 : vector<200x128xf32>
    %jit3A_782 = arith.constant -3.000000e+38 : f32
    %broadcast_in_dim3A_783 = vector.broadcast %jit3A_782 : f32 to vector<200x128xf32>
    %select_n3A_784 = arith.select %lt3A_781, %slice3A_50, %broadcast_in_dim3A_783 : vector<200x128xi1>, vector<200x128xf32>
    %max3A_785 = arith.maximumf %max3A_780, %select_n3A_784 : vector<200x128xf32>
    %lt3A_786 = arith.cmpf olt, %slice3A_51, %max3A_553 : vector<200x128xf32>
    %jit3A_787 = arith.constant -3.000000e+38 : f32
    %broadcast_in_dim3A_788 = vector.broadcast %jit3A_787 : f32 to vector<200x128xf32>
    %select_n3A_789 = arith.select %lt3A_786, %slice3A_51, %broadcast_in_dim3A_788 : vector<200x128xi1>, vector<200x128xf32>
    %max3A_790 = arith.maximumf %max3A_785, %select_n3A_789 : vector<200x128xf32>
    %lt3A_791 = arith.cmpf olt, %slice3A_52, %max3A_553 : vector<200x128xf32>
    %jit3A_792 = arith.constant -3.000000e+38 : f32
    %broadcast_in_dim3A_793 = vector.broadcast %jit3A_792 : f32 to vector<200x128xf32>
    %select_n3A_794 = arith.select %lt3A_791, %slice3A_52, %broadcast_in_dim3A_793 : vector<200x128xi1>, vector<200x128xf32>
    %max3A_795 = arith.maximumf %max3A_790, %select_n3A_794 : vector<200x128xf32>
    %lt3A_796 = arith.cmpf olt, %slice3A_53, %max3A_553 : vector<200x128xf32>
    %jit3A_797 = arith.constant -3.000000e+38 : f32
    %broadcast_in_dim3A_798 = vector.broadcast %jit3A_797 : f32 to vector<200x128xf32>
    %select_n3A_799 = arith.select %lt3A_796, %slice3A_53, %broadcast_in_dim3A_798 : vector<200x128xi1>, vector<200x128xf32>
    %max3A_800 = arith.maximumf %max3A_795, %select_n3A_799 : vector<200x128xf32>
    %lt3A_801 = arith.cmpf olt, %slice3A_54, %max3A_553 : vector<200x128xf32>
    %jit3A_802 = arith.constant -3.000000e+38 : f32
    %broadcast_in_dim3A_803 = vector.broadcast %jit3A_802 : f32 to vector<200x128xf32>
    %select_n3A_804 = arith.select %lt3A_801, %slice3A_54, %broadcast_in_dim3A_803 : vector<200x128xi1>, vector<200x128xf32>
    %max3A_805 = arith.maximumf %max3A_800, %select_n3A_804 : vector<200x128xf32>
    %lt3A_806 = arith.cmpf olt, %slice3A_55, %max3A_553 : vector<200x128xf32>
    %jit3A_807 = arith.constant -3.000000e+38 : f32
    %broadcast_in_dim3A_808 = vector.broadcast %jit3A_807 : f32 to vector<200x128xf32>
    %select_n3A_809 = arith.select %lt3A_806, %slice3A_55, %broadcast_in_dim3A_808 : vector<200x128xi1>, vector<200x128xf32>
    %max3A_810 = arith.maximumf %max3A_805, %select_n3A_809 : vector<200x128xf32>
    %lt3A_811 = arith.cmpf olt, %slice3A_56, %max3A_553 : vector<200x128xf32>
    %jit3A_812 = arith.constant -3.000000e+38 : f32
    %broadcast_in_dim3A_813 = vector.broadcast %jit3A_812 : f32 to vector<200x128xf32>
    %select_n3A_814 = arith.select %lt3A_811, %slice3A_56, %broadcast_in_dim3A_813 : vector<200x128xi1>, vector<200x128xf32>
    %max3A_815 = arith.maximumf %max3A_810, %select_n3A_814 : vector<200x128xf32>
    %lt3A_816 = arith.cmpf olt, %slice3A_57, %max3A_553 : vector<200x128xf32>
    %jit3A_817 = arith.constant -3.000000e+38 : f32
    %broadcast_in_dim3A_818 = vector.broadcast %jit3A_817 : f32 to vector<200x128xf32>
    %select_n3A_819 = arith.select %lt3A_816, %slice3A_57, %broadcast_in_dim3A_818 : vector<200x128xi1>, vector<200x128xf32>
    %max3A_820 = arith.maximumf %max3A_815, %select_n3A_819 : vector<200x128xf32>
    %lt3A_821 = arith.cmpf olt, %slice3A_58, %max3A_553 : vector<200x128xf32>
    %jit3A_822 = arith.constant -3.000000e+38 : f32
    %broadcast_in_dim3A_823 = vector.broadcast %jit3A_822 : f32 to vector<200x128xf32>
    %select_n3A_824 = arith.select %lt3A_821, %slice3A_58, %broadcast_in_dim3A_823 : vector<200x128xi1>, vector<200x128xf32>
    %max3A_825 = arith.maximumf %max3A_820, %select_n3A_824 : vector<200x128xf32>
    %lt3A_826 = arith.cmpf olt, %slice3A_59, %max3A_553 : vector<200x128xf32>
    %jit3A_827 = arith.constant -3.000000e+38 : f32
    %broadcast_in_dim3A_828 = vector.broadcast %jit3A_827 : f32 to vector<200x128xf32>
    %select_n3A_829 = arith.select %lt3A_826, %slice3A_59, %broadcast_in_dim3A_828 : vector<200x128xi1>, vector<200x128xf32>
    %max3A_830 = arith.maximumf %max3A_825, %select_n3A_829 : vector<200x128xf32>
    %lt3A_831 = arith.cmpf olt, %slice3A_60, %max3A_553 : vector<200x128xf32>
    %jit3A_832 = arith.constant -3.000000e+38 : f32
    %broadcast_in_dim3A_833 = vector.broadcast %jit3A_832 : f32 to vector<200x128xf32>
    %select_n3A_834 = arith.select %lt3A_831, %slice3A_60, %broadcast_in_dim3A_833 : vector<200x128xi1>, vector<200x128xf32>
    %max3A_835 = arith.maximumf %max3A_830, %select_n3A_834 : vector<200x128xf32>
    %lt3A_836 = arith.cmpf olt, %slice3A_61, %max3A_553 : vector<200x128xf32>
    %jit3A_837 = arith.constant -3.000000e+38 : f32
    %broadcast_in_dim3A_838 = vector.broadcast %jit3A_837 : f32 to vector<200x128xf32>
    %select_n3A_839 = arith.select %lt3A_836, %slice3A_61, %broadcast_in_dim3A_838 : vector<200x128xi1>, vector<200x128xf32>
    %max3A_840 = arith.maximumf %max3A_835, %select_n3A_839 : vector<200x128xf32>
    %lt3A_841 = arith.cmpf olt, %slice3A_62, %max3A_553 : vector<200x128xf32>
    %jit3A_842 = arith.constant -3.000000e+38 : f32
    %broadcast_in_dim3A_843 = vector.broadcast %jit3A_842 : f32 to vector<200x128xf32>
    %select_n3A_844 = arith.select %lt3A_841, %slice3A_62, %broadcast_in_dim3A_843 : vector<200x128xi1>, vector<200x128xf32>
    %max3A_845 = arith.maximumf %max3A_840, %select_n3A_844 : vector<200x128xf32>
    %lt3A_846 = arith.cmpf olt, %slice3A_63, %max3A_553 : vector<200x128xf32>
    %jit3A_847 = arith.constant -3.000000e+38 : f32
    %broadcast_in_dim3A_848 = vector.broadcast %jit3A_847 : f32 to vector<200x128xf32>
    %select_n3A_849 = arith.select %lt3A_846, %slice3A_63, %broadcast_in_dim3A_848 : vector<200x128xi1>, vector<200x128xf32>
    %max3A_850 = arith.maximumf %max3A_845, %select_n3A_849 : vector<200x128xf32>
    %lt3A_851 = arith.cmpf olt, %slice3A_64, %max3A_553 : vector<200x128xf32>
    %jit3A_852 = arith.constant -3.000000e+38 : f32
    %broadcast_in_dim3A_853 = vector.broadcast %jit3A_852 : f32 to vector<200x128xf32>
    %select_n3A_854 = arith.select %lt3A_851, %slice3A_64, %broadcast_in_dim3A_853 : vector<200x128xi1>, vector<200x128xf32>
    %max3A_855 = arith.maximumf %max3A_850, %select_n3A_854 : vector<200x128xf32>
    %lt3A_856 = arith.cmpf olt, %slice3A_65, %max3A_553 : vector<200x128xf32>
    %jit3A_857 = arith.constant -3.000000e+38 : f32
    %broadcast_in_dim3A_858 = vector.broadcast %jit3A_857 : f32 to vector<200x128xf32>
    %select_n3A_859 = arith.select %lt3A_856, %slice3A_65, %broadcast_in_dim3A_858 : vector<200x128xi1>, vector<200x128xf32>
    %max3A_860 = arith.maximumf %max3A_855, %select_n3A_859 : vector<200x128xf32>
    %lt3A_861 = arith.cmpf olt, %slice3A_66, %max3A_553 : vector<200x128xf32>
    %jit3A_862 = arith.constant -3.000000e+38 : f32
    %broadcast_in_dim3A_863 = vector.broadcast %jit3A_862 : f32 to vector<200x128xf32>
    %select_n3A_864 = arith.select %lt3A_861, %slice3A_66, %broadcast_in_dim3A_863 : vector<200x128xi1>, vector<200x128xf32>
    %max3A_865 = arith.maximumf %max3A_860, %select_n3A_864 : vector<200x128xf32>
    %lt3A_866 = arith.cmpf olt, %slice3A_67, %max3A_553 : vector<200x128xf32>
    %jit3A_867 = arith.constant -3.000000e+38 : f32
    %broadcast_in_dim3A_868 = vector.broadcast %jit3A_867 : f32 to vector<200x128xf32>
    %select_n3A_869 = arith.select %lt3A_866, %slice3A_67, %broadcast_in_dim3A_868 : vector<200x128xi1>, vector<200x128xf32>
    %max3A_870 = arith.maximumf %max3A_865, %select_n3A_869 : vector<200x128xf32>
    %lt3A_871 = arith.cmpf olt, %slice3A_68, %max3A_553 : vector<200x128xf32>
    %jit3A_872 = arith.constant -3.000000e+38 : f32
    %broadcast_in_dim3A_873 = vector.broadcast %jit3A_872 : f32 to vector<200x128xf32>
    %select_n3A_874 = arith.select %lt3A_871, %slice3A_68, %broadcast_in_dim3A_873 : vector<200x128xi1>, vector<200x128xf32>
    %max3A_875 = arith.maximumf %max3A_870, %select_n3A_874 : vector<200x128xf32>
    %lt3A_876 = arith.cmpf olt, %slice3A_69, %max3A_553 : vector<200x128xf32>
    %jit3A_877 = arith.constant -3.000000e+38 : f32
    %broadcast_in_dim3A_878 = vector.broadcast %jit3A_877 : f32 to vector<200x128xf32>
    %select_n3A_879 = arith.select %lt3A_876, %slice3A_69, %broadcast_in_dim3A_878 : vector<200x128xi1>, vector<200x128xf32>
    %max3A_880 = arith.maximumf %max3A_875, %select_n3A_879 : vector<200x128xf32>
    %lt3A_881 = arith.cmpf olt, %slice3A_70, %max3A_553 : vector<200x128xf32>
    %jit3A_882 = arith.constant -3.000000e+38 : f32
    %broadcast_in_dim3A_883 = vector.broadcast %jit3A_882 : f32 to vector<200x128xf32>
    %select_n3A_884 = arith.select %lt3A_881, %slice3A_70, %broadcast_in_dim3A_883 : vector<200x128xi1>, vector<200x128xf32>
    %max3A_885 = arith.maximumf %max3A_880, %select_n3A_884 : vector<200x128xf32>
    %lt3A_886 = arith.cmpf olt, %slice3A_71, %max3A_553 : vector<200x128xf32>
    %jit3A_887 = arith.constant -3.000000e+38 : f32
    %broadcast_in_dim3A_888 = vector.broadcast %jit3A_887 : f32 to vector<200x128xf32>
    %select_n3A_889 = arith.select %lt3A_886, %slice3A_71, %broadcast_in_dim3A_888 : vector<200x128xi1>, vector<200x128xf32>
    %max3A_890 = arith.maximumf %max3A_885, %select_n3A_889 : vector<200x128xf32>
    %lt3A_891 = arith.cmpf olt, %slice3A_72, %max3A_553 : vector<200x128xf32>
    %jit3A_892 = arith.constant -3.000000e+38 : f32
    %broadcast_in_dim3A_893 = vector.broadcast %jit3A_892 : f32 to vector<200x128xf32>
    %select_n3A_894 = arith.select %lt3A_891, %slice3A_72, %broadcast_in_dim3A_893 : vector<200x128xi1>, vector<200x128xf32>
    %max3A_895 = arith.maximumf %max3A_890, %select_n3A_894 : vector<200x128xf32>
    %lt3A_896 = arith.cmpf olt, %slice3A_73, %max3A_553 : vector<200x128xf32>
    %jit3A_897 = arith.constant -3.000000e+38 : f32
    %broadcast_in_dim3A_898 = vector.broadcast %jit3A_897 : f32 to vector<200x128xf32>
    %select_n3A_899 = arith.select %lt3A_896, %slice3A_73, %broadcast_in_dim3A_898 : vector<200x128xi1>, vector<200x128xf32>
    %max3A_900 = arith.maximumf %max3A_895, %select_n3A_899 : vector<200x128xf32>
    %lt3A_901 = arith.cmpf olt, %slice3A_74, %max3A_553 : vector<200x128xf32>
    %jit3A_902 = arith.constant -3.000000e+38 : f32
    %broadcast_in_dim3A_903 = vector.broadcast %jit3A_902 : f32 to vector<200x128xf32>
    %select_n3A_904 = arith.select %lt3A_901, %slice3A_74, %broadcast_in_dim3A_903 : vector<200x128xi1>, vector<200x128xf32>
    %max3A_905 = arith.maximumf %max3A_900, %select_n3A_904 : vector<200x128xf32>
    %lt3A_906 = arith.cmpf olt, %slice3A_75, %max3A_553 : vector<200x128xf32>
    %jit3A_907 = arith.constant -3.000000e+38 : f32
    %broadcast_in_dim3A_908 = vector.broadcast %jit3A_907 : f32 to vector<200x128xf32>
    %select_n3A_909 = arith.select %lt3A_906, %slice3A_75, %broadcast_in_dim3A_908 : vector<200x128xi1>, vector<200x128xf32>
    %max3A_910 = arith.maximumf %max3A_905, %select_n3A_909 : vector<200x128xf32>
    %lt3A_911 = arith.cmpf olt, %slice3A_76, %max3A_553 : vector<200x128xf32>
    %jit3A_912 = arith.constant -3.000000e+38 : f32
    %broadcast_in_dim3A_913 = vector.broadcast %jit3A_912 : f32 to vector<200x128xf32>
    %select_n3A_914 = arith.select %lt3A_911, %slice3A_76, %broadcast_in_dim3A_913 : vector<200x128xi1>, vector<200x128xf32>
    %max3A_915 = arith.maximumf %max3A_910, %select_n3A_914 : vector<200x128xf32>
    %lt3A_916 = arith.cmpf olt, %slice3A_77, %max3A_553 : vector<200x128xf32>
    %jit3A_917 = arith.constant -3.000000e+38 : f32
    %broadcast_in_dim3A_918 = vector.broadcast %jit3A_917 : f32 to vector<200x128xf32>
    %select_n3A_919 = arith.select %lt3A_916, %slice3A_77, %broadcast_in_dim3A_918 : vector<200x128xi1>, vector<200x128xf32>
    %max3A_920 = arith.maximumf %max3A_915, %select_n3A_919 : vector<200x128xf32>
    %lt3A_921 = arith.cmpf olt, %slice3A_78, %max3A_553 : vector<200x128xf32>
    %jit3A_922 = arith.constant -3.000000e+38 : f32
    %broadcast_in_dim3A_923 = vector.broadcast %jit3A_922 : f32 to vector<200x128xf32>
    %select_n3A_924 = arith.select %lt3A_921, %slice3A_78, %broadcast_in_dim3A_923 : vector<200x128xi1>, vector<200x128xf32>
    %max3A_925 = arith.maximumf %max3A_920, %select_n3A_924 : vector<200x128xf32>
    %lt3A_926 = arith.cmpf olt, %slice3A_79, %max3A_553 : vector<200x128xf32>
    %jit3A_927 = arith.constant -3.000000e+38 : f32
    %broadcast_in_dim3A_928 = vector.broadcast %jit3A_927 : f32 to vector<200x128xf32>
    %select_n3A_929 = arith.select %lt3A_926, %slice3A_79, %broadcast_in_dim3A_928 : vector<200x128xi1>, vector<200x128xf32>
    %max3A_930 = arith.maximumf %max3A_925, %select_n3A_929 : vector<200x128xf32>
    %lt3A_931 = arith.cmpf olt, %slice3A_80, %max3A_553 : vector<200x128xf32>
    %jit3A_932 = arith.constant -3.000000e+38 : f32
    %broadcast_in_dim3A_933 = vector.broadcast %jit3A_932 : f32 to vector<200x128xf32>
    %select_n3A_934 = arith.select %lt3A_931, %slice3A_80, %broadcast_in_dim3A_933 : vector<200x128xi1>, vector<200x128xf32>
    %max3A_935 = arith.maximumf %max3A_930, %select_n3A_934 : vector<200x128xf32>
    %lt3A_936 = arith.cmpf olt, %slice3A_81, %max3A_553 : vector<200x128xf32>
    %jit3A_937 = arith.constant -3.000000e+38 : f32
    %broadcast_in_dim3A_938 = vector.broadcast %jit3A_937 : f32 to vector<200x128xf32>
    %select_n3A_939 = arith.select %lt3A_936, %slice3A_81, %broadcast_in_dim3A_938 : vector<200x128xi1>, vector<200x128xf32>
    %max3A_940 = arith.maximumf %max3A_935, %select_n3A_939 : vector<200x128xf32>
    %lt3A_941 = arith.cmpf olt, %slice3A_82, %max3A_553 : vector<200x128xf32>
    %jit3A_942 = arith.constant -3.000000e+38 : f32
    %broadcast_in_dim3A_943 = vector.broadcast %jit3A_942 : f32 to vector<200x128xf32>
    %select_n3A_944 = arith.select %lt3A_941, %slice3A_82, %broadcast_in_dim3A_943 : vector<200x128xi1>, vector<200x128xf32>
    %max3A_945 = arith.maximumf %max3A_940, %select_n3A_944 : vector<200x128xf32>
    %lt3A_946 = arith.cmpf olt, %slice3A_83, %max3A_553 : vector<200x128xf32>
    %jit3A_947 = arith.constant -3.000000e+38 : f32
    %broadcast_in_dim3A_948 = vector.broadcast %jit3A_947 : f32 to vector<200x128xf32>
    %select_n3A_949 = arith.select %lt3A_946, %slice3A_83, %broadcast_in_dim3A_948 : vector<200x128xi1>, vector<200x128xf32>
    %max3A_950 = arith.maximumf %max3A_945, %select_n3A_949 : vector<200x128xf32>
    %broadcast_in_dim3A_951 = arith.constant -3.000000e+38 : f32
    %broadcast_in_dim3A_952 = vector.broadcast %broadcast_in_dim3A_951 : f32 to vector<200x128xf32>
    %lt3A_953 = arith.cmpf olt, %slice3A, %max3A_950 : vector<200x128xf32>
    %jit3A_954 = arith.constant -3.000000e+38 : f32
    %broadcast_in_dim3A_955 = vector.broadcast %jit3A_954 : f32 to vector<200x128xf32>
    %select_n3A_956 = arith.select %lt3A_953, %slice3A, %broadcast_in_dim3A_955 : vector<200x128xi1>, vector<200x128xf32>
    %max3A_957 = arith.maximumf %broadcast_in_dim3A_952, %select_n3A_956 : vector<200x128xf32>
    %lt3A_958 = arith.cmpf olt, %slice3A_6, %max3A_950 : vector<200x128xf32>
    %jit3A_959 = arith.constant -3.000000e+38 : f32
    %broadcast_in_dim3A_960 = vector.broadcast %jit3A_959 : f32 to vector<200x128xf32>
    %select_n3A_961 = arith.select %lt3A_958, %slice3A_6, %broadcast_in_dim3A_960 : vector<200x128xi1>, vector<200x128xf32>
    %max3A_962 = arith.maximumf %max3A_957, %select_n3A_961 : vector<200x128xf32>
    %lt3A_963 = arith.cmpf olt, %slice3A_7, %max3A_950 : vector<200x128xf32>
    %jit3A_964 = arith.constant -3.000000e+38 : f32
    %broadcast_in_dim3A_965 = vector.broadcast %jit3A_964 : f32 to vector<200x128xf32>
    %select_n3A_966 = arith.select %lt3A_963, %slice3A_7, %broadcast_in_dim3A_965 : vector<200x128xi1>, vector<200x128xf32>
    %max3A_967 = arith.maximumf %max3A_962, %select_n3A_966 : vector<200x128xf32>
    %lt3A_968 = arith.cmpf olt, %slice3A_8, %max3A_950 : vector<200x128xf32>
    %jit3A_969 = arith.constant -3.000000e+38 : f32
    %broadcast_in_dim3A_970 = vector.broadcast %jit3A_969 : f32 to vector<200x128xf32>
    %select_n3A_971 = arith.select %lt3A_968, %slice3A_8, %broadcast_in_dim3A_970 : vector<200x128xi1>, vector<200x128xf32>
    %max3A_972 = arith.maximumf %max3A_967, %select_n3A_971 : vector<200x128xf32>
    %lt3A_973 = arith.cmpf olt, %slice3A_9, %max3A_950 : vector<200x128xf32>
    %jit3A_974 = arith.constant -3.000000e+38 : f32
    %broadcast_in_dim3A_975 = vector.broadcast %jit3A_974 : f32 to vector<200x128xf32>
    %select_n3A_976 = arith.select %lt3A_973, %slice3A_9, %broadcast_in_dim3A_975 : vector<200x128xi1>, vector<200x128xf32>
    %max3A_977 = arith.maximumf %max3A_972, %select_n3A_976 : vector<200x128xf32>
    %lt3A_978 = arith.cmpf olt, %slice3A_10, %max3A_950 : vector<200x128xf32>
    %jit3A_979 = arith.constant -3.000000e+38 : f32
    %broadcast_in_dim3A_980 = vector.broadcast %jit3A_979 : f32 to vector<200x128xf32>
    %select_n3A_981 = arith.select %lt3A_978, %slice3A_10, %broadcast_in_dim3A_980 : vector<200x128xi1>, vector<200x128xf32>
    %max3A_982 = arith.maximumf %max3A_977, %select_n3A_981 : vector<200x128xf32>
    %lt3A_983 = arith.cmpf olt, %slice3A_11, %max3A_950 : vector<200x128xf32>
    %jit3A_984 = arith.constant -3.000000e+38 : f32
    %broadcast_in_dim3A_985 = vector.broadcast %jit3A_984 : f32 to vector<200x128xf32>
    %select_n3A_986 = arith.select %lt3A_983, %slice3A_11, %broadcast_in_dim3A_985 : vector<200x128xi1>, vector<200x128xf32>
    %max3A_987 = arith.maximumf %max3A_982, %select_n3A_986 : vector<200x128xf32>
    %lt3A_988 = arith.cmpf olt, %slice3A_12, %max3A_950 : vector<200x128xf32>
    %jit3A_989 = arith.constant -3.000000e+38 : f32
    %broadcast_in_dim3A_990 = vector.broadcast %jit3A_989 : f32 to vector<200x128xf32>
    %select_n3A_991 = arith.select %lt3A_988, %slice3A_12, %broadcast_in_dim3A_990 : vector<200x128xi1>, vector<200x128xf32>
    %max3A_992 = arith.maximumf %max3A_987, %select_n3A_991 : vector<200x128xf32>
    %lt3A_993 = arith.cmpf olt, %slice3A_13, %max3A_950 : vector<200x128xf32>
    %jit3A_994 = arith.constant -3.000000e+38 : f32
    %broadcast_in_dim3A_995 = vector.broadcast %jit3A_994 : f32 to vector<200x128xf32>
    %select_n3A_996 = arith.select %lt3A_993, %slice3A_13, %broadcast_in_dim3A_995 : vector<200x128xi1>, vector<200x128xf32>
    %max3A_997 = arith.maximumf %max3A_992, %select_n3A_996 : vector<200x128xf32>
    %lt3A_998 = arith.cmpf olt, %slice3A_14, %max3A_950 : vector<200x128xf32>
    %jit3A_999 = arith.constant -3.000000e+38 : f32
    %broadcast_in_dim3A_1000 = vector.broadcast %jit3A_999 : f32 to vector<200x128xf32>
    %select_n3A_1001 = arith.select %lt3A_998, %slice3A_14, %broadcast_in_dim3A_1000 : vector<200x128xi1>, vector<200x128xf32>
    %max3A_1002 = arith.maximumf %max3A_997, %select_n3A_1001 : vector<200x128xf32>
    %lt3A_1003 = arith.cmpf olt, %slice3A_15, %max3A_950 : vector<200x128xf32>
    %jit3A_1004 = arith.constant -3.000000e+38 : f32
    %broadcast_in_dim3A_1005 = vector.broadcast %jit3A_1004 : f32 to vector<200x128xf32>
    %select_n3A_1006 = arith.select %lt3A_1003, %slice3A_15, %broadcast_in_dim3A_1005 : vector<200x128xi1>, vector<200x128xf32>
    %max3A_1007 = arith.maximumf %max3A_1002, %select_n3A_1006 : vector<200x128xf32>
    %lt3A_1008 = arith.cmpf olt, %slice3A_16, %max3A_950 : vector<200x128xf32>
    %jit3A_1009 = arith.constant -3.000000e+38 : f32
    %broadcast_in_dim3A_1010 = vector.broadcast %jit3A_1009 : f32 to vector<200x128xf32>
    %select_n3A_1011 = arith.select %lt3A_1008, %slice3A_16, %broadcast_in_dim3A_1010 : vector<200x128xi1>, vector<200x128xf32>
    %max3A_1012 = arith.maximumf %max3A_1007, %select_n3A_1011 : vector<200x128xf32>
    %lt3A_1013 = arith.cmpf olt, %slice3A_17, %max3A_950 : vector<200x128xf32>
    %jit3A_1014 = arith.constant -3.000000e+38 : f32
    %broadcast_in_dim3A_1015 = vector.broadcast %jit3A_1014 : f32 to vector<200x128xf32>
    %select_n3A_1016 = arith.select %lt3A_1013, %slice3A_17, %broadcast_in_dim3A_1015 : vector<200x128xi1>, vector<200x128xf32>
    %max3A_1017 = arith.maximumf %max3A_1012, %select_n3A_1016 : vector<200x128xf32>
    %lt3A_1018 = arith.cmpf olt, %slice3A_18, %max3A_950 : vector<200x128xf32>
    %jit3A_1019 = arith.constant -3.000000e+38 : f32
    %broadcast_in_dim3A_1020 = vector.broadcast %jit3A_1019 : f32 to vector<200x128xf32>
    %select_n3A_1021 = arith.select %lt3A_1018, %slice3A_18, %broadcast_in_dim3A_1020 : vector<200x128xi1>, vector<200x128xf32>
    %max3A_1022 = arith.maximumf %max3A_1017, %select_n3A_1021 : vector<200x128xf32>
    %lt3A_1023 = arith.cmpf olt, %slice3A_19, %max3A_950 : vector<200x128xf32>
    %jit3A_1024 = arith.constant -3.000000e+38 : f32
    %broadcast_in_dim3A_1025 = vector.broadcast %jit3A_1024 : f32 to vector<200x128xf32>
    %select_n3A_1026 = arith.select %lt3A_1023, %slice3A_19, %broadcast_in_dim3A_1025 : vector<200x128xi1>, vector<200x128xf32>
    %max3A_1027 = arith.maximumf %max3A_1022, %select_n3A_1026 : vector<200x128xf32>
    %lt3A_1028 = arith.cmpf olt, %slice3A_20, %max3A_950 : vector<200x128xf32>
    %jit3A_1029 = arith.constant -3.000000e+38 : f32
    %broadcast_in_dim3A_1030 = vector.broadcast %jit3A_1029 : f32 to vector<200x128xf32>
    %select_n3A_1031 = arith.select %lt3A_1028, %slice3A_20, %broadcast_in_dim3A_1030 : vector<200x128xi1>, vector<200x128xf32>
    %max3A_1032 = arith.maximumf %max3A_1027, %select_n3A_1031 : vector<200x128xf32>
    %lt3A_1033 = arith.cmpf olt, %slice3A_21, %max3A_950 : vector<200x128xf32>
    %jit3A_1034 = arith.constant -3.000000e+38 : f32
    %broadcast_in_dim3A_1035 = vector.broadcast %jit3A_1034 : f32 to vector<200x128xf32>
    %select_n3A_1036 = arith.select %lt3A_1033, %slice3A_21, %broadcast_in_dim3A_1035 : vector<200x128xi1>, vector<200x128xf32>
    %max3A_1037 = arith.maximumf %max3A_1032, %select_n3A_1036 : vector<200x128xf32>
    %lt3A_1038 = arith.cmpf olt, %slice3A_22, %max3A_950 : vector<200x128xf32>
    %jit3A_1039 = arith.constant -3.000000e+38 : f32
    %broadcast_in_dim3A_1040 = vector.broadcast %jit3A_1039 : f32 to vector<200x128xf32>
    %select_n3A_1041 = arith.select %lt3A_1038, %slice3A_22, %broadcast_in_dim3A_1040 : vector<200x128xi1>, vector<200x128xf32>
    %max3A_1042 = arith.maximumf %max3A_1037, %select_n3A_1041 : vector<200x128xf32>
    %lt3A_1043 = arith.cmpf olt, %slice3A_23, %max3A_950 : vector<200x128xf32>
    %jit3A_1044 = arith.constant -3.000000e+38 : f32
    %broadcast_in_dim3A_1045 = vector.broadcast %jit3A_1044 : f32 to vector<200x128xf32>
    %select_n3A_1046 = arith.select %lt3A_1043, %slice3A_23, %broadcast_in_dim3A_1045 : vector<200x128xi1>, vector<200x128xf32>
    %max3A_1047 = arith.maximumf %max3A_1042, %select_n3A_1046 : vector<200x128xf32>
    %lt3A_1048 = arith.cmpf olt, %slice3A_24, %max3A_950 : vector<200x128xf32>
    %jit3A_1049 = arith.constant -3.000000e+38 : f32
    %broadcast_in_dim3A_1050 = vector.broadcast %jit3A_1049 : f32 to vector<200x128xf32>
    %select_n3A_1051 = arith.select %lt3A_1048, %slice3A_24, %broadcast_in_dim3A_1050 : vector<200x128xi1>, vector<200x128xf32>
    %max3A_1052 = arith.maximumf %max3A_1047, %select_n3A_1051 : vector<200x128xf32>
    %lt3A_1053 = arith.cmpf olt, %slice3A_25, %max3A_950 : vector<200x128xf32>
    %jit3A_1054 = arith.constant -3.000000e+38 : f32
    %broadcast_in_dim3A_1055 = vector.broadcast %jit3A_1054 : f32 to vector<200x128xf32>
    %select_n3A_1056 = arith.select %lt3A_1053, %slice3A_25, %broadcast_in_dim3A_1055 : vector<200x128xi1>, vector<200x128xf32>
    %max3A_1057 = arith.maximumf %max3A_1052, %select_n3A_1056 : vector<200x128xf32>
    %lt3A_1058 = arith.cmpf olt, %slice3A_26, %max3A_950 : vector<200x128xf32>
    %jit3A_1059 = arith.constant -3.000000e+38 : f32
    %broadcast_in_dim3A_1060 = vector.broadcast %jit3A_1059 : f32 to vector<200x128xf32>
    %select_n3A_1061 = arith.select %lt3A_1058, %slice3A_26, %broadcast_in_dim3A_1060 : vector<200x128xi1>, vector<200x128xf32>
    %max3A_1062 = arith.maximumf %max3A_1057, %select_n3A_1061 : vector<200x128xf32>
    %lt3A_1063 = arith.cmpf olt, %slice3A_27, %max3A_950 : vector<200x128xf32>
    %jit3A_1064 = arith.constant -3.000000e+38 : f32
    %broadcast_in_dim3A_1065 = vector.broadcast %jit3A_1064 : f32 to vector<200x128xf32>
    %select_n3A_1066 = arith.select %lt3A_1063, %slice3A_27, %broadcast_in_dim3A_1065 : vector<200x128xi1>, vector<200x128xf32>
    %max3A_1067 = arith.maximumf %max3A_1062, %select_n3A_1066 : vector<200x128xf32>
    %lt3A_1068 = arith.cmpf olt, %slice3A_28, %max3A_950 : vector<200x128xf32>
    %jit3A_1069 = arith.constant -3.000000e+38 : f32
    %broadcast_in_dim3A_1070 = vector.broadcast %jit3A_1069 : f32 to vector<200x128xf32>
    %select_n3A_1071 = arith.select %lt3A_1068, %slice3A_28, %broadcast_in_dim3A_1070 : vector<200x128xi1>, vector<200x128xf32>
    %max3A_1072 = arith.maximumf %max3A_1067, %select_n3A_1071 : vector<200x128xf32>
    %lt3A_1073 = arith.cmpf olt, %slice3A_29, %max3A_950 : vector<200x128xf32>
    %jit3A_1074 = arith.constant -3.000000e+38 : f32
    %broadcast_in_dim3A_1075 = vector.broadcast %jit3A_1074 : f32 to vector<200x128xf32>
    %select_n3A_1076 = arith.select %lt3A_1073, %slice3A_29, %broadcast_in_dim3A_1075 : vector<200x128xi1>, vector<200x128xf32>
    %max3A_1077 = arith.maximumf %max3A_1072, %select_n3A_1076 : vector<200x128xf32>
    %lt3A_1078 = arith.cmpf olt, %slice3A_30, %max3A_950 : vector<200x128xf32>
    %jit3A_1079 = arith.constant -3.000000e+38 : f32
    %broadcast_in_dim3A_1080 = vector.broadcast %jit3A_1079 : f32 to vector<200x128xf32>
    %select_n3A_1081 = arith.select %lt3A_1078, %slice3A_30, %broadcast_in_dim3A_1080 : vector<200x128xi1>, vector<200x128xf32>
    %max3A_1082 = arith.maximumf %max3A_1077, %select_n3A_1081 : vector<200x128xf32>
    %lt3A_1083 = arith.cmpf olt, %slice3A_31, %max3A_950 : vector<200x128xf32>
    %jit3A_1084 = arith.constant -3.000000e+38 : f32
    %broadcast_in_dim3A_1085 = vector.broadcast %jit3A_1084 : f32 to vector<200x128xf32>
    %select_n3A_1086 = arith.select %lt3A_1083, %slice3A_31, %broadcast_in_dim3A_1085 : vector<200x128xi1>, vector<200x128xf32>
    %max3A_1087 = arith.maximumf %max3A_1082, %select_n3A_1086 : vector<200x128xf32>
    %lt3A_1088 = arith.cmpf olt, %slice3A_32, %max3A_950 : vector<200x128xf32>
    %jit3A_1089 = arith.constant -3.000000e+38 : f32
    %broadcast_in_dim3A_1090 = vector.broadcast %jit3A_1089 : f32 to vector<200x128xf32>
    %select_n3A_1091 = arith.select %lt3A_1088, %slice3A_32, %broadcast_in_dim3A_1090 : vector<200x128xi1>, vector<200x128xf32>
    %max3A_1092 = arith.maximumf %max3A_1087, %select_n3A_1091 : vector<200x128xf32>
    %lt3A_1093 = arith.cmpf olt, %slice3A_33, %max3A_950 : vector<200x128xf32>
    %jit3A_1094 = arith.constant -3.000000e+38 : f32
    %broadcast_in_dim3A_1095 = vector.broadcast %jit3A_1094 : f32 to vector<200x128xf32>
    %select_n3A_1096 = arith.select %lt3A_1093, %slice3A_33, %broadcast_in_dim3A_1095 : vector<200x128xi1>, vector<200x128xf32>
    %max3A_1097 = arith.maximumf %max3A_1092, %select_n3A_1096 : vector<200x128xf32>
    %lt3A_1098 = arith.cmpf olt, %slice3A_34, %max3A_950 : vector<200x128xf32>
    %jit3A_1099 = arith.constant -3.000000e+38 : f32
    %broadcast_in_dim3A_1100 = vector.broadcast %jit3A_1099 : f32 to vector<200x128xf32>
    %select_n3A_1101 = arith.select %lt3A_1098, %slice3A_34, %broadcast_in_dim3A_1100 : vector<200x128xi1>, vector<200x128xf32>
    %max3A_1102 = arith.maximumf %max3A_1097, %select_n3A_1101 : vector<200x128xf32>
    %lt3A_1103 = arith.cmpf olt, %slice3A_35, %max3A_950 : vector<200x128xf32>
    %jit3A_1104 = arith.constant -3.000000e+38 : f32
    %broadcast_in_dim3A_1105 = vector.broadcast %jit3A_1104 : f32 to vector<200x128xf32>
    %select_n3A_1106 = arith.select %lt3A_1103, %slice3A_35, %broadcast_in_dim3A_1105 : vector<200x128xi1>, vector<200x128xf32>
    %max3A_1107 = arith.maximumf %max3A_1102, %select_n3A_1106 : vector<200x128xf32>
    %lt3A_1108 = arith.cmpf olt, %slice3A_36, %max3A_950 : vector<200x128xf32>
    %jit3A_1109 = arith.constant -3.000000e+38 : f32
    %broadcast_in_dim3A_1110 = vector.broadcast %jit3A_1109 : f32 to vector<200x128xf32>
    %select_n3A_1111 = arith.select %lt3A_1108, %slice3A_36, %broadcast_in_dim3A_1110 : vector<200x128xi1>, vector<200x128xf32>
    %max3A_1112 = arith.maximumf %max3A_1107, %select_n3A_1111 : vector<200x128xf32>
    %lt3A_1113 = arith.cmpf olt, %slice3A_37, %max3A_950 : vector<200x128xf32>
    %jit3A_1114 = arith.constant -3.000000e+38 : f32
    %broadcast_in_dim3A_1115 = vector.broadcast %jit3A_1114 : f32 to vector<200x128xf32>
    %select_n3A_1116 = arith.select %lt3A_1113, %slice3A_37, %broadcast_in_dim3A_1115 : vector<200x128xi1>, vector<200x128xf32>
    %max3A_1117 = arith.maximumf %max3A_1112, %select_n3A_1116 : vector<200x128xf32>
    %lt3A_1118 = arith.cmpf olt, %slice3A_38, %max3A_950 : vector<200x128xf32>
    %jit3A_1119 = arith.constant -3.000000e+38 : f32
    %broadcast_in_dim3A_1120 = vector.broadcast %jit3A_1119 : f32 to vector<200x128xf32>
    %select_n3A_1121 = arith.select %lt3A_1118, %slice3A_38, %broadcast_in_dim3A_1120 : vector<200x128xi1>, vector<200x128xf32>
    %max3A_1122 = arith.maximumf %max3A_1117, %select_n3A_1121 : vector<200x128xf32>
    %lt3A_1123 = arith.cmpf olt, %slice3A_39, %max3A_950 : vector<200x128xf32>
    %jit3A_1124 = arith.constant -3.000000e+38 : f32
    %broadcast_in_dim3A_1125 = vector.broadcast %jit3A_1124 : f32 to vector<200x128xf32>
    %select_n3A_1126 = arith.select %lt3A_1123, %slice3A_39, %broadcast_in_dim3A_1125 : vector<200x128xi1>, vector<200x128xf32>
    %max3A_1127 = arith.maximumf %max3A_1122, %select_n3A_1126 : vector<200x128xf32>
    %lt3A_1128 = arith.cmpf olt, %slice3A_40, %max3A_950 : vector<200x128xf32>
    %jit3A_1129 = arith.constant -3.000000e+38 : f32
    %broadcast_in_dim3A_1130 = vector.broadcast %jit3A_1129 : f32 to vector<200x128xf32>
    %select_n3A_1131 = arith.select %lt3A_1128, %slice3A_40, %broadcast_in_dim3A_1130 : vector<200x128xi1>, vector<200x128xf32>
    %max3A_1132 = arith.maximumf %max3A_1127, %select_n3A_1131 : vector<200x128xf32>
    %lt3A_1133 = arith.cmpf olt, %slice3A_41, %max3A_950 : vector<200x128xf32>
    %jit3A_1134 = arith.constant -3.000000e+38 : f32
    %broadcast_in_dim3A_1135 = vector.broadcast %jit3A_1134 : f32 to vector<200x128xf32>
    %select_n3A_1136 = arith.select %lt3A_1133, %slice3A_41, %broadcast_in_dim3A_1135 : vector<200x128xi1>, vector<200x128xf32>
    %max3A_1137 = arith.maximumf %max3A_1132, %select_n3A_1136 : vector<200x128xf32>
    %lt3A_1138 = arith.cmpf olt, %slice3A_42, %max3A_950 : vector<200x128xf32>
    %jit3A_1139 = arith.constant -3.000000e+38 : f32
    %broadcast_in_dim3A_1140 = vector.broadcast %jit3A_1139 : f32 to vector<200x128xf32>
    %select_n3A_1141 = arith.select %lt3A_1138, %slice3A_42, %broadcast_in_dim3A_1140 : vector<200x128xi1>, vector<200x128xf32>
    %max3A_1142 = arith.maximumf %max3A_1137, %select_n3A_1141 : vector<200x128xf32>
    %lt3A_1143 = arith.cmpf olt, %slice3A_43, %max3A_950 : vector<200x128xf32>
    %jit3A_1144 = arith.constant -3.000000e+38 : f32
    %broadcast_in_dim3A_1145 = vector.broadcast %jit3A_1144 : f32 to vector<200x128xf32>
    %select_n3A_1146 = arith.select %lt3A_1143, %slice3A_43, %broadcast_in_dim3A_1145 : vector<200x128xi1>, vector<200x128xf32>
    %max3A_1147 = arith.maximumf %max3A_1142, %select_n3A_1146 : vector<200x128xf32>
    %lt3A_1148 = arith.cmpf olt, %slice3A_44, %max3A_950 : vector<200x128xf32>
    %jit3A_1149 = arith.constant -3.000000e+38 : f32
    %broadcast_in_dim3A_1150 = vector.broadcast %jit3A_1149 : f32 to vector<200x128xf32>
    %select_n3A_1151 = arith.select %lt3A_1148, %slice3A_44, %broadcast_in_dim3A_1150 : vector<200x128xi1>, vector<200x128xf32>
    %max3A_1152 = arith.maximumf %max3A_1147, %select_n3A_1151 : vector<200x128xf32>
    %lt3A_1153 = arith.cmpf olt, %slice3A_45, %max3A_950 : vector<200x128xf32>
    %jit3A_1154 = arith.constant -3.000000e+38 : f32
    %broadcast_in_dim3A_1155 = vector.broadcast %jit3A_1154 : f32 to vector<200x128xf32>
    %select_n3A_1156 = arith.select %lt3A_1153, %slice3A_45, %broadcast_in_dim3A_1155 : vector<200x128xi1>, vector<200x128xf32>
    %max3A_1157 = arith.maximumf %max3A_1152, %select_n3A_1156 : vector<200x128xf32>
    %lt3A_1158 = arith.cmpf olt, %slice3A_46, %max3A_950 : vector<200x128xf32>
    %jit3A_1159 = arith.constant -3.000000e+38 : f32
    %broadcast_in_dim3A_1160 = vector.broadcast %jit3A_1159 : f32 to vector<200x128xf32>
    %select_n3A_1161 = arith.select %lt3A_1158, %slice3A_46, %broadcast_in_dim3A_1160 : vector<200x128xi1>, vector<200x128xf32>
    %max3A_1162 = arith.maximumf %max3A_1157, %select_n3A_1161 : vector<200x128xf32>
    %lt3A_1163 = arith.cmpf olt, %slice3A_47, %max3A_950 : vector<200x128xf32>
    %jit3A_1164 = arith.constant -3.000000e+38 : f32
    %broadcast_in_dim3A_1165 = vector.broadcast %jit3A_1164 : f32 to vector<200x128xf32>
    %select_n3A_1166 = arith.select %lt3A_1163, %slice3A_47, %broadcast_in_dim3A_1165 : vector<200x128xi1>, vector<200x128xf32>
    %max3A_1167 = arith.maximumf %max3A_1162, %select_n3A_1166 : vector<200x128xf32>
    %lt3A_1168 = arith.cmpf olt, %slice3A_48, %max3A_950 : vector<200x128xf32>
    %jit3A_1169 = arith.constant -3.000000e+38 : f32
    %broadcast_in_dim3A_1170 = vector.broadcast %jit3A_1169 : f32 to vector<200x128xf32>
    %select_n3A_1171 = arith.select %lt3A_1168, %slice3A_48, %broadcast_in_dim3A_1170 : vector<200x128xi1>, vector<200x128xf32>
    %max3A_1172 = arith.maximumf %max3A_1167, %select_n3A_1171 : vector<200x128xf32>
    %lt3A_1173 = arith.cmpf olt, %slice3A_49, %max3A_950 : vector<200x128xf32>
    %jit3A_1174 = arith.constant -3.000000e+38 : f32
    %broadcast_in_dim3A_1175 = vector.broadcast %jit3A_1174 : f32 to vector<200x128xf32>
    %select_n3A_1176 = arith.select %lt3A_1173, %slice3A_49, %broadcast_in_dim3A_1175 : vector<200x128xi1>, vector<200x128xf32>
    %max3A_1177 = arith.maximumf %max3A_1172, %select_n3A_1176 : vector<200x128xf32>
    %lt3A_1178 = arith.cmpf olt, %slice3A_50, %max3A_950 : vector<200x128xf32>
    %jit3A_1179 = arith.constant -3.000000e+38 : f32
    %broadcast_in_dim3A_1180 = vector.broadcast %jit3A_1179 : f32 to vector<200x128xf32>
    %select_n3A_1181 = arith.select %lt3A_1178, %slice3A_50, %broadcast_in_dim3A_1180 : vector<200x128xi1>, vector<200x128xf32>
    %max3A_1182 = arith.maximumf %max3A_1177, %select_n3A_1181 : vector<200x128xf32>
    %lt3A_1183 = arith.cmpf olt, %slice3A_51, %max3A_950 : vector<200x128xf32>
    %jit3A_1184 = arith.constant -3.000000e+38 : f32
    %broadcast_in_dim3A_1185 = vector.broadcast %jit3A_1184 : f32 to vector<200x128xf32>
    %select_n3A_1186 = arith.select %lt3A_1183, %slice3A_51, %broadcast_in_dim3A_1185 : vector<200x128xi1>, vector<200x128xf32>
    %max3A_1187 = arith.maximumf %max3A_1182, %select_n3A_1186 : vector<200x128xf32>
    %lt3A_1188 = arith.cmpf olt, %slice3A_52, %max3A_950 : vector<200x128xf32>
    %jit3A_1189 = arith.constant -3.000000e+38 : f32
    %broadcast_in_dim3A_1190 = vector.broadcast %jit3A_1189 : f32 to vector<200x128xf32>
    %select_n3A_1191 = arith.select %lt3A_1188, %slice3A_52, %broadcast_in_dim3A_1190 : vector<200x128xi1>, vector<200x128xf32>
    %max3A_1192 = arith.maximumf %max3A_1187, %select_n3A_1191 : vector<200x128xf32>
    %lt3A_1193 = arith.cmpf olt, %slice3A_53, %max3A_950 : vector<200x128xf32>
    %jit3A_1194 = arith.constant -3.000000e+38 : f32
    %broadcast_in_dim3A_1195 = vector.broadcast %jit3A_1194 : f32 to vector<200x128xf32>
    %select_n3A_1196 = arith.select %lt3A_1193, %slice3A_53, %broadcast_in_dim3A_1195 : vector<200x128xi1>, vector<200x128xf32>
    %max3A_1197 = arith.maximumf %max3A_1192, %select_n3A_1196 : vector<200x128xf32>
    %lt3A_1198 = arith.cmpf olt, %slice3A_54, %max3A_950 : vector<200x128xf32>
    %jit3A_1199 = arith.constant -3.000000e+38 : f32
    %broadcast_in_dim3A_1200 = vector.broadcast %jit3A_1199 : f32 to vector<200x128xf32>
    %select_n3A_1201 = arith.select %lt3A_1198, %slice3A_54, %broadcast_in_dim3A_1200 : vector<200x128xi1>, vector<200x128xf32>
    %max3A_1202 = arith.maximumf %max3A_1197, %select_n3A_1201 : vector<200x128xf32>
    %lt3A_1203 = arith.cmpf olt, %slice3A_55, %max3A_950 : vector<200x128xf32>
    %jit3A_1204 = arith.constant -3.000000e+38 : f32
    %broadcast_in_dim3A_1205 = vector.broadcast %jit3A_1204 : f32 to vector<200x128xf32>
    %select_n3A_1206 = arith.select %lt3A_1203, %slice3A_55, %broadcast_in_dim3A_1205 : vector<200x128xi1>, vector<200x128xf32>
    %max3A_1207 = arith.maximumf %max3A_1202, %select_n3A_1206 : vector<200x128xf32>
    %lt3A_1208 = arith.cmpf olt, %slice3A_56, %max3A_950 : vector<200x128xf32>
    %jit3A_1209 = arith.constant -3.000000e+38 : f32
    %broadcast_in_dim3A_1210 = vector.broadcast %jit3A_1209 : f32 to vector<200x128xf32>
    %select_n3A_1211 = arith.select %lt3A_1208, %slice3A_56, %broadcast_in_dim3A_1210 : vector<200x128xi1>, vector<200x128xf32>
    %max3A_1212 = arith.maximumf %max3A_1207, %select_n3A_1211 : vector<200x128xf32>
    %lt3A_1213 = arith.cmpf olt, %slice3A_57, %max3A_950 : vector<200x128xf32>
    %jit3A_1214 = arith.constant -3.000000e+38 : f32
    %broadcast_in_dim3A_1215 = vector.broadcast %jit3A_1214 : f32 to vector<200x128xf32>
    %select_n3A_1216 = arith.select %lt3A_1213, %slice3A_57, %broadcast_in_dim3A_1215 : vector<200x128xi1>, vector<200x128xf32>
    %max3A_1217 = arith.maximumf %max3A_1212, %select_n3A_1216 : vector<200x128xf32>
    %lt3A_1218 = arith.cmpf olt, %slice3A_58, %max3A_950 : vector<200x128xf32>
    %jit3A_1219 = arith.constant -3.000000e+38 : f32
    %broadcast_in_dim3A_1220 = vector.broadcast %jit3A_1219 : f32 to vector<200x128xf32>
    %select_n3A_1221 = arith.select %lt3A_1218, %slice3A_58, %broadcast_in_dim3A_1220 : vector<200x128xi1>, vector<200x128xf32>
    %max3A_1222 = arith.maximumf %max3A_1217, %select_n3A_1221 : vector<200x128xf32>
    %lt3A_1223 = arith.cmpf olt, %slice3A_59, %max3A_950 : vector<200x128xf32>
    %jit3A_1224 = arith.constant -3.000000e+38 : f32
    %broadcast_in_dim3A_1225 = vector.broadcast %jit3A_1224 : f32 to vector<200x128xf32>
    %select_n3A_1226 = arith.select %lt3A_1223, %slice3A_59, %broadcast_in_dim3A_1225 : vector<200x128xi1>, vector<200x128xf32>
    %max3A_1227 = arith.maximumf %max3A_1222, %select_n3A_1226 : vector<200x128xf32>
    %lt3A_1228 = arith.cmpf olt, %slice3A_60, %max3A_950 : vector<200x128xf32>
    %jit3A_1229 = arith.constant -3.000000e+38 : f32
    %broadcast_in_dim3A_1230 = vector.broadcast %jit3A_1229 : f32 to vector<200x128xf32>
    %select_n3A_1231 = arith.select %lt3A_1228, %slice3A_60, %broadcast_in_dim3A_1230 : vector<200x128xi1>, vector<200x128xf32>
    %max3A_1232 = arith.maximumf %max3A_1227, %select_n3A_1231 : vector<200x128xf32>
    %lt3A_1233 = arith.cmpf olt, %slice3A_61, %max3A_950 : vector<200x128xf32>
    %jit3A_1234 = arith.constant -3.000000e+38 : f32
    %broadcast_in_dim3A_1235 = vector.broadcast %jit3A_1234 : f32 to vector<200x128xf32>
    %select_n3A_1236 = arith.select %lt3A_1233, %slice3A_61, %broadcast_in_dim3A_1235 : vector<200x128xi1>, vector<200x128xf32>
    %max3A_1237 = arith.maximumf %max3A_1232, %select_n3A_1236 : vector<200x128xf32>
    %lt3A_1238 = arith.cmpf olt, %slice3A_62, %max3A_950 : vector<200x128xf32>
    %jit3A_1239 = arith.constant -3.000000e+38 : f32
    %broadcast_in_dim3A_1240 = vector.broadcast %jit3A_1239 : f32 to vector<200x128xf32>
    %select_n3A_1241 = arith.select %lt3A_1238, %slice3A_62, %broadcast_in_dim3A_1240 : vector<200x128xi1>, vector<200x128xf32>
    %max3A_1242 = arith.maximumf %max3A_1237, %select_n3A_1241 : vector<200x128xf32>
    %lt3A_1243 = arith.cmpf olt, %slice3A_63, %max3A_950 : vector<200x128xf32>
    %jit3A_1244 = arith.constant -3.000000e+38 : f32
    %broadcast_in_dim3A_1245 = vector.broadcast %jit3A_1244 : f32 to vector<200x128xf32>
    %select_n3A_1246 = arith.select %lt3A_1243, %slice3A_63, %broadcast_in_dim3A_1245 : vector<200x128xi1>, vector<200x128xf32>
    %max3A_1247 = arith.maximumf %max3A_1242, %select_n3A_1246 : vector<200x128xf32>
    %lt3A_1248 = arith.cmpf olt, %slice3A_64, %max3A_950 : vector<200x128xf32>
    %jit3A_1249 = arith.constant -3.000000e+38 : f32
    %broadcast_in_dim3A_1250 = vector.broadcast %jit3A_1249 : f32 to vector<200x128xf32>
    %select_n3A_1251 = arith.select %lt3A_1248, %slice3A_64, %broadcast_in_dim3A_1250 : vector<200x128xi1>, vector<200x128xf32>
    %max3A_1252 = arith.maximumf %max3A_1247, %select_n3A_1251 : vector<200x128xf32>
    %lt3A_1253 = arith.cmpf olt, %slice3A_65, %max3A_950 : vector<200x128xf32>
    %jit3A_1254 = arith.constant -3.000000e+38 : f32
    %broadcast_in_dim3A_1255 = vector.broadcast %jit3A_1254 : f32 to vector<200x128xf32>
    %select_n3A_1256 = arith.select %lt3A_1253, %slice3A_65, %broadcast_in_dim3A_1255 : vector<200x128xi1>, vector<200x128xf32>
    %max3A_1257 = arith.maximumf %max3A_1252, %select_n3A_1256 : vector<200x128xf32>
    %lt3A_1258 = arith.cmpf olt, %slice3A_66, %max3A_950 : vector<200x128xf32>
    %jit3A_1259 = arith.constant -3.000000e+38 : f32
    %broadcast_in_dim3A_1260 = vector.broadcast %jit3A_1259 : f32 to vector<200x128xf32>
    %select_n3A_1261 = arith.select %lt3A_1258, %slice3A_66, %broadcast_in_dim3A_1260 : vector<200x128xi1>, vector<200x128xf32>
    %max3A_1262 = arith.maximumf %max3A_1257, %select_n3A_1261 : vector<200x128xf32>
    %lt3A_1263 = arith.cmpf olt, %slice3A_67, %max3A_950 : vector<200x128xf32>
    %jit3A_1264 = arith.constant -3.000000e+38 : f32
    %broadcast_in_dim3A_1265 = vector.broadcast %jit3A_1264 : f32 to vector<200x128xf32>
    %select_n3A_1266 = arith.select %lt3A_1263, %slice3A_67, %broadcast_in_dim3A_1265 : vector<200x128xi1>, vector<200x128xf32>
    %max3A_1267 = arith.maximumf %max3A_1262, %select_n3A_1266 : vector<200x128xf32>
    %lt3A_1268 = arith.cmpf olt, %slice3A_68, %max3A_950 : vector<200x128xf32>
    %jit3A_1269 = arith.constant -3.000000e+38 : f32
    %broadcast_in_dim3A_1270 = vector.broadcast %jit3A_1269 : f32 to vector<200x128xf32>
    %select_n3A_1271 = arith.select %lt3A_1268, %slice3A_68, %broadcast_in_dim3A_1270 : vector<200x128xi1>, vector<200x128xf32>
    %max3A_1272 = arith.maximumf %max3A_1267, %select_n3A_1271 : vector<200x128xf32>
    %lt3A_1273 = arith.cmpf olt, %slice3A_69, %max3A_950 : vector<200x128xf32>
    %jit3A_1274 = arith.constant -3.000000e+38 : f32
    %broadcast_in_dim3A_1275 = vector.broadcast %jit3A_1274 : f32 to vector<200x128xf32>
    %select_n3A_1276 = arith.select %lt3A_1273, %slice3A_69, %broadcast_in_dim3A_1275 : vector<200x128xi1>, vector<200x128xf32>
    %max3A_1277 = arith.maximumf %max3A_1272, %select_n3A_1276 : vector<200x128xf32>
    %lt3A_1278 = arith.cmpf olt, %slice3A_70, %max3A_950 : vector<200x128xf32>
    %jit3A_1279 = arith.constant -3.000000e+38 : f32
    %broadcast_in_dim3A_1280 = vector.broadcast %jit3A_1279 : f32 to vector<200x128xf32>
    %select_n3A_1281 = arith.select %lt3A_1278, %slice3A_70, %broadcast_in_dim3A_1280 : vector<200x128xi1>, vector<200x128xf32>
    %max3A_1282 = arith.maximumf %max3A_1277, %select_n3A_1281 : vector<200x128xf32>
    %lt3A_1283 = arith.cmpf olt, %slice3A_71, %max3A_950 : vector<200x128xf32>
    %jit3A_1284 = arith.constant -3.000000e+38 : f32
    %broadcast_in_dim3A_1285 = vector.broadcast %jit3A_1284 : f32 to vector<200x128xf32>
    %select_n3A_1286 = arith.select %lt3A_1283, %slice3A_71, %broadcast_in_dim3A_1285 : vector<200x128xi1>, vector<200x128xf32>
    %max3A_1287 = arith.maximumf %max3A_1282, %select_n3A_1286 : vector<200x128xf32>
    %lt3A_1288 = arith.cmpf olt, %slice3A_72, %max3A_950 : vector<200x128xf32>
    %jit3A_1289 = arith.constant -3.000000e+38 : f32
    %broadcast_in_dim3A_1290 = vector.broadcast %jit3A_1289 : f32 to vector<200x128xf32>
    %select_n3A_1291 = arith.select %lt3A_1288, %slice3A_72, %broadcast_in_dim3A_1290 : vector<200x128xi1>, vector<200x128xf32>
    %max3A_1292 = arith.maximumf %max3A_1287, %select_n3A_1291 : vector<200x128xf32>
    %lt3A_1293 = arith.cmpf olt, %slice3A_73, %max3A_950 : vector<200x128xf32>
    %jit3A_1294 = arith.constant -3.000000e+38 : f32
    %broadcast_in_dim3A_1295 = vector.broadcast %jit3A_1294 : f32 to vector<200x128xf32>
    %select_n3A_1296 = arith.select %lt3A_1293, %slice3A_73, %broadcast_in_dim3A_1295 : vector<200x128xi1>, vector<200x128xf32>
    %max3A_1297 = arith.maximumf %max3A_1292, %select_n3A_1296 : vector<200x128xf32>
    %lt3A_1298 = arith.cmpf olt, %slice3A_74, %max3A_950 : vector<200x128xf32>
    %jit3A_1299 = arith.constant -3.000000e+38 : f32
    %broadcast_in_dim3A_1300 = vector.broadcast %jit3A_1299 : f32 to vector<200x128xf32>
    %select_n3A_1301 = arith.select %lt3A_1298, %slice3A_74, %broadcast_in_dim3A_1300 : vector<200x128xi1>, vector<200x128xf32>
    %max3A_1302 = arith.maximumf %max3A_1297, %select_n3A_1301 : vector<200x128xf32>
    %lt3A_1303 = arith.cmpf olt, %slice3A_75, %max3A_950 : vector<200x128xf32>
    %jit3A_1304 = arith.constant -3.000000e+38 : f32
    %broadcast_in_dim3A_1305 = vector.broadcast %jit3A_1304 : f32 to vector<200x128xf32>
    %select_n3A_1306 = arith.select %lt3A_1303, %slice3A_75, %broadcast_in_dim3A_1305 : vector<200x128xi1>, vector<200x128xf32>
    %max3A_1307 = arith.maximumf %max3A_1302, %select_n3A_1306 : vector<200x128xf32>
    %lt3A_1308 = arith.cmpf olt, %slice3A_76, %max3A_950 : vector<200x128xf32>
    %jit3A_1309 = arith.constant -3.000000e+38 : f32
    %broadcast_in_dim3A_1310 = vector.broadcast %jit3A_1309 : f32 to vector<200x128xf32>
    %select_n3A_1311 = arith.select %lt3A_1308, %slice3A_76, %broadcast_in_dim3A_1310 : vector<200x128xi1>, vector<200x128xf32>
    %max3A_1312 = arith.maximumf %max3A_1307, %select_n3A_1311 : vector<200x128xf32>
    %lt3A_1313 = arith.cmpf olt, %slice3A_77, %max3A_950 : vector<200x128xf32>
    %jit3A_1314 = arith.constant -3.000000e+38 : f32
    %broadcast_in_dim3A_1315 = vector.broadcast %jit3A_1314 : f32 to vector<200x128xf32>
    %select_n3A_1316 = arith.select %lt3A_1313, %slice3A_77, %broadcast_in_dim3A_1315 : vector<200x128xi1>, vector<200x128xf32>
    %max3A_1317 = arith.maximumf %max3A_1312, %select_n3A_1316 : vector<200x128xf32>
    %lt3A_1318 = arith.cmpf olt, %slice3A_78, %max3A_950 : vector<200x128xf32>
    %jit3A_1319 = arith.constant -3.000000e+38 : f32
    %broadcast_in_dim3A_1320 = vector.broadcast %jit3A_1319 : f32 to vector<200x128xf32>
    %select_n3A_1321 = arith.select %lt3A_1318, %slice3A_78, %broadcast_in_dim3A_1320 : vector<200x128xi1>, vector<200x128xf32>
    %max3A_1322 = arith.maximumf %max3A_1317, %select_n3A_1321 : vector<200x128xf32>
    %lt3A_1323 = arith.cmpf olt, %slice3A_79, %max3A_950 : vector<200x128xf32>
    %jit3A_1324 = arith.constant -3.000000e+38 : f32
    %broadcast_in_dim3A_1325 = vector.broadcast %jit3A_1324 : f32 to vector<200x128xf32>
    %select_n3A_1326 = arith.select %lt3A_1323, %slice3A_79, %broadcast_in_dim3A_1325 : vector<200x128xi1>, vector<200x128xf32>
    %max3A_1327 = arith.maximumf %max3A_1322, %select_n3A_1326 : vector<200x128xf32>
    %lt3A_1328 = arith.cmpf olt, %slice3A_80, %max3A_950 : vector<200x128xf32>
    %jit3A_1329 = arith.constant -3.000000e+38 : f32
    %broadcast_in_dim3A_1330 = vector.broadcast %jit3A_1329 : f32 to vector<200x128xf32>
    %select_n3A_1331 = arith.select %lt3A_1328, %slice3A_80, %broadcast_in_dim3A_1330 : vector<200x128xi1>, vector<200x128xf32>
    %max3A_1332 = arith.maximumf %max3A_1327, %select_n3A_1331 : vector<200x128xf32>
    %lt3A_1333 = arith.cmpf olt, %slice3A_81, %max3A_950 : vector<200x128xf32>
    %jit3A_1334 = arith.constant -3.000000e+38 : f32
    %broadcast_in_dim3A_1335 = vector.broadcast %jit3A_1334 : f32 to vector<200x128xf32>
    %select_n3A_1336 = arith.select %lt3A_1333, %slice3A_81, %broadcast_in_dim3A_1335 : vector<200x128xi1>, vector<200x128xf32>
    %max3A_1337 = arith.maximumf %max3A_1332, %select_n3A_1336 : vector<200x128xf32>
    %lt3A_1338 = arith.cmpf olt, %slice3A_82, %max3A_950 : vector<200x128xf32>
    %jit3A_1339 = arith.constant -3.000000e+38 : f32
    %broadcast_in_dim3A_1340 = vector.broadcast %jit3A_1339 : f32 to vector<200x128xf32>
    %select_n3A_1341 = arith.select %lt3A_1338, %slice3A_82, %broadcast_in_dim3A_1340 : vector<200x128xi1>, vector<200x128xf32>
    %max3A_1342 = arith.maximumf %max3A_1337, %select_n3A_1341 : vector<200x128xf32>
    %lt3A_1343 = arith.cmpf olt, %slice3A_83, %max3A_950 : vector<200x128xf32>
    %jit3A_1344 = arith.constant -3.000000e+38 : f32
    %broadcast_in_dim3A_1345 = vector.broadcast %jit3A_1344 : f32 to vector<200x128xf32>
    %select_n3A_1346 = arith.select %lt3A_1343, %slice3A_83, %broadcast_in_dim3A_1345 : vector<200x128xi1>, vector<200x128xf32>
    %max3A_1347 = arith.maximumf %max3A_1342, %select_n3A_1346 : vector<200x128xf32>
    %broadcast_in_dim3A_1348 = arith.constant -3.000000e+38 : f32
    %broadcast_in_dim3A_1349 = vector.broadcast %broadcast_in_dim3A_1348 : f32 to vector<200x128xf32>
    %lt3A_1350 = arith.cmpf olt, %slice3A, %max3A_1347 : vector<200x128xf32>
    %jit3A_1351 = arith.constant -3.000000e+38 : f32
    %broadcast_in_dim3A_1352 = vector.broadcast %jit3A_1351 : f32 to vector<200x128xf32>
    %select_n3A_1353 = arith.select %lt3A_1350, %slice3A, %broadcast_in_dim3A_1352 : vector<200x128xi1>, vector<200x128xf32>
    %max3A_1354 = arith.maximumf %broadcast_in_dim3A_1349, %select_n3A_1353 : vector<200x128xf32>
    %lt3A_1355 = arith.cmpf olt, %slice3A_6, %max3A_1347 : vector<200x128xf32>
    %jit3A_1356 = arith.constant -3.000000e+38 : f32
    %broadcast_in_dim3A_1357 = vector.broadcast %jit3A_1356 : f32 to vector<200x128xf32>
    %select_n3A_1358 = arith.select %lt3A_1355, %slice3A_6, %broadcast_in_dim3A_1357 : vector<200x128xi1>, vector<200x128xf32>
    %max3A_1359 = arith.maximumf %max3A_1354, %select_n3A_1358 : vector<200x128xf32>
    %lt3A_1360 = arith.cmpf olt, %slice3A_7, %max3A_1347 : vector<200x128xf32>
    %jit3A_1361 = arith.constant -3.000000e+38 : f32
    %broadcast_in_dim3A_1362 = vector.broadcast %jit3A_1361 : f32 to vector<200x128xf32>
    %select_n3A_1363 = arith.select %lt3A_1360, %slice3A_7, %broadcast_in_dim3A_1362 : vector<200x128xi1>, vector<200x128xf32>
    %max3A_1364 = arith.maximumf %max3A_1359, %select_n3A_1363 : vector<200x128xf32>
    %lt3A_1365 = arith.cmpf olt, %slice3A_8, %max3A_1347 : vector<200x128xf32>
    %jit3A_1366 = arith.constant -3.000000e+38 : f32
    %broadcast_in_dim3A_1367 = vector.broadcast %jit3A_1366 : f32 to vector<200x128xf32>
    %select_n3A_1368 = arith.select %lt3A_1365, %slice3A_8, %broadcast_in_dim3A_1367 : vector<200x128xi1>, vector<200x128xf32>
    %max3A_1369 = arith.maximumf %max3A_1364, %select_n3A_1368 : vector<200x128xf32>
    %lt3A_1370 = arith.cmpf olt, %slice3A_9, %max3A_1347 : vector<200x128xf32>
    %jit3A_1371 = arith.constant -3.000000e+38 : f32
    %broadcast_in_dim3A_1372 = vector.broadcast %jit3A_1371 : f32 to vector<200x128xf32>
    %select_n3A_1373 = arith.select %lt3A_1370, %slice3A_9, %broadcast_in_dim3A_1372 : vector<200x128xi1>, vector<200x128xf32>
    %max3A_1374 = arith.maximumf %max3A_1369, %select_n3A_1373 : vector<200x128xf32>
    %lt3A_1375 = arith.cmpf olt, %slice3A_10, %max3A_1347 : vector<200x128xf32>
    %jit3A_1376 = arith.constant -3.000000e+38 : f32
    %broadcast_in_dim3A_1377 = vector.broadcast %jit3A_1376 : f32 to vector<200x128xf32>
    %select_n3A_1378 = arith.select %lt3A_1375, %slice3A_10, %broadcast_in_dim3A_1377 : vector<200x128xi1>, vector<200x128xf32>
    %max3A_1379 = arith.maximumf %max3A_1374, %select_n3A_1378 : vector<200x128xf32>
    %lt3A_1380 = arith.cmpf olt, %slice3A_11, %max3A_1347 : vector<200x128xf32>
    %jit3A_1381 = arith.constant -3.000000e+38 : f32
    %broadcast_in_dim3A_1382 = vector.broadcast %jit3A_1381 : f32 to vector<200x128xf32>
    %select_n3A_1383 = arith.select %lt3A_1380, %slice3A_11, %broadcast_in_dim3A_1382 : vector<200x128xi1>, vector<200x128xf32>
    %max3A_1384 = arith.maximumf %max3A_1379, %select_n3A_1383 : vector<200x128xf32>
    %lt3A_1385 = arith.cmpf olt, %slice3A_12, %max3A_1347 : vector<200x128xf32>
    %jit3A_1386 = arith.constant -3.000000e+38 : f32
    %broadcast_in_dim3A_1387 = vector.broadcast %jit3A_1386 : f32 to vector<200x128xf32>
    %select_n3A_1388 = arith.select %lt3A_1385, %slice3A_12, %broadcast_in_dim3A_1387 : vector<200x128xi1>, vector<200x128xf32>
    %max3A_1389 = arith.maximumf %max3A_1384, %select_n3A_1388 : vector<200x128xf32>
    %lt3A_1390 = arith.cmpf olt, %slice3A_13, %max3A_1347 : vector<200x128xf32>
    %jit3A_1391 = arith.constant -3.000000e+38 : f32
    %broadcast_in_dim3A_1392 = vector.broadcast %jit3A_1391 : f32 to vector<200x128xf32>
    %select_n3A_1393 = arith.select %lt3A_1390, %slice3A_13, %broadcast_in_dim3A_1392 : vector<200x128xi1>, vector<200x128xf32>
    %max3A_1394 = arith.maximumf %max3A_1389, %select_n3A_1393 : vector<200x128xf32>
    %lt3A_1395 = arith.cmpf olt, %slice3A_14, %max3A_1347 : vector<200x128xf32>
    %jit3A_1396 = arith.constant -3.000000e+38 : f32
    %broadcast_in_dim3A_1397 = vector.broadcast %jit3A_1396 : f32 to vector<200x128xf32>
    %select_n3A_1398 = arith.select %lt3A_1395, %slice3A_14, %broadcast_in_dim3A_1397 : vector<200x128xi1>, vector<200x128xf32>
    %max3A_1399 = arith.maximumf %max3A_1394, %select_n3A_1398 : vector<200x128xf32>
    %lt3A_1400 = arith.cmpf olt, %slice3A_15, %max3A_1347 : vector<200x128xf32>
    %jit3A_1401 = arith.constant -3.000000e+38 : f32
    %broadcast_in_dim3A_1402 = vector.broadcast %jit3A_1401 : f32 to vector<200x128xf32>
    %select_n3A_1403 = arith.select %lt3A_1400, %slice3A_15, %broadcast_in_dim3A_1402 : vector<200x128xi1>, vector<200x128xf32>
    %max3A_1404 = arith.maximumf %max3A_1399, %select_n3A_1403 : vector<200x128xf32>
    %lt3A_1405 = arith.cmpf olt, %slice3A_16, %max3A_1347 : vector<200x128xf32>
    %jit3A_1406 = arith.constant -3.000000e+38 : f32
    %broadcast_in_dim3A_1407 = vector.broadcast %jit3A_1406 : f32 to vector<200x128xf32>
    %select_n3A_1408 = arith.select %lt3A_1405, %slice3A_16, %broadcast_in_dim3A_1407 : vector<200x128xi1>, vector<200x128xf32>
    %max3A_1409 = arith.maximumf %max3A_1404, %select_n3A_1408 : vector<200x128xf32>
    %lt3A_1410 = arith.cmpf olt, %slice3A_17, %max3A_1347 : vector<200x128xf32>
    %jit3A_1411 = arith.constant -3.000000e+38 : f32
    %broadcast_in_dim3A_1412 = vector.broadcast %jit3A_1411 : f32 to vector<200x128xf32>
    %select_n3A_1413 = arith.select %lt3A_1410, %slice3A_17, %broadcast_in_dim3A_1412 : vector<200x128xi1>, vector<200x128xf32>
    %max3A_1414 = arith.maximumf %max3A_1409, %select_n3A_1413 : vector<200x128xf32>
    %lt3A_1415 = arith.cmpf olt, %slice3A_18, %max3A_1347 : vector<200x128xf32>
    %jit3A_1416 = arith.constant -3.000000e+38 : f32
    %broadcast_in_dim3A_1417 = vector.broadcast %jit3A_1416 : f32 to vector<200x128xf32>
    %select_n3A_1418 = arith.select %lt3A_1415, %slice3A_18, %broadcast_in_dim3A_1417 : vector<200x128xi1>, vector<200x128xf32>
    %max3A_1419 = arith.maximumf %max3A_1414, %select_n3A_1418 : vector<200x128xf32>
    %lt3A_1420 = arith.cmpf olt, %slice3A_19, %max3A_1347 : vector<200x128xf32>
    %jit3A_1421 = arith.constant -3.000000e+38 : f32
    %broadcast_in_dim3A_1422 = vector.broadcast %jit3A_1421 : f32 to vector<200x128xf32>
    %select_n3A_1423 = arith.select %lt3A_1420, %slice3A_19, %broadcast_in_dim3A_1422 : vector<200x128xi1>, vector<200x128xf32>
    %max3A_1424 = arith.maximumf %max3A_1419, %select_n3A_1423 : vector<200x128xf32>
    %lt3A_1425 = arith.cmpf olt, %slice3A_20, %max3A_1347 : vector<200x128xf32>
    %jit3A_1426 = arith.constant -3.000000e+38 : f32
    %broadcast_in_dim3A_1427 = vector.broadcast %jit3A_1426 : f32 to vector<200x128xf32>
    %select_n3A_1428 = arith.select %lt3A_1425, %slice3A_20, %broadcast_in_dim3A_1427 : vector<200x128xi1>, vector<200x128xf32>
    %max3A_1429 = arith.maximumf %max3A_1424, %select_n3A_1428 : vector<200x128xf32>
    %lt3A_1430 = arith.cmpf olt, %slice3A_21, %max3A_1347 : vector<200x128xf32>
    %jit3A_1431 = arith.constant -3.000000e+38 : f32
    %broadcast_in_dim3A_1432 = vector.broadcast %jit3A_1431 : f32 to vector<200x128xf32>
    %select_n3A_1433 = arith.select %lt3A_1430, %slice3A_21, %broadcast_in_dim3A_1432 : vector<200x128xi1>, vector<200x128xf32>
    %max3A_1434 = arith.maximumf %max3A_1429, %select_n3A_1433 : vector<200x128xf32>
    %lt3A_1435 = arith.cmpf olt, %slice3A_22, %max3A_1347 : vector<200x128xf32>
    %jit3A_1436 = arith.constant -3.000000e+38 : f32
    %broadcast_in_dim3A_1437 = vector.broadcast %jit3A_1436 : f32 to vector<200x128xf32>
    %select_n3A_1438 = arith.select %lt3A_1435, %slice3A_22, %broadcast_in_dim3A_1437 : vector<200x128xi1>, vector<200x128xf32>
    %max3A_1439 = arith.maximumf %max3A_1434, %select_n3A_1438 : vector<200x128xf32>
    %lt3A_1440 = arith.cmpf olt, %slice3A_23, %max3A_1347 : vector<200x128xf32>
    %jit3A_1441 = arith.constant -3.000000e+38 : f32
    %broadcast_in_dim3A_1442 = vector.broadcast %jit3A_1441 : f32 to vector<200x128xf32>
    %select_n3A_1443 = arith.select %lt3A_1440, %slice3A_23, %broadcast_in_dim3A_1442 : vector<200x128xi1>, vector<200x128xf32>
    %max3A_1444 = arith.maximumf %max3A_1439, %select_n3A_1443 : vector<200x128xf32>
    %lt3A_1445 = arith.cmpf olt, %slice3A_24, %max3A_1347 : vector<200x128xf32>
    %jit3A_1446 = arith.constant -3.000000e+38 : f32
    %broadcast_in_dim3A_1447 = vector.broadcast %jit3A_1446 : f32 to vector<200x128xf32>
    %select_n3A_1448 = arith.select %lt3A_1445, %slice3A_24, %broadcast_in_dim3A_1447 : vector<200x128xi1>, vector<200x128xf32>
    %max3A_1449 = arith.maximumf %max3A_1444, %select_n3A_1448 : vector<200x128xf32>
    %lt3A_1450 = arith.cmpf olt, %slice3A_25, %max3A_1347 : vector<200x128xf32>
    %jit3A_1451 = arith.constant -3.000000e+38 : f32
    %broadcast_in_dim3A_1452 = vector.broadcast %jit3A_1451 : f32 to vector<200x128xf32>
    %select_n3A_1453 = arith.select %lt3A_1450, %slice3A_25, %broadcast_in_dim3A_1452 : vector<200x128xi1>, vector<200x128xf32>
    %max3A_1454 = arith.maximumf %max3A_1449, %select_n3A_1453 : vector<200x128xf32>
    %lt3A_1455 = arith.cmpf olt, %slice3A_26, %max3A_1347 : vector<200x128xf32>
    %jit3A_1456 = arith.constant -3.000000e+38 : f32
    %broadcast_in_dim3A_1457 = vector.broadcast %jit3A_1456 : f32 to vector<200x128xf32>
    %select_n3A_1458 = arith.select %lt3A_1455, %slice3A_26, %broadcast_in_dim3A_1457 : vector<200x128xi1>, vector<200x128xf32>
    %max3A_1459 = arith.maximumf %max3A_1454, %select_n3A_1458 : vector<200x128xf32>
    %lt3A_1460 = arith.cmpf olt, %slice3A_27, %max3A_1347 : vector<200x128xf32>
    %jit3A_1461 = arith.constant -3.000000e+38 : f32
    %broadcast_in_dim3A_1462 = vector.broadcast %jit3A_1461 : f32 to vector<200x128xf32>
    %select_n3A_1463 = arith.select %lt3A_1460, %slice3A_27, %broadcast_in_dim3A_1462 : vector<200x128xi1>, vector<200x128xf32>
    %max3A_1464 = arith.maximumf %max3A_1459, %select_n3A_1463 : vector<200x128xf32>
    %lt3A_1465 = arith.cmpf olt, %slice3A_28, %max3A_1347 : vector<200x128xf32>
    %jit3A_1466 = arith.constant -3.000000e+38 : f32
    %broadcast_in_dim3A_1467 = vector.broadcast %jit3A_1466 : f32 to vector<200x128xf32>
    %select_n3A_1468 = arith.select %lt3A_1465, %slice3A_28, %broadcast_in_dim3A_1467 : vector<200x128xi1>, vector<200x128xf32>
    %max3A_1469 = arith.maximumf %max3A_1464, %select_n3A_1468 : vector<200x128xf32>
    %lt3A_1470 = arith.cmpf olt, %slice3A_29, %max3A_1347 : vector<200x128xf32>
    %jit3A_1471 = arith.constant -3.000000e+38 : f32
    %broadcast_in_dim3A_1472 = vector.broadcast %jit3A_1471 : f32 to vector<200x128xf32>
    %select_n3A_1473 = arith.select %lt3A_1470, %slice3A_29, %broadcast_in_dim3A_1472 : vector<200x128xi1>, vector<200x128xf32>
    %max3A_1474 = arith.maximumf %max3A_1469, %select_n3A_1473 : vector<200x128xf32>
    %lt3A_1475 = arith.cmpf olt, %slice3A_30, %max3A_1347 : vector<200x128xf32>
    %jit3A_1476 = arith.constant -3.000000e+38 : f32
    %broadcast_in_dim3A_1477 = vector.broadcast %jit3A_1476 : f32 to vector<200x128xf32>
    %select_n3A_1478 = arith.select %lt3A_1475, %slice3A_30, %broadcast_in_dim3A_1477 : vector<200x128xi1>, vector<200x128xf32>
    %max3A_1479 = arith.maximumf %max3A_1474, %select_n3A_1478 : vector<200x128xf32>
    %lt3A_1480 = arith.cmpf olt, %slice3A_31, %max3A_1347 : vector<200x128xf32>
    %jit3A_1481 = arith.constant -3.000000e+38 : f32
    %broadcast_in_dim3A_1482 = vector.broadcast %jit3A_1481 : f32 to vector<200x128xf32>
    %select_n3A_1483 = arith.select %lt3A_1480, %slice3A_31, %broadcast_in_dim3A_1482 : vector<200x128xi1>, vector<200x128xf32>
    %max3A_1484 = arith.maximumf %max3A_1479, %select_n3A_1483 : vector<200x128xf32>
    %lt3A_1485 = arith.cmpf olt, %slice3A_32, %max3A_1347 : vector<200x128xf32>
    %jit3A_1486 = arith.constant -3.000000e+38 : f32
    %broadcast_in_dim3A_1487 = vector.broadcast %jit3A_1486 : f32 to vector<200x128xf32>
    %select_n3A_1488 = arith.select %lt3A_1485, %slice3A_32, %broadcast_in_dim3A_1487 : vector<200x128xi1>, vector<200x128xf32>
    %max3A_1489 = arith.maximumf %max3A_1484, %select_n3A_1488 : vector<200x128xf32>
    %lt3A_1490 = arith.cmpf olt, %slice3A_33, %max3A_1347 : vector<200x128xf32>
    %jit3A_1491 = arith.constant -3.000000e+38 : f32
    %broadcast_in_dim3A_1492 = vector.broadcast %jit3A_1491 : f32 to vector<200x128xf32>
    %select_n3A_1493 = arith.select %lt3A_1490, %slice3A_33, %broadcast_in_dim3A_1492 : vector<200x128xi1>, vector<200x128xf32>
    %max3A_1494 = arith.maximumf %max3A_1489, %select_n3A_1493 : vector<200x128xf32>
    %lt3A_1495 = arith.cmpf olt, %slice3A_34, %max3A_1347 : vector<200x128xf32>
    %jit3A_1496 = arith.constant -3.000000e+38 : f32
    %broadcast_in_dim3A_1497 = vector.broadcast %jit3A_1496 : f32 to vector<200x128xf32>
    %select_n3A_1498 = arith.select %lt3A_1495, %slice3A_34, %broadcast_in_dim3A_1497 : vector<200x128xi1>, vector<200x128xf32>
    %max3A_1499 = arith.maximumf %max3A_1494, %select_n3A_1498 : vector<200x128xf32>
    %lt3A_1500 = arith.cmpf olt, %slice3A_35, %max3A_1347 : vector<200x128xf32>
    %jit3A_1501 = arith.constant -3.000000e+38 : f32
    %broadcast_in_dim3A_1502 = vector.broadcast %jit3A_1501 : f32 to vector<200x128xf32>
    %select_n3A_1503 = arith.select %lt3A_1500, %slice3A_35, %broadcast_in_dim3A_1502 : vector<200x128xi1>, vector<200x128xf32>
    %max3A_1504 = arith.maximumf %max3A_1499, %select_n3A_1503 : vector<200x128xf32>
    %lt3A_1505 = arith.cmpf olt, %slice3A_36, %max3A_1347 : vector<200x128xf32>
    %jit3A_1506 = arith.constant -3.000000e+38 : f32
    %broadcast_in_dim3A_1507 = vector.broadcast %jit3A_1506 : f32 to vector<200x128xf32>
    %select_n3A_1508 = arith.select %lt3A_1505, %slice3A_36, %broadcast_in_dim3A_1507 : vector<200x128xi1>, vector<200x128xf32>
    %max3A_1509 = arith.maximumf %max3A_1504, %select_n3A_1508 : vector<200x128xf32>
    %lt3A_1510 = arith.cmpf olt, %slice3A_37, %max3A_1347 : vector<200x128xf32>
    %jit3A_1511 = arith.constant -3.000000e+38 : f32
    %broadcast_in_dim3A_1512 = vector.broadcast %jit3A_1511 : f32 to vector<200x128xf32>
    %select_n3A_1513 = arith.select %lt3A_1510, %slice3A_37, %broadcast_in_dim3A_1512 : vector<200x128xi1>, vector<200x128xf32>
    %max3A_1514 = arith.maximumf %max3A_1509, %select_n3A_1513 : vector<200x128xf32>
    %lt3A_1515 = arith.cmpf olt, %slice3A_38, %max3A_1347 : vector<200x128xf32>
    %jit3A_1516 = arith.constant -3.000000e+38 : f32
    %broadcast_in_dim3A_1517 = vector.broadcast %jit3A_1516 : f32 to vector<200x128xf32>
    %select_n3A_1518 = arith.select %lt3A_1515, %slice3A_38, %broadcast_in_dim3A_1517 : vector<200x128xi1>, vector<200x128xf32>
    %max3A_1519 = arith.maximumf %max3A_1514, %select_n3A_1518 : vector<200x128xf32>
    %lt3A_1520 = arith.cmpf olt, %slice3A_39, %max3A_1347 : vector<200x128xf32>
    %jit3A_1521 = arith.constant -3.000000e+38 : f32
    %broadcast_in_dim3A_1522 = vector.broadcast %jit3A_1521 : f32 to vector<200x128xf32>
    %select_n3A_1523 = arith.select %lt3A_1520, %slice3A_39, %broadcast_in_dim3A_1522 : vector<200x128xi1>, vector<200x128xf32>
    %max3A_1524 = arith.maximumf %max3A_1519, %select_n3A_1523 : vector<200x128xf32>
    %lt3A_1525 = arith.cmpf olt, %slice3A_40, %max3A_1347 : vector<200x128xf32>
    %jit3A_1526 = arith.constant -3.000000e+38 : f32
    %broadcast_in_dim3A_1527 = vector.broadcast %jit3A_1526 : f32 to vector<200x128xf32>
    %select_n3A_1528 = arith.select %lt3A_1525, %slice3A_40, %broadcast_in_dim3A_1527 : vector<200x128xi1>, vector<200x128xf32>
    %max3A_1529 = arith.maximumf %max3A_1524, %select_n3A_1528 : vector<200x128xf32>
    %lt3A_1530 = arith.cmpf olt, %slice3A_41, %max3A_1347 : vector<200x128xf32>
    %jit3A_1531 = arith.constant -3.000000e+38 : f32
    %broadcast_in_dim3A_1532 = vector.broadcast %jit3A_1531 : f32 to vector<200x128xf32>
    %select_n3A_1533 = arith.select %lt3A_1530, %slice3A_41, %broadcast_in_dim3A_1532 : vector<200x128xi1>, vector<200x128xf32>
    %max3A_1534 = arith.maximumf %max3A_1529, %select_n3A_1533 : vector<200x128xf32>
    %lt3A_1535 = arith.cmpf olt, %slice3A_42, %max3A_1347 : vector<200x128xf32>
    %jit3A_1536 = arith.constant -3.000000e+38 : f32
    %broadcast_in_dim3A_1537 = vector.broadcast %jit3A_1536 : f32 to vector<200x128xf32>
    %select_n3A_1538 = arith.select %lt3A_1535, %slice3A_42, %broadcast_in_dim3A_1537 : vector<200x128xi1>, vector<200x128xf32>
    %max3A_1539 = arith.maximumf %max3A_1534, %select_n3A_1538 : vector<200x128xf32>
    %lt3A_1540 = arith.cmpf olt, %slice3A_43, %max3A_1347 : vector<200x128xf32>
    %jit3A_1541 = arith.constant -3.000000e+38 : f32
    %broadcast_in_dim3A_1542 = vector.broadcast %jit3A_1541 : f32 to vector<200x128xf32>
    %select_n3A_1543 = arith.select %lt3A_1540, %slice3A_43, %broadcast_in_dim3A_1542 : vector<200x128xi1>, vector<200x128xf32>
    %max3A_1544 = arith.maximumf %max3A_1539, %select_n3A_1543 : vector<200x128xf32>
    %lt3A_1545 = arith.cmpf olt, %slice3A_44, %max3A_1347 : vector<200x128xf32>
    %jit3A_1546 = arith.constant -3.000000e+38 : f32
    %broadcast_in_dim3A_1547 = vector.broadcast %jit3A_1546 : f32 to vector<200x128xf32>
    %select_n3A_1548 = arith.select %lt3A_1545, %slice3A_44, %broadcast_in_dim3A_1547 : vector<200x128xi1>, vector<200x128xf32>
    %max3A_1549 = arith.maximumf %max3A_1544, %select_n3A_1548 : vector<200x128xf32>
    %lt3A_1550 = arith.cmpf olt, %slice3A_45, %max3A_1347 : vector<200x128xf32>
    %jit3A_1551 = arith.constant -3.000000e+38 : f32
    %broadcast_in_dim3A_1552 = vector.broadcast %jit3A_1551 : f32 to vector<200x128xf32>
    %select_n3A_1553 = arith.select %lt3A_1550, %slice3A_45, %broadcast_in_dim3A_1552 : vector<200x128xi1>, vector<200x128xf32>
    %max3A_1554 = arith.maximumf %max3A_1549, %select_n3A_1553 : vector<200x128xf32>
    %lt3A_1555 = arith.cmpf olt, %slice3A_46, %max3A_1347 : vector<200x128xf32>
    %jit3A_1556 = arith.constant -3.000000e+38 : f32
    %broadcast_in_dim3A_1557 = vector.broadcast %jit3A_1556 : f32 to vector<200x128xf32>
    %select_n3A_1558 = arith.select %lt3A_1555, %slice3A_46, %broadcast_in_dim3A_1557 : vector<200x128xi1>, vector<200x128xf32>
    %max3A_1559 = arith.maximumf %max3A_1554, %select_n3A_1558 : vector<200x128xf32>
    %lt3A_1560 = arith.cmpf olt, %slice3A_47, %max3A_1347 : vector<200x128xf32>
    %jit3A_1561 = arith.constant -3.000000e+38 : f32
    %broadcast_in_dim3A_1562 = vector.broadcast %jit3A_1561 : f32 to vector<200x128xf32>
    %select_n3A_1563 = arith.select %lt3A_1560, %slice3A_47, %broadcast_in_dim3A_1562 : vector<200x128xi1>, vector<200x128xf32>
    %max3A_1564 = arith.maximumf %max3A_1559, %select_n3A_1563 : vector<200x128xf32>
    %lt3A_1565 = arith.cmpf olt, %slice3A_48, %max3A_1347 : vector<200x128xf32>
    %jit3A_1566 = arith.constant -3.000000e+38 : f32
    %broadcast_in_dim3A_1567 = vector.broadcast %jit3A_1566 : f32 to vector<200x128xf32>
    %select_n3A_1568 = arith.select %lt3A_1565, %slice3A_48, %broadcast_in_dim3A_1567 : vector<200x128xi1>, vector<200x128xf32>
    %max3A_1569 = arith.maximumf %max3A_1564, %select_n3A_1568 : vector<200x128xf32>
    %lt3A_1570 = arith.cmpf olt, %slice3A_49, %max3A_1347 : vector<200x128xf32>
    %jit3A_1571 = arith.constant -3.000000e+38 : f32
    %broadcast_in_dim3A_1572 = vector.broadcast %jit3A_1571 : f32 to vector<200x128xf32>
    %select_n3A_1573 = arith.select %lt3A_1570, %slice3A_49, %broadcast_in_dim3A_1572 : vector<200x128xi1>, vector<200x128xf32>
    %max3A_1574 = arith.maximumf %max3A_1569, %select_n3A_1573 : vector<200x128xf32>
    %lt3A_1575 = arith.cmpf olt, %slice3A_50, %max3A_1347 : vector<200x128xf32>
    %jit3A_1576 = arith.constant -3.000000e+38 : f32
    %broadcast_in_dim3A_1577 = vector.broadcast %jit3A_1576 : f32 to vector<200x128xf32>
    %select_n3A_1578 = arith.select %lt3A_1575, %slice3A_50, %broadcast_in_dim3A_1577 : vector<200x128xi1>, vector<200x128xf32>
    %max3A_1579 = arith.maximumf %max3A_1574, %select_n3A_1578 : vector<200x128xf32>
    %lt3A_1580 = arith.cmpf olt, %slice3A_51, %max3A_1347 : vector<200x128xf32>
    %jit3A_1581 = arith.constant -3.000000e+38 : f32
    %broadcast_in_dim3A_1582 = vector.broadcast %jit3A_1581 : f32 to vector<200x128xf32>
    %select_n3A_1583 = arith.select %lt3A_1580, %slice3A_51, %broadcast_in_dim3A_1582 : vector<200x128xi1>, vector<200x128xf32>
    %max3A_1584 = arith.maximumf %max3A_1579, %select_n3A_1583 : vector<200x128xf32>
    %lt3A_1585 = arith.cmpf olt, %slice3A_52, %max3A_1347 : vector<200x128xf32>
    %jit3A_1586 = arith.constant -3.000000e+38 : f32
    %broadcast_in_dim3A_1587 = vector.broadcast %jit3A_1586 : f32 to vector<200x128xf32>
    %select_n3A_1588 = arith.select %lt3A_1585, %slice3A_52, %broadcast_in_dim3A_1587 : vector<200x128xi1>, vector<200x128xf32>
    %max3A_1589 = arith.maximumf %max3A_1584, %select_n3A_1588 : vector<200x128xf32>
    %lt3A_1590 = arith.cmpf olt, %slice3A_53, %max3A_1347 : vector<200x128xf32>
    %jit3A_1591 = arith.constant -3.000000e+38 : f32
    %broadcast_in_dim3A_1592 = vector.broadcast %jit3A_1591 : f32 to vector<200x128xf32>
    %select_n3A_1593 = arith.select %lt3A_1590, %slice3A_53, %broadcast_in_dim3A_1592 : vector<200x128xi1>, vector<200x128xf32>
    %max3A_1594 = arith.maximumf %max3A_1589, %select_n3A_1593 : vector<200x128xf32>
    %lt3A_1595 = arith.cmpf olt, %slice3A_54, %max3A_1347 : vector<200x128xf32>
    %jit3A_1596 = arith.constant -3.000000e+38 : f32
    %broadcast_in_dim3A_1597 = vector.broadcast %jit3A_1596 : f32 to vector<200x128xf32>
    %select_n3A_1598 = arith.select %lt3A_1595, %slice3A_54, %broadcast_in_dim3A_1597 : vector<200x128xi1>, vector<200x128xf32>
    %max3A_1599 = arith.maximumf %max3A_1594, %select_n3A_1598 : vector<200x128xf32>
    %lt3A_1600 = arith.cmpf olt, %slice3A_55, %max3A_1347 : vector<200x128xf32>
    %jit3A_1601 = arith.constant -3.000000e+38 : f32
    %broadcast_in_dim3A_1602 = vector.broadcast %jit3A_1601 : f32 to vector<200x128xf32>
    %select_n3A_1603 = arith.select %lt3A_1600, %slice3A_55, %broadcast_in_dim3A_1602 : vector<200x128xi1>, vector<200x128xf32>
    %max3A_1604 = arith.maximumf %max3A_1599, %select_n3A_1603 : vector<200x128xf32>
    %lt3A_1605 = arith.cmpf olt, %slice3A_56, %max3A_1347 : vector<200x128xf32>
    %jit3A_1606 = arith.constant -3.000000e+38 : f32
    %broadcast_in_dim3A_1607 = vector.broadcast %jit3A_1606 : f32 to vector<200x128xf32>
    %select_n3A_1608 = arith.select %lt3A_1605, %slice3A_56, %broadcast_in_dim3A_1607 : vector<200x128xi1>, vector<200x128xf32>
    %max3A_1609 = arith.maximumf %max3A_1604, %select_n3A_1608 : vector<200x128xf32>
    %lt3A_1610 = arith.cmpf olt, %slice3A_57, %max3A_1347 : vector<200x128xf32>
    %jit3A_1611 = arith.constant -3.000000e+38 : f32
    %broadcast_in_dim3A_1612 = vector.broadcast %jit3A_1611 : f32 to vector<200x128xf32>
    %select_n3A_1613 = arith.select %lt3A_1610, %slice3A_57, %broadcast_in_dim3A_1612 : vector<200x128xi1>, vector<200x128xf32>
    %max3A_1614 = arith.maximumf %max3A_1609, %select_n3A_1613 : vector<200x128xf32>
    %lt3A_1615 = arith.cmpf olt, %slice3A_58, %max3A_1347 : vector<200x128xf32>
    %jit3A_1616 = arith.constant -3.000000e+38 : f32
    %broadcast_in_dim3A_1617 = vector.broadcast %jit3A_1616 : f32 to vector<200x128xf32>
    %select_n3A_1618 = arith.select %lt3A_1615, %slice3A_58, %broadcast_in_dim3A_1617 : vector<200x128xi1>, vector<200x128xf32>
    %max3A_1619 = arith.maximumf %max3A_1614, %select_n3A_1618 : vector<200x128xf32>
    %lt3A_1620 = arith.cmpf olt, %slice3A_59, %max3A_1347 : vector<200x128xf32>
    %jit3A_1621 = arith.constant -3.000000e+38 : f32
    %broadcast_in_dim3A_1622 = vector.broadcast %jit3A_1621 : f32 to vector<200x128xf32>
    %select_n3A_1623 = arith.select %lt3A_1620, %slice3A_59, %broadcast_in_dim3A_1622 : vector<200x128xi1>, vector<200x128xf32>
    %max3A_1624 = arith.maximumf %max3A_1619, %select_n3A_1623 : vector<200x128xf32>
    %lt3A_1625 = arith.cmpf olt, %slice3A_60, %max3A_1347 : vector<200x128xf32>
    %jit3A_1626 = arith.constant -3.000000e+38 : f32
    %broadcast_in_dim3A_1627 = vector.broadcast %jit3A_1626 : f32 to vector<200x128xf32>
    %select_n3A_1628 = arith.select %lt3A_1625, %slice3A_60, %broadcast_in_dim3A_1627 : vector<200x128xi1>, vector<200x128xf32>
    %max3A_1629 = arith.maximumf %max3A_1624, %select_n3A_1628 : vector<200x128xf32>
    %lt3A_1630 = arith.cmpf olt, %slice3A_61, %max3A_1347 : vector<200x128xf32>
    %jit3A_1631 = arith.constant -3.000000e+38 : f32
    %broadcast_in_dim3A_1632 = vector.broadcast %jit3A_1631 : f32 to vector<200x128xf32>
    %select_n3A_1633 = arith.select %lt3A_1630, %slice3A_61, %broadcast_in_dim3A_1632 : vector<200x128xi1>, vector<200x128xf32>
    %max3A_1634 = arith.maximumf %max3A_1629, %select_n3A_1633 : vector<200x128xf32>
    %lt3A_1635 = arith.cmpf olt, %slice3A_62, %max3A_1347 : vector<200x128xf32>
    %jit3A_1636 = arith.constant -3.000000e+38 : f32
    %broadcast_in_dim3A_1637 = vector.broadcast %jit3A_1636 : f32 to vector<200x128xf32>
    %select_n3A_1638 = arith.select %lt3A_1635, %slice3A_62, %broadcast_in_dim3A_1637 : vector<200x128xi1>, vector<200x128xf32>
    %max3A_1639 = arith.maximumf %max3A_1634, %select_n3A_1638 : vector<200x128xf32>
    %lt3A_1640 = arith.cmpf olt, %slice3A_63, %max3A_1347 : vector<200x128xf32>
    %jit3A_1641 = arith.constant -3.000000e+38 : f32
    %broadcast_in_dim3A_1642 = vector.broadcast %jit3A_1641 : f32 to vector<200x128xf32>
    %select_n3A_1643 = arith.select %lt3A_1640, %slice3A_63, %broadcast_in_dim3A_1642 : vector<200x128xi1>, vector<200x128xf32>
    %max3A_1644 = arith.maximumf %max3A_1639, %select_n3A_1643 : vector<200x128xf32>
    %lt3A_1645 = arith.cmpf olt, %slice3A_64, %max3A_1347 : vector<200x128xf32>
    %jit3A_1646 = arith.constant -3.000000e+38 : f32
    %broadcast_in_dim3A_1647 = vector.broadcast %jit3A_1646 : f32 to vector<200x128xf32>
    %select_n3A_1648 = arith.select %lt3A_1645, %slice3A_64, %broadcast_in_dim3A_1647 : vector<200x128xi1>, vector<200x128xf32>
    %max3A_1649 = arith.maximumf %max3A_1644, %select_n3A_1648 : vector<200x128xf32>
    %lt3A_1650 = arith.cmpf olt, %slice3A_65, %max3A_1347 : vector<200x128xf32>
    %jit3A_1651 = arith.constant -3.000000e+38 : f32
    %broadcast_in_dim3A_1652 = vector.broadcast %jit3A_1651 : f32 to vector<200x128xf32>
    %select_n3A_1653 = arith.select %lt3A_1650, %slice3A_65, %broadcast_in_dim3A_1652 : vector<200x128xi1>, vector<200x128xf32>
    %max3A_1654 = arith.maximumf %max3A_1649, %select_n3A_1653 : vector<200x128xf32>
    %lt3A_1655 = arith.cmpf olt, %slice3A_66, %max3A_1347 : vector<200x128xf32>
    %jit3A_1656 = arith.constant -3.000000e+38 : f32
    %broadcast_in_dim3A_1657 = vector.broadcast %jit3A_1656 : f32 to vector<200x128xf32>
    %select_n3A_1658 = arith.select %lt3A_1655, %slice3A_66, %broadcast_in_dim3A_1657 : vector<200x128xi1>, vector<200x128xf32>
    %max3A_1659 = arith.maximumf %max3A_1654, %select_n3A_1658 : vector<200x128xf32>
    %lt3A_1660 = arith.cmpf olt, %slice3A_67, %max3A_1347 : vector<200x128xf32>
    %jit3A_1661 = arith.constant -3.000000e+38 : f32
    %broadcast_in_dim3A_1662 = vector.broadcast %jit3A_1661 : f32 to vector<200x128xf32>
    %select_n3A_1663 = arith.select %lt3A_1660, %slice3A_67, %broadcast_in_dim3A_1662 : vector<200x128xi1>, vector<200x128xf32>
    %max3A_1664 = arith.maximumf %max3A_1659, %select_n3A_1663 : vector<200x128xf32>
    %lt3A_1665 = arith.cmpf olt, %slice3A_68, %max3A_1347 : vector<200x128xf32>
    %jit3A_1666 = arith.constant -3.000000e+38 : f32
    %broadcast_in_dim3A_1667 = vector.broadcast %jit3A_1666 : f32 to vector<200x128xf32>
    %select_n3A_1668 = arith.select %lt3A_1665, %slice3A_68, %broadcast_in_dim3A_1667 : vector<200x128xi1>, vector<200x128xf32>
    %max3A_1669 = arith.maximumf %max3A_1664, %select_n3A_1668 : vector<200x128xf32>
    %lt3A_1670 = arith.cmpf olt, %slice3A_69, %max3A_1347 : vector<200x128xf32>
    %jit3A_1671 = arith.constant -3.000000e+38 : f32
    %broadcast_in_dim3A_1672 = vector.broadcast %jit3A_1671 : f32 to vector<200x128xf32>
    %select_n3A_1673 = arith.select %lt3A_1670, %slice3A_69, %broadcast_in_dim3A_1672 : vector<200x128xi1>, vector<200x128xf32>
    %max3A_1674 = arith.maximumf %max3A_1669, %select_n3A_1673 : vector<200x128xf32>
    %lt3A_1675 = arith.cmpf olt, %slice3A_70, %max3A_1347 : vector<200x128xf32>
    %jit3A_1676 = arith.constant -3.000000e+38 : f32
    %broadcast_in_dim3A_1677 = vector.broadcast %jit3A_1676 : f32 to vector<200x128xf32>
    %select_n3A_1678 = arith.select %lt3A_1675, %slice3A_70, %broadcast_in_dim3A_1677 : vector<200x128xi1>, vector<200x128xf32>
    %max3A_1679 = arith.maximumf %max3A_1674, %select_n3A_1678 : vector<200x128xf32>
    %lt3A_1680 = arith.cmpf olt, %slice3A_71, %max3A_1347 : vector<200x128xf32>
    %jit3A_1681 = arith.constant -3.000000e+38 : f32
    %broadcast_in_dim3A_1682 = vector.broadcast %jit3A_1681 : f32 to vector<200x128xf32>
    %select_n3A_1683 = arith.select %lt3A_1680, %slice3A_71, %broadcast_in_dim3A_1682 : vector<200x128xi1>, vector<200x128xf32>
    %max3A_1684 = arith.maximumf %max3A_1679, %select_n3A_1683 : vector<200x128xf32>
    %lt3A_1685 = arith.cmpf olt, %slice3A_72, %max3A_1347 : vector<200x128xf32>
    %jit3A_1686 = arith.constant -3.000000e+38 : f32
    %broadcast_in_dim3A_1687 = vector.broadcast %jit3A_1686 : f32 to vector<200x128xf32>
    %select_n3A_1688 = arith.select %lt3A_1685, %slice3A_72, %broadcast_in_dim3A_1687 : vector<200x128xi1>, vector<200x128xf32>
    %max3A_1689 = arith.maximumf %max3A_1684, %select_n3A_1688 : vector<200x128xf32>
    %lt3A_1690 = arith.cmpf olt, %slice3A_73, %max3A_1347 : vector<200x128xf32>
    %jit3A_1691 = arith.constant -3.000000e+38 : f32
    %broadcast_in_dim3A_1692 = vector.broadcast %jit3A_1691 : f32 to vector<200x128xf32>
    %select_n3A_1693 = arith.select %lt3A_1690, %slice3A_73, %broadcast_in_dim3A_1692 : vector<200x128xi1>, vector<200x128xf32>
    %max3A_1694 = arith.maximumf %max3A_1689, %select_n3A_1693 : vector<200x128xf32>
    %lt3A_1695 = arith.cmpf olt, %slice3A_74, %max3A_1347 : vector<200x128xf32>
    %jit3A_1696 = arith.constant -3.000000e+38 : f32
    %broadcast_in_dim3A_1697 = vector.broadcast %jit3A_1696 : f32 to vector<200x128xf32>
    %select_n3A_1698 = arith.select %lt3A_1695, %slice3A_74, %broadcast_in_dim3A_1697 : vector<200x128xi1>, vector<200x128xf32>
    %max3A_1699 = arith.maximumf %max3A_1694, %select_n3A_1698 : vector<200x128xf32>
    %lt3A_1700 = arith.cmpf olt, %slice3A_75, %max3A_1347 : vector<200x128xf32>
    %jit3A_1701 = arith.constant -3.000000e+38 : f32
    %broadcast_in_dim3A_1702 = vector.broadcast %jit3A_1701 : f32 to vector<200x128xf32>
    %select_n3A_1703 = arith.select %lt3A_1700, %slice3A_75, %broadcast_in_dim3A_1702 : vector<200x128xi1>, vector<200x128xf32>
    %max3A_1704 = arith.maximumf %max3A_1699, %select_n3A_1703 : vector<200x128xf32>
    %lt3A_1705 = arith.cmpf olt, %slice3A_76, %max3A_1347 : vector<200x128xf32>
    %jit3A_1706 = arith.constant -3.000000e+38 : f32
    %broadcast_in_dim3A_1707 = vector.broadcast %jit3A_1706 : f32 to vector<200x128xf32>
    %select_n3A_1708 = arith.select %lt3A_1705, %slice3A_76, %broadcast_in_dim3A_1707 : vector<200x128xi1>, vector<200x128xf32>
    %max3A_1709 = arith.maximumf %max3A_1704, %select_n3A_1708 : vector<200x128xf32>
    %lt3A_1710 = arith.cmpf olt, %slice3A_77, %max3A_1347 : vector<200x128xf32>
    %jit3A_1711 = arith.constant -3.000000e+38 : f32
    %broadcast_in_dim3A_1712 = vector.broadcast %jit3A_1711 : f32 to vector<200x128xf32>
    %select_n3A_1713 = arith.select %lt3A_1710, %slice3A_77, %broadcast_in_dim3A_1712 : vector<200x128xi1>, vector<200x128xf32>
    %max3A_1714 = arith.maximumf %max3A_1709, %select_n3A_1713 : vector<200x128xf32>
    %lt3A_1715 = arith.cmpf olt, %slice3A_78, %max3A_1347 : vector<200x128xf32>
    %jit3A_1716 = arith.constant -3.000000e+38 : f32
    %broadcast_in_dim3A_1717 = vector.broadcast %jit3A_1716 : f32 to vector<200x128xf32>
    %select_n3A_1718 = arith.select %lt3A_1715, %slice3A_78, %broadcast_in_dim3A_1717 : vector<200x128xi1>, vector<200x128xf32>
    %max3A_1719 = arith.maximumf %max3A_1714, %select_n3A_1718 : vector<200x128xf32>
    %lt3A_1720 = arith.cmpf olt, %slice3A_79, %max3A_1347 : vector<200x128xf32>
    %jit3A_1721 = arith.constant -3.000000e+38 : f32
    %broadcast_in_dim3A_1722 = vector.broadcast %jit3A_1721 : f32 to vector<200x128xf32>
    %select_n3A_1723 = arith.select %lt3A_1720, %slice3A_79, %broadcast_in_dim3A_1722 : vector<200x128xi1>, vector<200x128xf32>
    %max3A_1724 = arith.maximumf %max3A_1719, %select_n3A_1723 : vector<200x128xf32>
    %lt3A_1725 = arith.cmpf olt, %slice3A_80, %max3A_1347 : vector<200x128xf32>
    %jit3A_1726 = arith.constant -3.000000e+38 : f32
    %broadcast_in_dim3A_1727 = vector.broadcast %jit3A_1726 : f32 to vector<200x128xf32>
    %select_n3A_1728 = arith.select %lt3A_1725, %slice3A_80, %broadcast_in_dim3A_1727 : vector<200x128xi1>, vector<200x128xf32>
    %max3A_1729 = arith.maximumf %max3A_1724, %select_n3A_1728 : vector<200x128xf32>
    %lt3A_1730 = arith.cmpf olt, %slice3A_81, %max3A_1347 : vector<200x128xf32>
    %jit3A_1731 = arith.constant -3.000000e+38 : f32
    %broadcast_in_dim3A_1732 = vector.broadcast %jit3A_1731 : f32 to vector<200x128xf32>
    %select_n3A_1733 = arith.select %lt3A_1730, %slice3A_81, %broadcast_in_dim3A_1732 : vector<200x128xi1>, vector<200x128xf32>
    %max3A_1734 = arith.maximumf %max3A_1729, %select_n3A_1733 : vector<200x128xf32>
    %lt3A_1735 = arith.cmpf olt, %slice3A_82, %max3A_1347 : vector<200x128xf32>
    %jit3A_1736 = arith.constant -3.000000e+38 : f32
    %broadcast_in_dim3A_1737 = vector.broadcast %jit3A_1736 : f32 to vector<200x128xf32>
    %select_n3A_1738 = arith.select %lt3A_1735, %slice3A_82, %broadcast_in_dim3A_1737 : vector<200x128xi1>, vector<200x128xf32>
    %max3A_1739 = arith.maximumf %max3A_1734, %select_n3A_1738 : vector<200x128xf32>
    %lt3A_1740 = arith.cmpf olt, %slice3A_83, %max3A_1347 : vector<200x128xf32>
    %jit3A_1741 = arith.constant -3.000000e+38 : f32
    %broadcast_in_dim3A_1742 = vector.broadcast %jit3A_1741 : f32 to vector<200x128xf32>
    %select_n3A_1743 = arith.select %lt3A_1740, %slice3A_83, %broadcast_in_dim3A_1742 : vector<200x128xi1>, vector<200x128xf32>
    %max3A_1744 = arith.maximumf %max3A_1739, %select_n3A_1743 : vector<200x128xf32>
    %broadcast_in_dim3A_1745 = arith.constant -3.000000e+38 : f32
    %broadcast_in_dim3A_1746 = vector.broadcast %broadcast_in_dim3A_1745 : f32 to vector<200x128xf32>
    %lt3A_1747 = arith.cmpf olt, %slice3A, %max3A_1744 : vector<200x128xf32>
    %jit3A_1748 = arith.constant -3.000000e+38 : f32
    %broadcast_in_dim3A_1749 = vector.broadcast %jit3A_1748 : f32 to vector<200x128xf32>
    %select_n3A_1750 = arith.select %lt3A_1747, %slice3A, %broadcast_in_dim3A_1749 : vector<200x128xi1>, vector<200x128xf32>
    %max3A_1751 = arith.maximumf %broadcast_in_dim3A_1746, %select_n3A_1750 : vector<200x128xf32>
    %lt3A_1752 = arith.cmpf olt, %slice3A_6, %max3A_1744 : vector<200x128xf32>
    %jit3A_1753 = arith.constant -3.000000e+38 : f32
    %broadcast_in_dim3A_1754 = vector.broadcast %jit3A_1753 : f32 to vector<200x128xf32>
    %select_n3A_1755 = arith.select %lt3A_1752, %slice3A_6, %broadcast_in_dim3A_1754 : vector<200x128xi1>, vector<200x128xf32>
    %max3A_1756 = arith.maximumf %max3A_1751, %select_n3A_1755 : vector<200x128xf32>
    %lt3A_1757 = arith.cmpf olt, %slice3A_7, %max3A_1744 : vector<200x128xf32>
    %jit3A_1758 = arith.constant -3.000000e+38 : f32
    %broadcast_in_dim3A_1759 = vector.broadcast %jit3A_1758 : f32 to vector<200x128xf32>
    %select_n3A_1760 = arith.select %lt3A_1757, %slice3A_7, %broadcast_in_dim3A_1759 : vector<200x128xi1>, vector<200x128xf32>
    %max3A_1761 = arith.maximumf %max3A_1756, %select_n3A_1760 : vector<200x128xf32>
    %lt3A_1762 = arith.cmpf olt, %slice3A_8, %max3A_1744 : vector<200x128xf32>
    %jit3A_1763 = arith.constant -3.000000e+38 : f32
    %broadcast_in_dim3A_1764 = vector.broadcast %jit3A_1763 : f32 to vector<200x128xf32>
    %select_n3A_1765 = arith.select %lt3A_1762, %slice3A_8, %broadcast_in_dim3A_1764 : vector<200x128xi1>, vector<200x128xf32>
    %max3A_1766 = arith.maximumf %max3A_1761, %select_n3A_1765 : vector<200x128xf32>
    %lt3A_1767 = arith.cmpf olt, %slice3A_9, %max3A_1744 : vector<200x128xf32>
    %jit3A_1768 = arith.constant -3.000000e+38 : f32
    %broadcast_in_dim3A_1769 = vector.broadcast %jit3A_1768 : f32 to vector<200x128xf32>
    %select_n3A_1770 = arith.select %lt3A_1767, %slice3A_9, %broadcast_in_dim3A_1769 : vector<200x128xi1>, vector<200x128xf32>
    %max3A_1771 = arith.maximumf %max3A_1766, %select_n3A_1770 : vector<200x128xf32>
    %lt3A_1772 = arith.cmpf olt, %slice3A_10, %max3A_1744 : vector<200x128xf32>
    %jit3A_1773 = arith.constant -3.000000e+38 : f32
    %broadcast_in_dim3A_1774 = vector.broadcast %jit3A_1773 : f32 to vector<200x128xf32>
    %select_n3A_1775 = arith.select %lt3A_1772, %slice3A_10, %broadcast_in_dim3A_1774 : vector<200x128xi1>, vector<200x128xf32>
    %max3A_1776 = arith.maximumf %max3A_1771, %select_n3A_1775 : vector<200x128xf32>
    %lt3A_1777 = arith.cmpf olt, %slice3A_11, %max3A_1744 : vector<200x128xf32>
    %jit3A_1778 = arith.constant -3.000000e+38 : f32
    %broadcast_in_dim3A_1779 = vector.broadcast %jit3A_1778 : f32 to vector<200x128xf32>
    %select_n3A_1780 = arith.select %lt3A_1777, %slice3A_11, %broadcast_in_dim3A_1779 : vector<200x128xi1>, vector<200x128xf32>
    %max3A_1781 = arith.maximumf %max3A_1776, %select_n3A_1780 : vector<200x128xf32>
    %lt3A_1782 = arith.cmpf olt, %slice3A_12, %max3A_1744 : vector<200x128xf32>
    %jit3A_1783 = arith.constant -3.000000e+38 : f32
    %broadcast_in_dim3A_1784 = vector.broadcast %jit3A_1783 : f32 to vector<200x128xf32>
    %select_n3A_1785 = arith.select %lt3A_1782, %slice3A_12, %broadcast_in_dim3A_1784 : vector<200x128xi1>, vector<200x128xf32>
    %max3A_1786 = arith.maximumf %max3A_1781, %select_n3A_1785 : vector<200x128xf32>
    %lt3A_1787 = arith.cmpf olt, %slice3A_13, %max3A_1744 : vector<200x128xf32>
    %jit3A_1788 = arith.constant -3.000000e+38 : f32
    %broadcast_in_dim3A_1789 = vector.broadcast %jit3A_1788 : f32 to vector<200x128xf32>
    %select_n3A_1790 = arith.select %lt3A_1787, %slice3A_13, %broadcast_in_dim3A_1789 : vector<200x128xi1>, vector<200x128xf32>
    %max3A_1791 = arith.maximumf %max3A_1786, %select_n3A_1790 : vector<200x128xf32>
    %lt3A_1792 = arith.cmpf olt, %slice3A_14, %max3A_1744 : vector<200x128xf32>
    %jit3A_1793 = arith.constant -3.000000e+38 : f32
    %broadcast_in_dim3A_1794 = vector.broadcast %jit3A_1793 : f32 to vector<200x128xf32>
    %select_n3A_1795 = arith.select %lt3A_1792, %slice3A_14, %broadcast_in_dim3A_1794 : vector<200x128xi1>, vector<200x128xf32>
    %max3A_1796 = arith.maximumf %max3A_1791, %select_n3A_1795 : vector<200x128xf32>
    %lt3A_1797 = arith.cmpf olt, %slice3A_15, %max3A_1744 : vector<200x128xf32>
    %jit3A_1798 = arith.constant -3.000000e+38 : f32
    %broadcast_in_dim3A_1799 = vector.broadcast %jit3A_1798 : f32 to vector<200x128xf32>
    %select_n3A_1800 = arith.select %lt3A_1797, %slice3A_15, %broadcast_in_dim3A_1799 : vector<200x128xi1>, vector<200x128xf32>
    %max3A_1801 = arith.maximumf %max3A_1796, %select_n3A_1800 : vector<200x128xf32>
    %lt3A_1802 = arith.cmpf olt, %slice3A_16, %max3A_1744 : vector<200x128xf32>
    %jit3A_1803 = arith.constant -3.000000e+38 : f32
    %broadcast_in_dim3A_1804 = vector.broadcast %jit3A_1803 : f32 to vector<200x128xf32>
    %select_n3A_1805 = arith.select %lt3A_1802, %slice3A_16, %broadcast_in_dim3A_1804 : vector<200x128xi1>, vector<200x128xf32>
    %max3A_1806 = arith.maximumf %max3A_1801, %select_n3A_1805 : vector<200x128xf32>
    %lt3A_1807 = arith.cmpf olt, %slice3A_17, %max3A_1744 : vector<200x128xf32>
    %jit3A_1808 = arith.constant -3.000000e+38 : f32
    %broadcast_in_dim3A_1809 = vector.broadcast %jit3A_1808 : f32 to vector<200x128xf32>
    %select_n3A_1810 = arith.select %lt3A_1807, %slice3A_17, %broadcast_in_dim3A_1809 : vector<200x128xi1>, vector<200x128xf32>
    %max3A_1811 = arith.maximumf %max3A_1806, %select_n3A_1810 : vector<200x128xf32>
    %lt3A_1812 = arith.cmpf olt, %slice3A_18, %max3A_1744 : vector<200x128xf32>
    %jit3A_1813 = arith.constant -3.000000e+38 : f32
    %broadcast_in_dim3A_1814 = vector.broadcast %jit3A_1813 : f32 to vector<200x128xf32>
    %select_n3A_1815 = arith.select %lt3A_1812, %slice3A_18, %broadcast_in_dim3A_1814 : vector<200x128xi1>, vector<200x128xf32>
    %max3A_1816 = arith.maximumf %max3A_1811, %select_n3A_1815 : vector<200x128xf32>
    %lt3A_1817 = arith.cmpf olt, %slice3A_19, %max3A_1744 : vector<200x128xf32>
    %jit3A_1818 = arith.constant -3.000000e+38 : f32
    %broadcast_in_dim3A_1819 = vector.broadcast %jit3A_1818 : f32 to vector<200x128xf32>
    %select_n3A_1820 = arith.select %lt3A_1817, %slice3A_19, %broadcast_in_dim3A_1819 : vector<200x128xi1>, vector<200x128xf32>
    %max3A_1821 = arith.maximumf %max3A_1816, %select_n3A_1820 : vector<200x128xf32>
    %lt3A_1822 = arith.cmpf olt, %slice3A_20, %max3A_1744 : vector<200x128xf32>
    %jit3A_1823 = arith.constant -3.000000e+38 : f32
    %broadcast_in_dim3A_1824 = vector.broadcast %jit3A_1823 : f32 to vector<200x128xf32>
    %select_n3A_1825 = arith.select %lt3A_1822, %slice3A_20, %broadcast_in_dim3A_1824 : vector<200x128xi1>, vector<200x128xf32>
    %max3A_1826 = arith.maximumf %max3A_1821, %select_n3A_1825 : vector<200x128xf32>
    %lt3A_1827 = arith.cmpf olt, %slice3A_21, %max3A_1744 : vector<200x128xf32>
    %jit3A_1828 = arith.constant -3.000000e+38 : f32
    %broadcast_in_dim3A_1829 = vector.broadcast %jit3A_1828 : f32 to vector<200x128xf32>
    %select_n3A_1830 = arith.select %lt3A_1827, %slice3A_21, %broadcast_in_dim3A_1829 : vector<200x128xi1>, vector<200x128xf32>
    %max3A_1831 = arith.maximumf %max3A_1826, %select_n3A_1830 : vector<200x128xf32>
    %lt3A_1832 = arith.cmpf olt, %slice3A_22, %max3A_1744 : vector<200x128xf32>
    %jit3A_1833 = arith.constant -3.000000e+38 : f32
    %broadcast_in_dim3A_1834 = vector.broadcast %jit3A_1833 : f32 to vector<200x128xf32>
    %select_n3A_1835 = arith.select %lt3A_1832, %slice3A_22, %broadcast_in_dim3A_1834 : vector<200x128xi1>, vector<200x128xf32>
    %max3A_1836 = arith.maximumf %max3A_1831, %select_n3A_1835 : vector<200x128xf32>
    %lt3A_1837 = arith.cmpf olt, %slice3A_23, %max3A_1744 : vector<200x128xf32>
    %jit3A_1838 = arith.constant -3.000000e+38 : f32
    %broadcast_in_dim3A_1839 = vector.broadcast %jit3A_1838 : f32 to vector<200x128xf32>
    %select_n3A_1840 = arith.select %lt3A_1837, %slice3A_23, %broadcast_in_dim3A_1839 : vector<200x128xi1>, vector<200x128xf32>
    %max3A_1841 = arith.maximumf %max3A_1836, %select_n3A_1840 : vector<200x128xf32>
    %lt3A_1842 = arith.cmpf olt, %slice3A_24, %max3A_1744 : vector<200x128xf32>
    %jit3A_1843 = arith.constant -3.000000e+38 : f32
    %broadcast_in_dim3A_1844 = vector.broadcast %jit3A_1843 : f32 to vector<200x128xf32>
    %select_n3A_1845 = arith.select %lt3A_1842, %slice3A_24, %broadcast_in_dim3A_1844 : vector<200x128xi1>, vector<200x128xf32>
    %max3A_1846 = arith.maximumf %max3A_1841, %select_n3A_1845 : vector<200x128xf32>
    %lt3A_1847 = arith.cmpf olt, %slice3A_25, %max3A_1744 : vector<200x128xf32>
    %jit3A_1848 = arith.constant -3.000000e+38 : f32
    %broadcast_in_dim3A_1849 = vector.broadcast %jit3A_1848 : f32 to vector<200x128xf32>
    %select_n3A_1850 = arith.select %lt3A_1847, %slice3A_25, %broadcast_in_dim3A_1849 : vector<200x128xi1>, vector<200x128xf32>
    %max3A_1851 = arith.maximumf %max3A_1846, %select_n3A_1850 : vector<200x128xf32>
    %lt3A_1852 = arith.cmpf olt, %slice3A_26, %max3A_1744 : vector<200x128xf32>
    %jit3A_1853 = arith.constant -3.000000e+38 : f32
    %broadcast_in_dim3A_1854 = vector.broadcast %jit3A_1853 : f32 to vector<200x128xf32>
    %select_n3A_1855 = arith.select %lt3A_1852, %slice3A_26, %broadcast_in_dim3A_1854 : vector<200x128xi1>, vector<200x128xf32>
    %max3A_1856 = arith.maximumf %max3A_1851, %select_n3A_1855 : vector<200x128xf32>
    %lt3A_1857 = arith.cmpf olt, %slice3A_27, %max3A_1744 : vector<200x128xf32>
    %jit3A_1858 = arith.constant -3.000000e+38 : f32
    %broadcast_in_dim3A_1859 = vector.broadcast %jit3A_1858 : f32 to vector<200x128xf32>
    %select_n3A_1860 = arith.select %lt3A_1857, %slice3A_27, %broadcast_in_dim3A_1859 : vector<200x128xi1>, vector<200x128xf32>
    %max3A_1861 = arith.maximumf %max3A_1856, %select_n3A_1860 : vector<200x128xf32>
    %lt3A_1862 = arith.cmpf olt, %slice3A_28, %max3A_1744 : vector<200x128xf32>
    %jit3A_1863 = arith.constant -3.000000e+38 : f32
    %broadcast_in_dim3A_1864 = vector.broadcast %jit3A_1863 : f32 to vector<200x128xf32>
    %select_n3A_1865 = arith.select %lt3A_1862, %slice3A_28, %broadcast_in_dim3A_1864 : vector<200x128xi1>, vector<200x128xf32>
    %max3A_1866 = arith.maximumf %max3A_1861, %select_n3A_1865 : vector<200x128xf32>
    %lt3A_1867 = arith.cmpf olt, %slice3A_29, %max3A_1744 : vector<200x128xf32>
    %jit3A_1868 = arith.constant -3.000000e+38 : f32
    %broadcast_in_dim3A_1869 = vector.broadcast %jit3A_1868 : f32 to vector<200x128xf32>
    %select_n3A_1870 = arith.select %lt3A_1867, %slice3A_29, %broadcast_in_dim3A_1869 : vector<200x128xi1>, vector<200x128xf32>
    %max3A_1871 = arith.maximumf %max3A_1866, %select_n3A_1870 : vector<200x128xf32>
    %lt3A_1872 = arith.cmpf olt, %slice3A_30, %max3A_1744 : vector<200x128xf32>
    %jit3A_1873 = arith.constant -3.000000e+38 : f32
    %broadcast_in_dim3A_1874 = vector.broadcast %jit3A_1873 : f32 to vector<200x128xf32>
    %select_n3A_1875 = arith.select %lt3A_1872, %slice3A_30, %broadcast_in_dim3A_1874 : vector<200x128xi1>, vector<200x128xf32>
    %max3A_1876 = arith.maximumf %max3A_1871, %select_n3A_1875 : vector<200x128xf32>
    %lt3A_1877 = arith.cmpf olt, %slice3A_31, %max3A_1744 : vector<200x128xf32>
    %jit3A_1878 = arith.constant -3.000000e+38 : f32
    %broadcast_in_dim3A_1879 = vector.broadcast %jit3A_1878 : f32 to vector<200x128xf32>
    %select_n3A_1880 = arith.select %lt3A_1877, %slice3A_31, %broadcast_in_dim3A_1879 : vector<200x128xi1>, vector<200x128xf32>
    %max3A_1881 = arith.maximumf %max3A_1876, %select_n3A_1880 : vector<200x128xf32>
    %lt3A_1882 = arith.cmpf olt, %slice3A_32, %max3A_1744 : vector<200x128xf32>
    %jit3A_1883 = arith.constant -3.000000e+38 : f32
    %broadcast_in_dim3A_1884 = vector.broadcast %jit3A_1883 : f32 to vector<200x128xf32>
    %select_n3A_1885 = arith.select %lt3A_1882, %slice3A_32, %broadcast_in_dim3A_1884 : vector<200x128xi1>, vector<200x128xf32>
    %max3A_1886 = arith.maximumf %max3A_1881, %select_n3A_1885 : vector<200x128xf32>
    %lt3A_1887 = arith.cmpf olt, %slice3A_33, %max3A_1744 : vector<200x128xf32>
    %jit3A_1888 = arith.constant -3.000000e+38 : f32
    %broadcast_in_dim3A_1889 = vector.broadcast %jit3A_1888 : f32 to vector<200x128xf32>
    %select_n3A_1890 = arith.select %lt3A_1887, %slice3A_33, %broadcast_in_dim3A_1889 : vector<200x128xi1>, vector<200x128xf32>
    %max3A_1891 = arith.maximumf %max3A_1886, %select_n3A_1890 : vector<200x128xf32>
    %lt3A_1892 = arith.cmpf olt, %slice3A_34, %max3A_1744 : vector<200x128xf32>
    %jit3A_1893 = arith.constant -3.000000e+38 : f32
    %broadcast_in_dim3A_1894 = vector.broadcast %jit3A_1893 : f32 to vector<200x128xf32>
    %select_n3A_1895 = arith.select %lt3A_1892, %slice3A_34, %broadcast_in_dim3A_1894 : vector<200x128xi1>, vector<200x128xf32>
    %max3A_1896 = arith.maximumf %max3A_1891, %select_n3A_1895 : vector<200x128xf32>
    %lt3A_1897 = arith.cmpf olt, %slice3A_35, %max3A_1744 : vector<200x128xf32>
    %jit3A_1898 = arith.constant -3.000000e+38 : f32
    %broadcast_in_dim3A_1899 = vector.broadcast %jit3A_1898 : f32 to vector<200x128xf32>
    %select_n3A_1900 = arith.select %lt3A_1897, %slice3A_35, %broadcast_in_dim3A_1899 : vector<200x128xi1>, vector<200x128xf32>
    %max3A_1901 = arith.maximumf %max3A_1896, %select_n3A_1900 : vector<200x128xf32>
    %lt3A_1902 = arith.cmpf olt, %slice3A_36, %max3A_1744 : vector<200x128xf32>
    %jit3A_1903 = arith.constant -3.000000e+38 : f32
    %broadcast_in_dim3A_1904 = vector.broadcast %jit3A_1903 : f32 to vector<200x128xf32>
    %select_n3A_1905 = arith.select %lt3A_1902, %slice3A_36, %broadcast_in_dim3A_1904 : vector<200x128xi1>, vector<200x128xf32>
    %max3A_1906 = arith.maximumf %max3A_1901, %select_n3A_1905 : vector<200x128xf32>
    %lt3A_1907 = arith.cmpf olt, %slice3A_37, %max3A_1744 : vector<200x128xf32>
    %jit3A_1908 = arith.constant -3.000000e+38 : f32
    %broadcast_in_dim3A_1909 = vector.broadcast %jit3A_1908 : f32 to vector<200x128xf32>
    %select_n3A_1910 = arith.select %lt3A_1907, %slice3A_37, %broadcast_in_dim3A_1909 : vector<200x128xi1>, vector<200x128xf32>
    %max3A_1911 = arith.maximumf %max3A_1906, %select_n3A_1910 : vector<200x128xf32>
    %lt3A_1912 = arith.cmpf olt, %slice3A_38, %max3A_1744 : vector<200x128xf32>
    %jit3A_1913 = arith.constant -3.000000e+38 : f32
    %broadcast_in_dim3A_1914 = vector.broadcast %jit3A_1913 : f32 to vector<200x128xf32>
    %select_n3A_1915 = arith.select %lt3A_1912, %slice3A_38, %broadcast_in_dim3A_1914 : vector<200x128xi1>, vector<200x128xf32>
    %max3A_1916 = arith.maximumf %max3A_1911, %select_n3A_1915 : vector<200x128xf32>
    %lt3A_1917 = arith.cmpf olt, %slice3A_39, %max3A_1744 : vector<200x128xf32>
    %jit3A_1918 = arith.constant -3.000000e+38 : f32
    %broadcast_in_dim3A_1919 = vector.broadcast %jit3A_1918 : f32 to vector<200x128xf32>
    %select_n3A_1920 = arith.select %lt3A_1917, %slice3A_39, %broadcast_in_dim3A_1919 : vector<200x128xi1>, vector<200x128xf32>
    %max3A_1921 = arith.maximumf %max3A_1916, %select_n3A_1920 : vector<200x128xf32>
    %lt3A_1922 = arith.cmpf olt, %slice3A_40, %max3A_1744 : vector<200x128xf32>
    %jit3A_1923 = arith.constant -3.000000e+38 : f32
    %broadcast_in_dim3A_1924 = vector.broadcast %jit3A_1923 : f32 to vector<200x128xf32>
    %select_n3A_1925 = arith.select %lt3A_1922, %slice3A_40, %broadcast_in_dim3A_1924 : vector<200x128xi1>, vector<200x128xf32>
    %max3A_1926 = arith.maximumf %max3A_1921, %select_n3A_1925 : vector<200x128xf32>
    %lt3A_1927 = arith.cmpf olt, %slice3A_41, %max3A_1744 : vector<200x128xf32>
    %jit3A_1928 = arith.constant -3.000000e+38 : f32
    %broadcast_in_dim3A_1929 = vector.broadcast %jit3A_1928 : f32 to vector<200x128xf32>
    %select_n3A_1930 = arith.select %lt3A_1927, %slice3A_41, %broadcast_in_dim3A_1929 : vector<200x128xi1>, vector<200x128xf32>
    %max3A_1931 = arith.maximumf %max3A_1926, %select_n3A_1930 : vector<200x128xf32>
    %lt3A_1932 = arith.cmpf olt, %slice3A_42, %max3A_1744 : vector<200x128xf32>
    %jit3A_1933 = arith.constant -3.000000e+38 : f32
    %broadcast_in_dim3A_1934 = vector.broadcast %jit3A_1933 : f32 to vector<200x128xf32>
    %select_n3A_1935 = arith.select %lt3A_1932, %slice3A_42, %broadcast_in_dim3A_1934 : vector<200x128xi1>, vector<200x128xf32>
    %max3A_1936 = arith.maximumf %max3A_1931, %select_n3A_1935 : vector<200x128xf32>
    %lt3A_1937 = arith.cmpf olt, %slice3A_43, %max3A_1744 : vector<200x128xf32>
    %jit3A_1938 = arith.constant -3.000000e+38 : f32
    %broadcast_in_dim3A_1939 = vector.broadcast %jit3A_1938 : f32 to vector<200x128xf32>
    %select_n3A_1940 = arith.select %lt3A_1937, %slice3A_43, %broadcast_in_dim3A_1939 : vector<200x128xi1>, vector<200x128xf32>
    %max3A_1941 = arith.maximumf %max3A_1936, %select_n3A_1940 : vector<200x128xf32>
    %lt3A_1942 = arith.cmpf olt, %slice3A_44, %max3A_1744 : vector<200x128xf32>
    %jit3A_1943 = arith.constant -3.000000e+38 : f32
    %broadcast_in_dim3A_1944 = vector.broadcast %jit3A_1943 : f32 to vector<200x128xf32>
    %select_n3A_1945 = arith.select %lt3A_1942, %slice3A_44, %broadcast_in_dim3A_1944 : vector<200x128xi1>, vector<200x128xf32>
    %max3A_1946 = arith.maximumf %max3A_1941, %select_n3A_1945 : vector<200x128xf32>
    %lt3A_1947 = arith.cmpf olt, %slice3A_45, %max3A_1744 : vector<200x128xf32>
    %jit3A_1948 = arith.constant -3.000000e+38 : f32
    %broadcast_in_dim3A_1949 = vector.broadcast %jit3A_1948 : f32 to vector<200x128xf32>
    %select_n3A_1950 = arith.select %lt3A_1947, %slice3A_45, %broadcast_in_dim3A_1949 : vector<200x128xi1>, vector<200x128xf32>
    %max3A_1951 = arith.maximumf %max3A_1946, %select_n3A_1950 : vector<200x128xf32>
    %lt3A_1952 = arith.cmpf olt, %slice3A_46, %max3A_1744 : vector<200x128xf32>
    %jit3A_1953 = arith.constant -3.000000e+38 : f32
    %broadcast_in_dim3A_1954 = vector.broadcast %jit3A_1953 : f32 to vector<200x128xf32>
    %select_n3A_1955 = arith.select %lt3A_1952, %slice3A_46, %broadcast_in_dim3A_1954 : vector<200x128xi1>, vector<200x128xf32>
    %max3A_1956 = arith.maximumf %max3A_1951, %select_n3A_1955 : vector<200x128xf32>
    %lt3A_1957 = arith.cmpf olt, %slice3A_47, %max3A_1744 : vector<200x128xf32>
    %jit3A_1958 = arith.constant -3.000000e+38 : f32
    %broadcast_in_dim3A_1959 = vector.broadcast %jit3A_1958 : f32 to vector<200x128xf32>
    %select_n3A_1960 = arith.select %lt3A_1957, %slice3A_47, %broadcast_in_dim3A_1959 : vector<200x128xi1>, vector<200x128xf32>
    %max3A_1961 = arith.maximumf %max3A_1956, %select_n3A_1960 : vector<200x128xf32>
    %lt3A_1962 = arith.cmpf olt, %slice3A_48, %max3A_1744 : vector<200x128xf32>
    %jit3A_1963 = arith.constant -3.000000e+38 : f32
    %broadcast_in_dim3A_1964 = vector.broadcast %jit3A_1963 : f32 to vector<200x128xf32>
    %select_n3A_1965 = arith.select %lt3A_1962, %slice3A_48, %broadcast_in_dim3A_1964 : vector<200x128xi1>, vector<200x128xf32>
    %max3A_1966 = arith.maximumf %max3A_1961, %select_n3A_1965 : vector<200x128xf32>
    %lt3A_1967 = arith.cmpf olt, %slice3A_49, %max3A_1744 : vector<200x128xf32>
    %jit3A_1968 = arith.constant -3.000000e+38 : f32
    %broadcast_in_dim3A_1969 = vector.broadcast %jit3A_1968 : f32 to vector<200x128xf32>
    %select_n3A_1970 = arith.select %lt3A_1967, %slice3A_49, %broadcast_in_dim3A_1969 : vector<200x128xi1>, vector<200x128xf32>
    %max3A_1971 = arith.maximumf %max3A_1966, %select_n3A_1970 : vector<200x128xf32>
    %lt3A_1972 = arith.cmpf olt, %slice3A_50, %max3A_1744 : vector<200x128xf32>
    %jit3A_1973 = arith.constant -3.000000e+38 : f32
    %broadcast_in_dim3A_1974 = vector.broadcast %jit3A_1973 : f32 to vector<200x128xf32>
    %select_n3A_1975 = arith.select %lt3A_1972, %slice3A_50, %broadcast_in_dim3A_1974 : vector<200x128xi1>, vector<200x128xf32>
    %max3A_1976 = arith.maximumf %max3A_1971, %select_n3A_1975 : vector<200x128xf32>
    %lt3A_1977 = arith.cmpf olt, %slice3A_51, %max3A_1744 : vector<200x128xf32>
    %jit3A_1978 = arith.constant -3.000000e+38 : f32
    %broadcast_in_dim3A_1979 = vector.broadcast %jit3A_1978 : f32 to vector<200x128xf32>
    %select_n3A_1980 = arith.select %lt3A_1977, %slice3A_51, %broadcast_in_dim3A_1979 : vector<200x128xi1>, vector<200x128xf32>
    %max3A_1981 = arith.maximumf %max3A_1976, %select_n3A_1980 : vector<200x128xf32>
    %lt3A_1982 = arith.cmpf olt, %slice3A_52, %max3A_1744 : vector<200x128xf32>
    %jit3A_1983 = arith.constant -3.000000e+38 : f32
    %broadcast_in_dim3A_1984 = vector.broadcast %jit3A_1983 : f32 to vector<200x128xf32>
    %select_n3A_1985 = arith.select %lt3A_1982, %slice3A_52, %broadcast_in_dim3A_1984 : vector<200x128xi1>, vector<200x128xf32>
    %max3A_1986 = arith.maximumf %max3A_1981, %select_n3A_1985 : vector<200x128xf32>
    %lt3A_1987 = arith.cmpf olt, %slice3A_53, %max3A_1744 : vector<200x128xf32>
    %jit3A_1988 = arith.constant -3.000000e+38 : f32
    %broadcast_in_dim3A_1989 = vector.broadcast %jit3A_1988 : f32 to vector<200x128xf32>
    %select_n3A_1990 = arith.select %lt3A_1987, %slice3A_53, %broadcast_in_dim3A_1989 : vector<200x128xi1>, vector<200x128xf32>
    %max3A_1991 = arith.maximumf %max3A_1986, %select_n3A_1990 : vector<200x128xf32>
    %lt3A_1992 = arith.cmpf olt, %slice3A_54, %max3A_1744 : vector<200x128xf32>
    %jit3A_1993 = arith.constant -3.000000e+38 : f32
    %broadcast_in_dim3A_1994 = vector.broadcast %jit3A_1993 : f32 to vector<200x128xf32>
    %select_n3A_1995 = arith.select %lt3A_1992, %slice3A_54, %broadcast_in_dim3A_1994 : vector<200x128xi1>, vector<200x128xf32>
    %max3A_1996 = arith.maximumf %max3A_1991, %select_n3A_1995 : vector<200x128xf32>
    %lt3A_1997 = arith.cmpf olt, %slice3A_55, %max3A_1744 : vector<200x128xf32>
    %jit3A_1998 = arith.constant -3.000000e+38 : f32
    %broadcast_in_dim3A_1999 = vector.broadcast %jit3A_1998 : f32 to vector<200x128xf32>
    %select_n3A_2000 = arith.select %lt3A_1997, %slice3A_55, %broadcast_in_dim3A_1999 : vector<200x128xi1>, vector<200x128xf32>
    %max3A_2001 = arith.maximumf %max3A_1996, %select_n3A_2000 : vector<200x128xf32>
    %lt3A_2002 = arith.cmpf olt, %slice3A_56, %max3A_1744 : vector<200x128xf32>
    %jit3A_2003 = arith.constant -3.000000e+38 : f32
    %broadcast_in_dim3A_2004 = vector.broadcast %jit3A_2003 : f32 to vector<200x128xf32>
    %select_n3A_2005 = arith.select %lt3A_2002, %slice3A_56, %broadcast_in_dim3A_2004 : vector<200x128xi1>, vector<200x128xf32>
    %max3A_2006 = arith.maximumf %max3A_2001, %select_n3A_2005 : vector<200x128xf32>
    %lt3A_2007 = arith.cmpf olt, %slice3A_57, %max3A_1744 : vector<200x128xf32>
    %jit3A_2008 = arith.constant -3.000000e+38 : f32
    %broadcast_in_dim3A_2009 = vector.broadcast %jit3A_2008 : f32 to vector<200x128xf32>
    %select_n3A_2010 = arith.select %lt3A_2007, %slice3A_57, %broadcast_in_dim3A_2009 : vector<200x128xi1>, vector<200x128xf32>
    %max3A_2011 = arith.maximumf %max3A_2006, %select_n3A_2010 : vector<200x128xf32>
    %lt3A_2012 = arith.cmpf olt, %slice3A_58, %max3A_1744 : vector<200x128xf32>
    %jit3A_2013 = arith.constant -3.000000e+38 : f32
    %broadcast_in_dim3A_2014 = vector.broadcast %jit3A_2013 : f32 to vector<200x128xf32>
    %select_n3A_2015 = arith.select %lt3A_2012, %slice3A_58, %broadcast_in_dim3A_2014 : vector<200x128xi1>, vector<200x128xf32>
    %max3A_2016 = arith.maximumf %max3A_2011, %select_n3A_2015 : vector<200x128xf32>
    %lt3A_2017 = arith.cmpf olt, %slice3A_59, %max3A_1744 : vector<200x128xf32>
    %jit3A_2018 = arith.constant -3.000000e+38 : f32
    %broadcast_in_dim3A_2019 = vector.broadcast %jit3A_2018 : f32 to vector<200x128xf32>
    %select_n3A_2020 = arith.select %lt3A_2017, %slice3A_59, %broadcast_in_dim3A_2019 : vector<200x128xi1>, vector<200x128xf32>
    %max3A_2021 = arith.maximumf %max3A_2016, %select_n3A_2020 : vector<200x128xf32>
    %lt3A_2022 = arith.cmpf olt, %slice3A_60, %max3A_1744 : vector<200x128xf32>
    %jit3A_2023 = arith.constant -3.000000e+38 : f32
    %broadcast_in_dim3A_2024 = vector.broadcast %jit3A_2023 : f32 to vector<200x128xf32>
    %select_n3A_2025 = arith.select %lt3A_2022, %slice3A_60, %broadcast_in_dim3A_2024 : vector<200x128xi1>, vector<200x128xf32>
    %max3A_2026 = arith.maximumf %max3A_2021, %select_n3A_2025 : vector<200x128xf32>
    %lt3A_2027 = arith.cmpf olt, %slice3A_61, %max3A_1744 : vector<200x128xf32>
    %jit3A_2028 = arith.constant -3.000000e+38 : f32
    %broadcast_in_dim3A_2029 = vector.broadcast %jit3A_2028 : f32 to vector<200x128xf32>
    %select_n3A_2030 = arith.select %lt3A_2027, %slice3A_61, %broadcast_in_dim3A_2029 : vector<200x128xi1>, vector<200x128xf32>
    %max3A_2031 = arith.maximumf %max3A_2026, %select_n3A_2030 : vector<200x128xf32>
    %lt3A_2032 = arith.cmpf olt, %slice3A_62, %max3A_1744 : vector<200x128xf32>
    %jit3A_2033 = arith.constant -3.000000e+38 : f32
    %broadcast_in_dim3A_2034 = vector.broadcast %jit3A_2033 : f32 to vector<200x128xf32>
    %select_n3A_2035 = arith.select %lt3A_2032, %slice3A_62, %broadcast_in_dim3A_2034 : vector<200x128xi1>, vector<200x128xf32>
    %max3A_2036 = arith.maximumf %max3A_2031, %select_n3A_2035 : vector<200x128xf32>
    %lt3A_2037 = arith.cmpf olt, %slice3A_63, %max3A_1744 : vector<200x128xf32>
    %jit3A_2038 = arith.constant -3.000000e+38 : f32
    %broadcast_in_dim3A_2039 = vector.broadcast %jit3A_2038 : f32 to vector<200x128xf32>
    %select_n3A_2040 = arith.select %lt3A_2037, %slice3A_63, %broadcast_in_dim3A_2039 : vector<200x128xi1>, vector<200x128xf32>
    %max3A_2041 = arith.maximumf %max3A_2036, %select_n3A_2040 : vector<200x128xf32>
    %lt3A_2042 = arith.cmpf olt, %slice3A_64, %max3A_1744 : vector<200x128xf32>
    %jit3A_2043 = arith.constant -3.000000e+38 : f32
    %broadcast_in_dim3A_2044 = vector.broadcast %jit3A_2043 : f32 to vector<200x128xf32>
    %select_n3A_2045 = arith.select %lt3A_2042, %slice3A_64, %broadcast_in_dim3A_2044 : vector<200x128xi1>, vector<200x128xf32>
    %max3A_2046 = arith.maximumf %max3A_2041, %select_n3A_2045 : vector<200x128xf32>
    %lt3A_2047 = arith.cmpf olt, %slice3A_65, %max3A_1744 : vector<200x128xf32>
    %jit3A_2048 = arith.constant -3.000000e+38 : f32
    %broadcast_in_dim3A_2049 = vector.broadcast %jit3A_2048 : f32 to vector<200x128xf32>
    %select_n3A_2050 = arith.select %lt3A_2047, %slice3A_65, %broadcast_in_dim3A_2049 : vector<200x128xi1>, vector<200x128xf32>
    %max3A_2051 = arith.maximumf %max3A_2046, %select_n3A_2050 : vector<200x128xf32>
    %lt3A_2052 = arith.cmpf olt, %slice3A_66, %max3A_1744 : vector<200x128xf32>
    %jit3A_2053 = arith.constant -3.000000e+38 : f32
    %broadcast_in_dim3A_2054 = vector.broadcast %jit3A_2053 : f32 to vector<200x128xf32>
    %select_n3A_2055 = arith.select %lt3A_2052, %slice3A_66, %broadcast_in_dim3A_2054 : vector<200x128xi1>, vector<200x128xf32>
    %max3A_2056 = arith.maximumf %max3A_2051, %select_n3A_2055 : vector<200x128xf32>
    %lt3A_2057 = arith.cmpf olt, %slice3A_67, %max3A_1744 : vector<200x128xf32>
    %jit3A_2058 = arith.constant -3.000000e+38 : f32
    %broadcast_in_dim3A_2059 = vector.broadcast %jit3A_2058 : f32 to vector<200x128xf32>
    %select_n3A_2060 = arith.select %lt3A_2057, %slice3A_67, %broadcast_in_dim3A_2059 : vector<200x128xi1>, vector<200x128xf32>
    %max3A_2061 = arith.maximumf %max3A_2056, %select_n3A_2060 : vector<200x128xf32>
    %lt3A_2062 = arith.cmpf olt, %slice3A_68, %max3A_1744 : vector<200x128xf32>
    %jit3A_2063 = arith.constant -3.000000e+38 : f32
    %broadcast_in_dim3A_2064 = vector.broadcast %jit3A_2063 : f32 to vector<200x128xf32>
    %select_n3A_2065 = arith.select %lt3A_2062, %slice3A_68, %broadcast_in_dim3A_2064 : vector<200x128xi1>, vector<200x128xf32>
    %max3A_2066 = arith.maximumf %max3A_2061, %select_n3A_2065 : vector<200x128xf32>
    %lt3A_2067 = arith.cmpf olt, %slice3A_69, %max3A_1744 : vector<200x128xf32>
    %jit3A_2068 = arith.constant -3.000000e+38 : f32
    %broadcast_in_dim3A_2069 = vector.broadcast %jit3A_2068 : f32 to vector<200x128xf32>
    %select_n3A_2070 = arith.select %lt3A_2067, %slice3A_69, %broadcast_in_dim3A_2069 : vector<200x128xi1>, vector<200x128xf32>
    %max3A_2071 = arith.maximumf %max3A_2066, %select_n3A_2070 : vector<200x128xf32>
    %lt3A_2072 = arith.cmpf olt, %slice3A_70, %max3A_1744 : vector<200x128xf32>
    %jit3A_2073 = arith.constant -3.000000e+38 : f32
    %broadcast_in_dim3A_2074 = vector.broadcast %jit3A_2073 : f32 to vector<200x128xf32>
    %select_n3A_2075 = arith.select %lt3A_2072, %slice3A_70, %broadcast_in_dim3A_2074 : vector<200x128xi1>, vector<200x128xf32>
    %max3A_2076 = arith.maximumf %max3A_2071, %select_n3A_2075 : vector<200x128xf32>
    %lt3A_2077 = arith.cmpf olt, %slice3A_71, %max3A_1744 : vector<200x128xf32>
    %jit3A_2078 = arith.constant -3.000000e+38 : f32
    %broadcast_in_dim3A_2079 = vector.broadcast %jit3A_2078 : f32 to vector<200x128xf32>
    %select_n3A_2080 = arith.select %lt3A_2077, %slice3A_71, %broadcast_in_dim3A_2079 : vector<200x128xi1>, vector<200x128xf32>
    %max3A_2081 = arith.maximumf %max3A_2076, %select_n3A_2080 : vector<200x128xf32>
    %lt3A_2082 = arith.cmpf olt, %slice3A_72, %max3A_1744 : vector<200x128xf32>
    %jit3A_2083 = arith.constant -3.000000e+38 : f32
    %broadcast_in_dim3A_2084 = vector.broadcast %jit3A_2083 : f32 to vector<200x128xf32>
    %select_n3A_2085 = arith.select %lt3A_2082, %slice3A_72, %broadcast_in_dim3A_2084 : vector<200x128xi1>, vector<200x128xf32>
    %max3A_2086 = arith.maximumf %max3A_2081, %select_n3A_2085 : vector<200x128xf32>
    %lt3A_2087 = arith.cmpf olt, %slice3A_73, %max3A_1744 : vector<200x128xf32>
    %jit3A_2088 = arith.constant -3.000000e+38 : f32
    %broadcast_in_dim3A_2089 = vector.broadcast %jit3A_2088 : f32 to vector<200x128xf32>
    %select_n3A_2090 = arith.select %lt3A_2087, %slice3A_73, %broadcast_in_dim3A_2089 : vector<200x128xi1>, vector<200x128xf32>
    %max3A_2091 = arith.maximumf %max3A_2086, %select_n3A_2090 : vector<200x128xf32>
    %lt3A_2092 = arith.cmpf olt, %slice3A_74, %max3A_1744 : vector<200x128xf32>
    %jit3A_2093 = arith.constant -3.000000e+38 : f32
    %broadcast_in_dim3A_2094 = vector.broadcast %jit3A_2093 : f32 to vector<200x128xf32>
    %select_n3A_2095 = arith.select %lt3A_2092, %slice3A_74, %broadcast_in_dim3A_2094 : vector<200x128xi1>, vector<200x128xf32>
    %max3A_2096 = arith.maximumf %max3A_2091, %select_n3A_2095 : vector<200x128xf32>
    %lt3A_2097 = arith.cmpf olt, %slice3A_75, %max3A_1744 : vector<200x128xf32>
    %jit3A_2098 = arith.constant -3.000000e+38 : f32
    %broadcast_in_dim3A_2099 = vector.broadcast %jit3A_2098 : f32 to vector<200x128xf32>
    %select_n3A_2100 = arith.select %lt3A_2097, %slice3A_75, %broadcast_in_dim3A_2099 : vector<200x128xi1>, vector<200x128xf32>
    %max3A_2101 = arith.maximumf %max3A_2096, %select_n3A_2100 : vector<200x128xf32>
    %lt3A_2102 = arith.cmpf olt, %slice3A_76, %max3A_1744 : vector<200x128xf32>
    %jit3A_2103 = arith.constant -3.000000e+38 : f32
    %broadcast_in_dim3A_2104 = vector.broadcast %jit3A_2103 : f32 to vector<200x128xf32>
    %select_n3A_2105 = arith.select %lt3A_2102, %slice3A_76, %broadcast_in_dim3A_2104 : vector<200x128xi1>, vector<200x128xf32>
    %max3A_2106 = arith.maximumf %max3A_2101, %select_n3A_2105 : vector<200x128xf32>
    %lt3A_2107 = arith.cmpf olt, %slice3A_77, %max3A_1744 : vector<200x128xf32>
    %jit3A_2108 = arith.constant -3.000000e+38 : f32
    %broadcast_in_dim3A_2109 = vector.broadcast %jit3A_2108 : f32 to vector<200x128xf32>
    %select_n3A_2110 = arith.select %lt3A_2107, %slice3A_77, %broadcast_in_dim3A_2109 : vector<200x128xi1>, vector<200x128xf32>
    %max3A_2111 = arith.maximumf %max3A_2106, %select_n3A_2110 : vector<200x128xf32>
    %lt3A_2112 = arith.cmpf olt, %slice3A_78, %max3A_1744 : vector<200x128xf32>
    %jit3A_2113 = arith.constant -3.000000e+38 : f32
    %broadcast_in_dim3A_2114 = vector.broadcast %jit3A_2113 : f32 to vector<200x128xf32>
    %select_n3A_2115 = arith.select %lt3A_2112, %slice3A_78, %broadcast_in_dim3A_2114 : vector<200x128xi1>, vector<200x128xf32>
    %max3A_2116 = arith.maximumf %max3A_2111, %select_n3A_2115 : vector<200x128xf32>
    %lt3A_2117 = arith.cmpf olt, %slice3A_79, %max3A_1744 : vector<200x128xf32>
    %jit3A_2118 = arith.constant -3.000000e+38 : f32
    %broadcast_in_dim3A_2119 = vector.broadcast %jit3A_2118 : f32 to vector<200x128xf32>
    %select_n3A_2120 = arith.select %lt3A_2117, %slice3A_79, %broadcast_in_dim3A_2119 : vector<200x128xi1>, vector<200x128xf32>
    %max3A_2121 = arith.maximumf %max3A_2116, %select_n3A_2120 : vector<200x128xf32>
    %lt3A_2122 = arith.cmpf olt, %slice3A_80, %max3A_1744 : vector<200x128xf32>
    %jit3A_2123 = arith.constant -3.000000e+38 : f32
    %broadcast_in_dim3A_2124 = vector.broadcast %jit3A_2123 : f32 to vector<200x128xf32>
    %select_n3A_2125 = arith.select %lt3A_2122, %slice3A_80, %broadcast_in_dim3A_2124 : vector<200x128xi1>, vector<200x128xf32>
    %max3A_2126 = arith.maximumf %max3A_2121, %select_n3A_2125 : vector<200x128xf32>
    %lt3A_2127 = arith.cmpf olt, %slice3A_81, %max3A_1744 : vector<200x128xf32>
    %jit3A_2128 = arith.constant -3.000000e+38 : f32
    %broadcast_in_dim3A_2129 = vector.broadcast %jit3A_2128 : f32 to vector<200x128xf32>
    %select_n3A_2130 = arith.select %lt3A_2127, %slice3A_81, %broadcast_in_dim3A_2129 : vector<200x128xi1>, vector<200x128xf32>
    %max3A_2131 = arith.maximumf %max3A_2126, %select_n3A_2130 : vector<200x128xf32>
    %lt3A_2132 = arith.cmpf olt, %slice3A_82, %max3A_1744 : vector<200x128xf32>
    %jit3A_2133 = arith.constant -3.000000e+38 : f32
    %broadcast_in_dim3A_2134 = vector.broadcast %jit3A_2133 : f32 to vector<200x128xf32>
    %select_n3A_2135 = arith.select %lt3A_2132, %slice3A_82, %broadcast_in_dim3A_2134 : vector<200x128xi1>, vector<200x128xf32>
    %max3A_2136 = arith.maximumf %max3A_2131, %select_n3A_2135 : vector<200x128xf32>
    %lt3A_2137 = arith.cmpf olt, %slice3A_83, %max3A_1744 : vector<200x128xf32>
    %jit3A_2138 = arith.constant -3.000000e+38 : f32
    %broadcast_in_dim3A_2139 = vector.broadcast %jit3A_2138 : f32 to vector<200x128xf32>
    %select_n3A_2140 = arith.select %lt3A_2137, %slice3A_83, %broadcast_in_dim3A_2139 : vector<200x128xi1>, vector<200x128xf32>
    %max3A_2141 = arith.maximumf %max3A_2136, %select_n3A_2140 : vector<200x128xf32>
    %concatenate3A = tpu.concatenate %max3A_160, %max3A_553, %max3A_950, %max3A_1347, %max3A_1744, %max3A_2141 in 1 : vector<200x128xf32>, vector<200x128xf32>, vector<200x128xf32>, vector<200x128xf32>, vector<200x128xf32>, vector<200x128xf32> -> vector<200x768xf32>
    %reduce_max3A = arith.constant dense<0xFF800000> : vector<200xf32>
    %reduce_max3A_2142 = vector.multi_reduction <maximumf>, %concatenate3A, %reduce_max3A [1] : vector<200x768xf32> to vector<200xf32>
    %broadcast_in_dim3A_2143 = vector.shape_cast %reduce_max3A_2142 : vector<200xf32> to vector<200x1xf32>
    %lt3A_2144 = vector.broadcast %broadcast_in_dim3A_2143 : vector<200x1xf32> to vector<200x768xf32>
    %lt3A_2145 = arith.cmpf olt, %concatenate3A, %lt3A_2144 : vector<200x768xf32>
    %jit3A_2146 = arith.constant -3.000000e+38 : f32
    %broadcast_in_dim3A_2147 = vector.broadcast %jit3A_2146 : f32 to vector<200x768xf32>
    %select_n3A_2148 = arith.select %lt3A_2145, %concatenate3A, %broadcast_in_dim3A_2147 : vector<200x768xi1>, vector<200x768xf32>
    %reduce_max3A_2149 = arith.constant dense<0xFF800000> : vector<200xf32>
    %reduce_max3A_2150 = vector.multi_reduction <maximumf>, %select_n3A_2148, %reduce_max3A_2149 [1] : vector<200x768xf32> to vector<200xf32>
    %broadcast_in_dim3A_2151 = vector.shape_cast %reduce_max3A_2150 : vector<200xf32> to vector<200x1xf32>
    %lt3A_2152 = vector.broadcast %broadcast_in_dim3A_2151 : vector<200x1xf32> to vector<200x768xf32>
    %lt3A_2153 = arith.cmpf olt, %select_n3A_2148, %lt3A_2152 : vector<200x768xf32>
    %jit3A_2154 = arith.constant -3.000000e+38 : f32
    %broadcast_in_dim3A_2155 = vector.broadcast %jit3A_2154 : f32 to vector<200x768xf32>
    %select_n3A_2156 = arith.select %lt3A_2153, %select_n3A_2148, %broadcast_in_dim3A_2155 : vector<200x768xi1>, vector<200x768xf32>
    %reduce_max3A_2157 = arith.constant dense<0xFF800000> : vector<200xf32>
    %reduce_max3A_2158 = vector.multi_reduction <maximumf>, %select_n3A_2156, %reduce_max3A_2157 [1] : vector<200x768xf32> to vector<200xf32>
    %broadcast_in_dim3A_2159 = vector.shape_cast %reduce_max3A_2158 : vector<200xf32> to vector<200x1xf32>
    %lt3A_2160 = vector.broadcast %broadcast_in_dim3A_2159 : vector<200x1xf32> to vector<200x768xf32>
    %lt3A_2161 = arith.cmpf olt, %select_n3A_2156, %lt3A_2160 : vector<200x768xf32>
    %jit3A_2162 = arith.constant -3.000000e+38 : f32
    %broadcast_in_dim3A_2163 = vector.broadcast %jit3A_2162 : f32 to vector<200x768xf32>
    %select_n3A_2164 = arith.select %lt3A_2161, %select_n3A_2156, %broadcast_in_dim3A_2163 : vector<200x768xi1>, vector<200x768xf32>
    %reduce_max3A_2165 = arith.constant dense<0xFF800000> : vector<200xf32>
    %reduce_max3A_2166 = vector.multi_reduction <maximumf>, %select_n3A_2164, %reduce_max3A_2165 [1] : vector<200x768xf32> to vector<200xf32>
    %broadcast_in_dim3A_2167 = vector.shape_cast %reduce_max3A_2166 : vector<200xf32> to vector<200x1xf32>
    %lt3A_2168 = vector.broadcast %broadcast_in_dim3A_2167 : vector<200x1xf32> to vector<200x768xf32>
    %lt3A_2169 = arith.cmpf olt, %select_n3A_2164, %lt3A_2168 : vector<200x768xf32>
    %jit3A_2170 = arith.constant -3.000000e+38 : f32
    %broadcast_in_dim3A_2171 = vector.broadcast %jit3A_2170 : f32 to vector<200x768xf32>
    %select_n3A_2172 = arith.select %lt3A_2169, %select_n3A_2164, %broadcast_in_dim3A_2171 : vector<200x768xi1>, vector<200x768xf32>
    %reduce_max3A_2173 = arith.constant dense<0xFF800000> : vector<200xf32>
    %reduce_max3A_2174 = vector.multi_reduction <maximumf>, %select_n3A_2172, %reduce_max3A_2173 [1] : vector<200x768xf32> to vector<200xf32>
    %broadcast_in_dim3A_2175 = vector.shape_cast %reduce_max3A_2174 : vector<200xf32> to vector<200x1xf32>
    %lt3A_2176 = vector.broadcast %broadcast_in_dim3A_2175 : vector<200x1xf32> to vector<200x768xf32>
    %lt3A_2177 = arith.cmpf olt, %select_n3A_2172, %lt3A_2176 : vector<200x768xf32>
    %jit3A_2178 = arith.constant -3.000000e+38 : f32
    %broadcast_in_dim3A_2179 = vector.broadcast %jit3A_2178 : f32 to vector<200x768xf32>
    %select_n3A_2180 = arith.select %lt3A_2177, %select_n3A_2172, %broadcast_in_dim3A_2179 : vector<200x768xi1>, vector<200x768xf32>
    %reduce_max3A_2181 = arith.constant dense<0xFF800000> : vector<200xf32>
    %reduce_max3A_2182 = vector.multi_reduction <maximumf>, %select_n3A_2180, %reduce_max3A_2181 [1] : vector<200x768xf32> to vector<200xf32>
    %broadcast_in_dim3A_2183 = vector.shape_cast %reduce_max3A_2182 : vector<200xf32> to vector<200x1xf32>
    %lt3A_2184 = vector.broadcast %broadcast_in_dim3A_2183 : vector<200x1xf32> to vector<200x768xf32>
    %lt3A_2185 = arith.cmpf olt, %select_n3A_2180, %lt3A_2184 : vector<200x768xf32>
    %jit3A_2186 = arith.constant -3.000000e+38 : f32
    %broadcast_in_dim3A_2187 = vector.broadcast %jit3A_2186 : f32 to vector<200x768xf32>
    %select_n3A_2188 = arith.select %lt3A_2185, %select_n3A_2180, %broadcast_in_dim3A_2187 : vector<200x768xi1>, vector<200x768xf32>
    %reduce_max3A_2189 = arith.constant dense<0xFF800000> : vector<200xf32>
    %reduce_max3A_2190 = vector.multi_reduction <maximumf>, %select_n3A_2188, %reduce_max3A_2189 [1] : vector<200x768xf32> to vector<200xf32>
    %broadcast_in_dim3A_2191 = vector.shape_cast %reduce_max3A_2190 : vector<200xf32> to vector<200x1xf32>
    %lt3A_2192 = vector.broadcast %broadcast_in_dim3A_2191 : vector<200x1xf32> to vector<200x768xf32>
    %lt3A_2193 = arith.cmpf olt, %select_n3A_2188, %lt3A_2192 : vector<200x768xf32>
    %jit3A_2194 = arith.constant -3.000000e+38 : f32
    %broadcast_in_dim3A_2195 = vector.broadcast %jit3A_2194 : f32 to vector<200x768xf32>
    %select_n3A_2196 = arith.select %lt3A_2193, %select_n3A_2188, %broadcast_in_dim3A_2195 : vector<200x768xi1>, vector<200x768xf32>
    %reduce_max3A_2197 = arith.constant dense<0xFF800000> : vector<200xf32>
    %reduce_max3A_2198 = vector.multi_reduction <maximumf>, %select_n3A_2196, %reduce_max3A_2197 [1] : vector<200x768xf32> to vector<200xf32>
    %broadcast_in_dim3A_2199 = vector.shape_cast %reduce_max3A_2198 : vector<200xf32> to vector<200x1xf32>
    %lt3A_2200 = vector.broadcast %broadcast_in_dim3A_2199 : vector<200x1xf32> to vector<200x768xf32>
    %lt3A_2201 = arith.cmpf olt, %select_n3A_2196, %lt3A_2200 : vector<200x768xf32>
    %jit3A_2202 = arith.constant -3.000000e+38 : f32
    %broadcast_in_dim3A_2203 = vector.broadcast %jit3A_2202 : f32 to vector<200x768xf32>
    %select_n3A_2204 = arith.select %lt3A_2201, %select_n3A_2196, %broadcast_in_dim3A_2203 : vector<200x768xi1>, vector<200x768xf32>
    %reduce_max3A_2205 = arith.constant dense<0xFF800000> : vector<200xf32>
    %reduce_max3A_2206 = vector.multi_reduction <maximumf>, %select_n3A_2204, %reduce_max3A_2205 [1] : vector<200x768xf32> to vector<200xf32>
    %broadcast_in_dim3A_2207 = vector.shape_cast %reduce_max3A_2206 : vector<200xf32> to vector<200x1xf32>
    %lt3A_2208 = vector.broadcast %broadcast_in_dim3A_2207 : vector<200x1xf32> to vector<200x768xf32>
    %lt3A_2209 = arith.cmpf olt, %select_n3A_2204, %lt3A_2208 : vector<200x768xf32>
    %jit3A_2210 = arith.constant -3.000000e+38 : f32
    %broadcast_in_dim3A_2211 = vector.broadcast %jit3A_2210 : f32 to vector<200x768xf32>
    %select_n3A_2212 = arith.select %lt3A_2209, %select_n3A_2204, %broadcast_in_dim3A_2211 : vector<200x768xi1>, vector<200x768xf32>
    %reduce_max3A_2213 = arith.constant dense<0xFF800000> : vector<200xf32>
    %reduce_max3A_2214 = vector.multi_reduction <maximumf>, %select_n3A_2212, %reduce_max3A_2213 [1] : vector<200x768xf32> to vector<200xf32>
    %broadcast_in_dim3A_2215 = vector.shape_cast %reduce_max3A_2214 : vector<200xf32> to vector<200x1xf32>
    %lt3A_2216 = vector.broadcast %broadcast_in_dim3A_2215 : vector<200x1xf32> to vector<200x768xf32>
    %lt3A_2217 = arith.cmpf olt, %select_n3A_2212, %lt3A_2216 : vector<200x768xf32>
    %jit3A_2218 = arith.constant -3.000000e+38 : f32
    %broadcast_in_dim3A_2219 = vector.broadcast %jit3A_2218 : f32 to vector<200x768xf32>
    %select_n3A_2220 = arith.select %lt3A_2217, %select_n3A_2212, %broadcast_in_dim3A_2219 : vector<200x768xi1>, vector<200x768xf32>
    %reduce_max3A_2221 = arith.constant dense<0xFF800000> : vector<200xf32>
    %reduce_max3A_2222 = vector.multi_reduction <maximumf>, %select_n3A_2220, %reduce_max3A_2221 [1] : vector<200x768xf32> to vector<200xf32>
    %broadcast_in_dim3A_2223 = vector.shape_cast %reduce_max3A_2222 : vector<200xf32> to vector<200x1xf32>
    %lt3A_2224 = vector.broadcast %broadcast_in_dim3A_2223 : vector<200x1xf32> to vector<200x768xf32>
    %lt3A_2225 = arith.cmpf olt, %select_n3A_2220, %lt3A_2224 : vector<200x768xf32>
    %jit3A_2226 = arith.constant -3.000000e+38 : f32
    %broadcast_in_dim3A_2227 = vector.broadcast %jit3A_2226 : f32 to vector<200x768xf32>
    %select_n3A_2228 = arith.select %lt3A_2225, %select_n3A_2220, %broadcast_in_dim3A_2227 : vector<200x768xi1>, vector<200x768xf32>
    %reduce_max3A_2229 = arith.constant dense<0xFF800000> : vector<200xf32>
    %reduce_max3A_2230 = vector.multi_reduction <maximumf>, %select_n3A_2228, %reduce_max3A_2229 [1] : vector<200x768xf32> to vector<200xf32>
    %broadcast_in_dim3A_2231 = vector.shape_cast %reduce_max3A_2230 : vector<200xf32> to vector<200x1xf32>
    %lt3A_2232 = vector.broadcast %broadcast_in_dim3A_2231 : vector<200x1xf32> to vector<200x768xf32>
    %lt3A_2233 = arith.cmpf olt, %select_n3A_2228, %lt3A_2232 : vector<200x768xf32>
    %jit3A_2234 = arith.constant -3.000000e+38 : f32
    %broadcast_in_dim3A_2235 = vector.broadcast %jit3A_2234 : f32 to vector<200x768xf32>
    %select_n3A_2236 = arith.select %lt3A_2233, %select_n3A_2228, %broadcast_in_dim3A_2235 : vector<200x768xi1>, vector<200x768xf32>
    %reduce_max3A_2237 = arith.constant dense<0xFF800000> : vector<200xf32>
    %reduce_max3A_2238 = vector.multi_reduction <maximumf>, %select_n3A_2236, %reduce_max3A_2237 [1] : vector<200x768xf32> to vector<200xf32>
    %broadcast_in_dim3A_2239 = vector.shape_cast %reduce_max3A_2238 : vector<200xf32> to vector<200x1xf32>
    %lt3A_2240 = vector.broadcast %broadcast_in_dim3A_2239 : vector<200x1xf32> to vector<200x768xf32>
    %lt3A_2241 = arith.cmpf olt, %select_n3A_2236, %lt3A_2240 : vector<200x768xf32>
    %jit3A_2242 = arith.constant -3.000000e+38 : f32
    %broadcast_in_dim3A_2243 = vector.broadcast %jit3A_2242 : f32 to vector<200x768xf32>
    %select_n3A_2244 = arith.select %lt3A_2241, %select_n3A_2236, %broadcast_in_dim3A_2243 : vector<200x768xi1>, vector<200x768xf32>
    %reduce_max3A_2245 = arith.constant dense<0xFF800000> : vector<200xf32>
    %reduce_max3A_2246 = vector.multi_reduction <maximumf>, %select_n3A_2244, %reduce_max3A_2245 [1] : vector<200x768xf32> to vector<200xf32>
    %broadcast_in_dim3A_2247 = vector.shape_cast %reduce_max3A_2246 : vector<200xf32> to vector<200x1xf32>
    %lt3A_2248 = vector.broadcast %broadcast_in_dim3A_2247 : vector<200x1xf32> to vector<200x768xf32>
    %lt3A_2249 = arith.cmpf olt, %select_n3A_2244, %lt3A_2248 : vector<200x768xf32>
    %jit3A_2250 = arith.constant -3.000000e+38 : f32
    %broadcast_in_dim3A_2251 = vector.broadcast %jit3A_2250 : f32 to vector<200x768xf32>
    %select_n3A_2252 = arith.select %lt3A_2249, %select_n3A_2244, %broadcast_in_dim3A_2251 : vector<200x768xi1>, vector<200x768xf32>
    %reduce_max3A_2253 = arith.constant dense<0xFF800000> : vector<200xf32>
    %reduce_max3A_2254 = vector.multi_reduction <maximumf>, %select_n3A_2252, %reduce_max3A_2253 [1] : vector<200x768xf32> to vector<200xf32>
    %broadcast_in_dim3A_2255 = vector.shape_cast %reduce_max3A_2254 : vector<200xf32> to vector<200x1xf32>
    %lt3A_2256 = vector.broadcast %broadcast_in_dim3A_2255 : vector<200x1xf32> to vector<200x768xf32>
    %lt3A_2257 = arith.cmpf olt, %select_n3A_2252, %lt3A_2256 : vector<200x768xf32>
    %jit3A_2258 = arith.constant -3.000000e+38 : f32
    %broadcast_in_dim3A_2259 = vector.broadcast %jit3A_2258 : f32 to vector<200x768xf32>
    %select_n3A_2260 = arith.select %lt3A_2257, %select_n3A_2252, %broadcast_in_dim3A_2259 : vector<200x768xi1>, vector<200x768xf32>
    %reduce_max3A_2261 = arith.constant dense<0xFF800000> : vector<200xf32>
    %reduce_max3A_2262 = vector.multi_reduction <maximumf>, %select_n3A_2260, %reduce_max3A_2261 [1] : vector<200x768xf32> to vector<200xf32>
    %broadcast_in_dim3A_2263 = vector.shape_cast %reduce_max3A_2262 : vector<200xf32> to vector<200x1xf32>
    %mul3A = arith.constant 3.000000e+00 : f32
    %mul3A_2264 = vector.broadcast %mul3A : f32 to vector<200x10112xf32>
    %mul3A_2265 = arith.mulf %mul3A_2264, %dot_general3A_5 : vector<200x10112xf32>
    %tanh3A = math.tanh %mul3A_2265 : vector<200x10112xf32>
    %max3A_2266 = arith.constant 0.000000e+00 : f32
    %max3A_2267 = vector.broadcast %max3A_2266 : f32 to vector<200x10112xf32>
    %max3A_2268 = arith.maximumf %tanh3A, %max3A_2267 : vector<200x10112xf32>
    %ge3A = vector.broadcast %broadcast_in_dim3A_2263 : vector<200x1xf32> to vector<200x10112xf32>
    %ge3A_2269 = arith.cmpf oge, %dot_general3A_5, %ge3A : vector<200x10112xf32>
    %jit3A_2270 = arith.constant 0.000000e+00 : f32
    %broadcast_in_dim3A_2271 = vector.broadcast %jit3A_2270 : f32 to vector<200x10112xf32>
    %select_n3A_2272 = arith.select %ge3A_2269, %max3A_2268, %broadcast_in_dim3A_2271 : vector<200x10112xi1>, vector<200x10112xf32>
    %slice3A_2273 = vector.extract_strided_slice %select_n3A_2272 {offsets = [0, 0], sizes = [200, 10000], strides = [1, 1]} : vector<200x10112xf32> to vector<200x10000xf32>
    %swap3A = arith.constant 0 : index
    %swap3A_2274 = arith.constant 0 : index
    %swap3A_2275 = vector.load %arg3[%swap3A, %swap3A_2274] : memref<200x10000xf32, #tpu.memory_space<vmem>>, vector<200x10000xf32>
    tpu.vector_store %arg3[%swap3A, %swap3A_2274], %slice3A_2273 {strides = array<i32>} : memref<200x10000xf32, #tpu.memory_space<vmem>>, vector<200x10000xf32>,
    return
  }
  func.func @transform_0(%arg0: i32) -> (i32, i32) {
    %c0_i32 = arith.constant 0 : i32
    %c0_i32_0 = arith.constant 0 : i32
    return %arg0, %c0_i32 : i32, i32
  }
  func.func @transform_1(%arg0: i32) -> (i32, i32) {
    %c0_i32 = arith.constant 0 : i32
    %c0_i32_0 = arith.constant 0 : i32
    %c0_i32_1 = arith.constant 0 : i32
    return %c0_i32, %c0_i32_0 : i32, i32
  }
  func.func @transform_2(%arg0: i32) -> (i32, i32) {
    %c0_i32 = arith.constant 0 : i32
    %c0_i32_0 = arith.constant 0 : i32
    return %arg0, %c0_i32 : i32, i32
  }
}

</mosaic_0001>

<sc_bundles>
// kernel: gather_offload_async_start
scs
__scs_entry_jumppad:
0x0: {  	(pc) =	sbr.rel $0x88, $3  }
0x1: {  	(tag) =	ssettag $0x0;
	lr =	simm.s32 $0x1  }
0x2: {  	[smem:$0x3F9D] =	sst lr;
	_ =	strace $0xD0000000  }
0x3: {  	_ = 	snop  }
0x4: {  	_ = 	snop  }
0x5: {  	_ = 	snop  }
0x6: {  	_ = 	snop  }
0x7: {  	_ = 	snop  }
__scs_overlays_trampoline_lowered:
0x8: {  	[smem:$0x3FAC] =	sst s0  }
0x9: {  	[smem:$0x3FAD] =	sst s1  }
0xa: {  	[smem:$0x3FAE] =	sst s2  }
0xb: {  	[smem:$0x3FAF] =	sst s3  }
0xc: {  	[smem:$0x3FB0] =	sst s4  }
0xd: {  	[smem:$0x3FB1] =	sst s5  }
0xe: {  	[smem:$0x3FB2] =	sst s6  }
0xf: {  	[smem:$0x3FB3] =	sst s7  }
0x10: {  	[smem:$0x3FB4] =	sst s8  }
0x11: {  	[smem:$0x3FB5] =	sst s9;
	s0 =	simm.s32 @!p0 $0x0  }
0x12: {  	s1 =	sld [smem:$0x3F9B];
	s0 =	simm.s32 @p0 $0x1  }
0x13: {  	[smem:$0x3FB6] =	sst s0;
	s0 =	simm.s32 @!p1 $0x0  }
0x14: {  	s2 =	sld [smem:$0x3F9A];
	s0 =	simm.s32 @p1 $0x1  }
0x15: {  	[smem:$0x3FB7] =	sst s0;
	s0 =	simm.s32 @!p2 $0x0  }
0x16: {  	s3 =	sld [smem:$0x3FDB];
	s0 =	simm.s32 @p2 $0x1  }
0x17: {  	s4 =	simm.s32 $0x1BF5;
	[smem:$0x3FB9] =	sst s0  }
0x18: {  	s0 =	sld [smem:$0x3F9C];
	_ =	swait.ge [sflag:s4], $0x0  }
0x19: {  	s7 =	sld [smem:$0x3F9D]  }
0x1a: {  	s8 =	sadd.s32 $0xFFFFE003, lr  }
0x1b: {  	s9 =	sadd.s32 $0xFFFFFEF7, lr;
	s5 =	simm.s32 $0xFFFFFFFF;
	p2 =	slt.u32 s8, $0xFFFFF086  }
0x1c: {  	p1 =	slt.u32 s9, $0xF7A;
	s5 =	simm.s32 @!p2 $0x0  }
0x1d: {  	s5 =	simm.s32 @p1 $0x1;
	p0 =	seq.s32 s7, s2  }
0x1e: {  	s7 =	smul.u32 @!p0 $0xF7A, s2;
	p2 =	seq.s32 @!p0 s5, $0x0  }
0x1f: {  	s9 =	smul.u32 $0xF7A, s1;
	s8 =	simm.s32 @!p0 $0x1BF5;
	p2 =	por !p2, p0  }
0x20: {  	[sflag:s8] =	ssyncset.s32 @!p0 $0xFFFFF086;
	s6 =	sadd.s32 @!p0 s3, s7;
	s7 =	simm.s32 @!p0 $0x108  }
0x21: {  	s3 =	sadd.s32 s3, s9;
	s6 =	sadd.s32 @!p0 $0x88, s6;
	s7 =	simm.s32 @p2 $0x1082  }
0x22: {  	[simem:s7], [sflag:s8] =	dma.local @!p0 [hbm:s6], $0xF7A  }
0x23: {  	s9 =	sor.u32 $0xD0000000, s2;
	s6 =	simm.s32 $0x108;
	_ =	swait.ge @!p0 [sflag:s8], $0x0  }
0x24: {  	s3 =	sadd.s32 $0x88, s3;
	s6 =	simm.s32 @!p1 $0x1082;
	[sflag:s4] =	ssyncset.s32 $0xFFFFF086  }
0x25: {  	[simem:s6], [sflag:s4] =	dma.local [hbm:s3], $0xF7A  }
0x26: {  	[smem:$0x3F9D] =	sst s1;
	(tag) =	ssettag s2;
	_ =	strace s9  }
0x27: {  	s1 =	sld [smem:$0x3FAD]  }
0x28: {  	s2 =	sld [smem:$0x3FAE]  }
0x29: {  	s4 =	sld [smem:$0x3FB0]  }
0x2a: {  	p0 =	seq.s32 s5, $0x0;
	s5 =	sld [smem:$0x3FB1]  }
0x2b: {  	s6 =	sld [smem:$0x3FB2]  }
0x2c: {  	s7 =	sld [smem:$0x3FB3]  }
0x2d: {  	s3 =	simm.s32 $0x108;
	s8 =	sld [smem:$0x3FB4]  }
0x2e: {  	s3 =	simm.s32 @!p0 $0x1082;
	s9 =	sld [smem:$0x3FB5]  }
0x2f: {  	lr =	sadd.s32 s0, s3;
	s0 =	sld [smem:$0x3FAC]  }
0x30: {  	s3 =	sld [smem:$0x3FAF]  }
0x31: {  	[smem:$0x3FB8] =	sst s10  }
0x32: {  	s10 =	sld [smem:$0x3FB6];
	_ =	sdelay $0x3  }
0x33: {  	p0 =	seq.s32 s10, $0x1;
	s10 =	sld [smem:$0x3FB8];
	_ =	sdelay $0x3  }
0x34: {  	[smem:$0x3FB8] =	sst s10  }
0x35: {  	s10 =	sld [smem:$0x3FB7];
	_ =	sdelay $0x3  }
0x36: {  	p1 =	seq.s32 s10, $0x1;
	s10 =	sld [smem:$0x3FB8];
	_ =	sdelay $0x3  }
0x37: {  	[smem:$0x3FB8] =	sst s10  }
0x38: {  	s10 =	sld [smem:$0x3FB9]  }
0x39: {  	_ = 	snop;
	(pc) =	sbr.ind lr, $3  }
0x3a: {  	_ = 	snop  }
0x3b: {  	_ = 	snop  }
0x3c: {  	p2 =	seq.s32 s10, $0x1;
	s10 =	sld [smem:$0x3FB8]  }
0x3d: {  	_ =	shalt  }
0x3e: {  	_ =	shalt  }
0x3f: {  	_ =	shalt  }
0x40: {  	_ =	shalt  }
0x41: {  	_ =	shalt  }
0x42: {  	_ =	shalt  }
0x43: {  	_ =	shalt  }
0x44: {  	_ =	shalt  }
0x45: {  	_ =	shalt  }
0x46: {  	_ =	shalt  }
0x47: {  	_ =	shalt  }
0x48: {  	_ =	shalt  }
0x49: {  	_ =	shalt  }
0x4a: {  	_ =	shalt  }
0x4b: {  	_ =	shalt  }
0x4c: {  	_ =	shalt  }
0x4d: {  	_ =	shalt  }
0x4e: {  	_ =	shalt  }
0x4f: {  	_ =	shalt  }
0x50: {  	_ =	shalt  }
0x51: {  	_ =	shalt  }
0x52: {  	_ =	shalt  }
0x53: {  	_ =	shalt  }
0x54: {  	_ =	shalt  }
0x55: {  	_ =	shalt  }
0x56: {  	_ =	shalt  }
0x57: {  	_ =	shalt  }
0x58: {  	_ =	shalt  }
0x59: {  	_ =	shalt  }
0x5a: {  	_ =	shalt  }
0x5b: {  	_ =	shalt  }
0x5c: {  	_ =	shalt  }
0x5d: {  	_ =	shalt  }
0x5e: {  	_ =	shalt  }
0x5f: {  	_ =	shalt  }
0x60: {  	_ =	shalt  }
0x61: {  	_ =	shalt  }
0x62: {  	_ =	shalt  }
0x63: {  	_ =	shalt  }
0x64: {  	_ =	shalt  }
0x65: {  	_ =	shalt  }
0x66: {  	_ =	shalt  }
0x67: {  	_ =	shalt  }
0x68: {  	_ =	shalt  }
0x69: {  	_ =	shalt  }
0x6a: {  	_ =	shalt  }
0x6b: {  	_ =	shalt  }
0x6c: {  	_ =	shalt  }
0x6d: {  	_ =	shalt  }
0x6e: {  	_ =	shalt  }
0x6f: {  	_ =	shalt  }
0x70: {  	_ =	shalt  }
0x71: {  	_ =	shalt  }
0x72: {  	_ =	shalt  }
0x73: {  	_ =	shalt  }
0x74: {  	_ =	shalt  }
0x75: {  	_ =	shalt  }
0x76: {  	_ =	shalt  }
0x77: {  	_ =	shalt  }
0x78: {  	_ =	shalt  }
0x79: {  	_ =	shalt  }
0x7a: {  	_ =	shalt  }
0x7b: {  	_ =	shalt  }
0x7c: {  	_ =	shalt  }
0x7d: {  	_ =	shalt  }
0x7e: {  	_ =	shalt  }
0x7f: {  	_ =	shalt  }
0x80: {  	_ =	shalt  }
0x81: {  	_ =	shalt  }
0x82: {  	_ =	shalt  }
0x83: {  	_ =	shalt  }
0x84: {  	_ =	shalt  }
0x85: {  	_ =	shalt  }
0x86: {  	_ =	shalt  }
0x87: {  	_ =	shalt  }
.Lfunc_end0:
.L_simem_size_0:
called_computation_lowered:
.L_overlay_start_0:
0x88: {  	s0 =	sld [smem:$0x3FD9]  }
0x89: {  	s1 =	sld [smem:$0x3FFE];
	_ =	sdelay $0x3  }
0x8a: {  	s0 =	sadd.s32 s1, s0  }
0x8b: {  	[smem:$0x3FC4] =	sst s0  }
0x8c: {  	_ = 	snop  }
0x8d: {  	s0 =	sld [smem:$0x3FC8]  }
0x8e: {  	s16 =	sld [smem:$0x3FD0];
	(tm) =	ssettm $0x1  }
0x8f: {  	s2 =	sld [smem:$0x3FFB];
	_ =	sdelay $0x3  }
0x90: {  	_ =	strace s2  }
0x91: {  	s2 =	sld [smem:$0x3FFC];
	_ =	sdelay $0x3  }
0x92: {  	_ =	strace s2  }
0x93: {  	s2 =	sld [smem:$0x3FFD];
	_ =	sdelay $0x3  }
0x94: {  	_ =	strace s2  }
0x95: {  	_ =	strace $0x8FFFFFFF  }
0x96: {  	s17 =	sld [smem:$0x3FDB];
	_ =	sdelay $0x1  }
0x97: {  	s3 =	simm.s32 $_scs_section_size  }
0x98: {  	s4 =	simm.s32 $_size__tile_overlayer_lowered;
	s5 =	simm.s32 $_tile_overlayer_lowered  }
0x99: {  	s20 =	simm.s32 $0x1BFF;
	s19 =	sshll.u32 s5, $0x1;
	s2 =	sadd.s32 s3, s17  }
0x9a: {  	s6 =	simm.s32 $0x0;
	s18 =	sshll.u32 s4, $0x1;
	s4 =	sadd.s32 s19, s2  }
0x9b: {  	[timem:s6], [sflag:s20] =	dma.local [hbm:s4], s18  }
0x9c: {  	_ =	swait.ge [sflag:s20], s18  }
0x9d: {  	s3 =	ssub.s32 $0x0, s18;
	[sflag:s20] =	ssyncset.done $0x0  }
0x9e: {  	[sflag:s20] =	ssyncadd.s32 s3;
	_ =	sdelay $0x1  }
0x9f: {  	s21 =	simm.s32 $0x1B8B  }
0xa0: {  	_ =	swait.ge [sflag:s21], $0x1  }
0xa1: {  	[sflag:s21] =	ssyncset.done $0x0  }
0xa2: {  	s23 =	simm.s32 $0x1B8E;
	s22 =	sld [smem:$0x3FFE];
	[sflag:s21] =	ssyncadd.s32 $0xFFFFFFFF  }
0xa3: {  	s24 =	simm.s32 $execute0_lowered;
	[smem:$0x3FD2] =	sst s23  }
0xa4: {  	s4 =	sshll.u32 s24, $0x1;
	_ =	strace $0x80000046;
	[dreg:$0x1] =	wrdreg $0xFFFFFFFF  }
0xa5: {  	s25 =	simm.s32 $_size_execute0_lowered;
	s2 =	sadd.s32 s2, s4;
	[dreg:$0x0] =	wrdreg $0x0  }
0xa6: {  	s4 =	sshll.u32 s25, $0x1;
	[dreg:$0x2] =	wrdreg s2  }
0xa7: {  	[dreg:$0x3] =	wrdreg s4  }
0xa8: {  	[dreg:$0x4] =	wrdreg $0xC0  }
0xa9: {  	_ =	task [dreg:s6], $0x5FFFF  }
0xaa: {  	[dreg:$0x1] =	wrdreg $0xFFFFFFFF  }
0xab: {  	[dreg:$0x0] =	wrdreg $0x60  }
0xac: {  	[dreg:$0x2] =	wrdreg s0  }
0xad: {  	[dreg:$0x3] =	wrdreg s22  }
0xae: {  	[dreg:$0x4] =	wrdreg s16  }
0xaf: {  	[dreg:$0x5] =	wrdreg $0x9  }
0xb0: {  	_ =	task.clear_ibuf [dreg:s6], $0x6FFFF;
	_ =	strace $0x90000046  }
0xb1: {  	s26 =	simm.s32 $0x9;
	_ =	strace $0x80000048  }
0xb2: {  	_ =	swait.ge [sflag:s26], $0x1  }
0xb3: {  	[sflag:s26] =	ssyncadd.s32 $0xFFFFFFFF  }
0xb4: {  	_ =	strace $0x90000048  }
0xb5: {  	_ =	sfence  }
0xb6: {  	s28 =	sld [smem:$0x0];
	_ =	sdelay $0x1  }
0xb7: {  	s29 =	srdreg.scid  }
0xb8: {  	s30 =	sshll.u32 s29, $0xD;
	s31 =	sshrl.u32 s29, $0x2  }
0xb9: {  	s1 =	sand.u32 $0x1, s29;
	s2 =	sand.u32 $0x4000, s30;
	s0 =	sadd.s32 s31, s28  }
0xba: {  	s1 =	sor.u32 s2, s1;
	s0 =	sshll.u32 s0, $0x11  }
0xbb: {  	s0 =	sor.u32 s0, s1  }
0xbc: {  	s0 =	sadd.s32 $0x8F2B, s0  }
0xbd: {  	[sflag:s0] =	ssyncadd.remote.s32 $0x1  }
0xbe: {  	_ =	sfence.sel $0xFFFF  }
0xbf: {  	[dreg:$0x0] =	wrdreg $0xFFFFFFFF;
	(pc) =	sbr.abs _section_cstart, $3  }
0xc0: {  	[dreg:$0x1] =	wrdreg $0xFFFFFFFF  }
0xc1: {  	_ =	task.clear_ibuf [dreg:s6], $0x2FFFF;
	_ =	strace $0x9FFFFFFF  }
0xc2: {  	(tm) =	ssettm $0x7FFFFFFF  }
0xc3: {  	_ =	shalt  }
tec
execute0_lowered:
.L_overlay_start_1:
0x0: {  	(tag) =	ssettag $0x1  }
0x1: {  	s0 =	stileid.u32  }
0x2: {  	s1 =	smul.u32 $0x3, s0  }
0x3: {  	s2 =	smin.u32 s0, $0x2  }
0x4: {  	s1 =	sadd.s32 s2, s1  }
0x5: {  	p0 =	slt.u32 s0, $0x2;
	s2 =	simm.s32 $0x320;
	s1 =	smul.u32 $0xC8, s1  }
0x6: {  	s2 =	simm.s32 @!p0 $0x258  }
0x7: {  	s2 =	sadd.s32 s2, s1  }
0x8: {  	s3 =	smin.u32 s2, $0x2710  }
0x9: {  	s7 =	ssub.s32 s3, s1  }
0xa: {  	p0 =	sgt.s32 s7, $0x0  }
0xb: {  	s7 =	simm.s32 @!p0 $0x0  }
0xc: {  	s31 =	sand.u32 $0xFFF8, s7  }
0xd: {  	s4 =	rddreg [dreg:$0x0];
	s2 =	sshrl.u32 s31, $0x3  }
0xe: {  	s9 =	rddreg [dreg:$0x1];
	s2 =	smul.u32 $0x147B, s2  }
0xf: {  	s5 =	rddreg [dreg:$0x2]  }
0x10: {  	s6 =	simm.s32 $0x1;
	s11 =	simm.s32 $0x3;
	s8 =	sshrl.u32 s2, $0x11  }
0x11: {  	s13 =	simm.s32 $0x0;
	s12 =	simm.s32 $0x0;
	s10 =	smul.u32 $0xC8, s8  }
.Ltmp0:
0x12: {  	s9 =	sadd.s32 $0xA00, s9;
	s2 =	rddreg [dreg:$0x3];
	(pc) =	sbr.rel .LBB2_1-.Ltmp0, $4  }
0x13: {  	_ =	strace $0x80000047;
	p0 =	sne.s32 s7, s10;
	s10 =	simm.s32 $0x1  }
0x14: {  	[sflag:s6] =	ssyncpa.u1 $0x0;
	s7 =	simm.s32 $0x2;
	s10 =	simm.s32 @!p0 $0x0  }
0x15: {  	[sflag:s7] =	ssyncpa.u1 $0x0;
	p0 =	por $0x0, $0x0;
	s8 =	sadd.s32 s8, s10  }
0x16: {  	vm0 =	vmmov $0xff;
	vm1 =	vcmask $0x3F20;
	[sflag:s11] =	ssyncpa.u1 $0x0;
	s11 =	smov.u32 s1;
	s10 =	sadd.s32 $0x1, s8  }
.LBB2_10:
0x17: {  	[hbm:s17] =	stream.linear.scatter [tilespmem:s14], [sflag:$0x3], $0x800, $0x38;
	[tilespmem:$0x19190] =	vst v63  }
.LBB2_11:
0x18: {  	s13 =	sadd.s32 $0xC8, s11  }
0x19: {  	s15 =	smov.u32 s1;
	p2 =	slt.s32 s13, s3  }
0x1a: {  	s15 =	smov.u32 @p2 s13;
	p2 =	sne.s32 s12, s10  }
.Ltmp1:
0x1b: {  	p1 =	slt.u32 s12, $0x2;
	(pc) =	sbr.rel @!p2 .LBB2_12-.Ltmp1, $4  }
0x1c: {  	s14 =	simm.s32 @!p1 $0x3  }
0x1d: {  	s16 =	sadd.s32 $0x1, s12;
	_ =	swait.ge @!p1 [sflag:s14], $0xC800  }
0x1e: {  	p0 =	por !p0, !p0;
	s13 =	smov.u32 s11;
	[sflag:s14] =	ssyncset.done @!p1 $0x0  }
0x1f: {  	s12 =	smov.u32 s16;
	s11 =	smov.u32 s15;
	[sflag:s14] =	ssyncadd.s32 @!p1 $0xFFFF3800  }
.LBB2_1:
0x20: {  	p1 =	sge.u32 s12, s8  }
0x21: {  	s14 =	sxor.u32 @!p1 $0xFFFFFFFF, s12  }
0x22: {  	s14 =	sand.u32 @!p1 $0x1, s14  }
0x23: {  	s14 =	smul.u32 @!p1 $0x320, s14  }
0x24: {  	s31 =	sadd.s32 $0xFFFFFFFF, s12;
	s15 =	sshrl.u32 @!p1 s11, $0x3  }
0x25: {  	s16 =	sand.u32 @!p1 $0x7, s11;
	s15 =	sadd.s32 @!p1 s9, s15;
	s14 =	sshrl.u32 @!p1 s14, $0x2  }
0x26: {  	[tilespmem:s14], [sflag:$0x2] =	stream.linear.gather @!p1 [hbm4b:s15+s16], $0xC8, $0x38;
	[tilespmem:$0x19190] =	vst v63  }
0x27: {  	p1 =	sge.u32 s31, s8  }
.Ltmp2:
0x28: {  	_ = 	snop;
	(pc) =	sbr.rel @p1 .LBB2_11-.Ltmp2, $1  }
0x29: {  	_ =	sdelay $0x3  }
0x2a: {  	s15 =	sand.u32 $0x1, s12  }
0x2b: {  	s14 =	simm.s32 $0x1;
	s16 =	smul.u32 $0x32000, s15  }
0x2c: {  	_ =	swait.ge [sflag:s7], $0xC8;
	s14 =	simm.s32 @!p0 $0x0;
	s15 =	smul.u32 $0x320, s15  }
0x2d: {  	[sflag:s7] =	ssyncset.done $0x0;
	s14 =	smul.u32 $0x32000, s14  }
0x2e: {  	[sflag:s7] =	ssyncadd.s32 $0xFFFFFF38  }
0x2f: {  	s17 =	sshrl.u32 s16, $0x2;
	s16 =	sshrl.u32 s15, $0x2;
	s14 =	sshrl.u32 s14, $0x2  }
0x30: {  	s15 =	sor.u32 $0x190, s17;
	s17 =	simm.s32 $0x0;
	s14 =	sor.u32 $0x190, s14  }
.LBB2_3:
0x31: {  	s18 =	sshll.u32 s17, $0x4  }
0x32: {  	s18 =	sand.u32 $0x3FFFFFF0, s18  }
0x33: {  	s18 =	sadd.s32 s18, s16  }
0x34: {  	v0 =	vld.msk [tilespmem:s18+$0x0 ss:$0x1], $0xffff;
	_ =	sdelay $0x4  }
0x35: {  	vm2 =	vgt.s32 v0, $0x0  }
0x36: {  	v0 =	vnsel vm2, $0x0, v0  }
0x37: {  	v0 =	vmin.u32 v0, $0x270F  }
0x38: {  	s31 =	sshll.u32 s17, $0xC;
	v1 =	vshll.u32 v0, $0x5;
	v0 =	vshll.u32 v0, $0x4  }
0x39: {  	s18 =	sand.u32 $0x3FFFF000, s31;
	v1 =	vand.u32 $0x7FF00, v1;
	v0 =	vand.u32 $0x70, v0  }
0x3a: {  	p1 =	por $0x1, $0x1;
	s19 =	simm.s32 $0x0;
	s18 =	sadd.s32 s18, s15;
	v0 =	vor.u32 v0, v1  }
.LBB2_4:
0x3b: {  	_ =	sdelay $0x1  }
0x3c: {  	s19 =	sshra.s32 s19, $0x2;
	p2 =	por p1, p1  }
.Ltmp3:
0x3d: {  	s19 =	sadd.s32 s19, s18;
	(pc) =	sbr.rel @p2 .LBB2_4-.Ltmp3, $4  }
0x3e: {  	[tilespmem:s19], [sflag:$0x1] =	stream.indirect_vreg.gather [hbm:s4], $0x80, v0, vm0, $0x38;
	[tilespmem:$0x19190] =	vst v63  }
0x3f: {  	s19 =	sadd.s32 $0x800, s19  }
0x40: {  	[tilespmem:s19], [sflag:$0x1] =	stream.indirect_vreg.gather [hbm:s4], $0x80, v0, vm1, $0x38;
	[tilespmem:$0x19190] =	vst v63  }
0x41: {  	p1 =	por $0x0, $0x0;
	v0 =	vadd.s32 $0x80, v0;
	s19 =	simm.s32 $0x1000  }
0x42: {  	s17 =	sadd.s32 $0x1, s17  }
0x43: {  	p1 =	sne.s32 s17, $0xC  }
.Ltmp4:
0x44: {  	_ = 	snop;
	(pc) =	sbr.rel @p1 .LBB2_3-.Ltmp4, $1  }
0x45: {  	_ =	sdelay $0x3  }
0x46: {  	v0 =	vld.msk [tilespmem:s16+$0xC0 ss:$0x1], $0xff;
	_ =	sdelay $0x4  }
0x47: {  	vm2 =	vgt.s32 v0, $0x0  }
0x48: {  	v0 =	vnsel vm2, $0x0, v0  }
0x49: {  	v0 =	vmin.u32 v0, $0x270F  }
0x4a: {  	v1 =	vshll.u32 v0, $0x5;
	v0 =	vshll.u32 v0, $0x4  }
0x4b: {  	v1 =	vand.u32 $0x7FF00, v1;
	v0 =	vand.u32 $0x70, v0  }
0x4c: {  	s16 =	simm.s32 $0x0;
	p1 =	por $0x1, $0x1;
	v0 =	vor.u32 v0, v1  }
.LBB2_7:
0x4d: {  	p2 =	por p1, p1  }
.Ltmp5:
0x4e: {  	s16 =	sshra.s32 s16, $0x2;
	(pc) =	sbr.rel @p2 .LBB2_7-.Ltmp5, $4  }
0x4f: {  	s16 =	sadd.s32 s16, s15  }
0x50: {  	s16 =	sadd.s32 $0xC000, s16  }
0x51: {  	[tilespmem:s16], [sflag:$0x1] =	stream.indirect_vreg.gather [hbm:s4], $0x80, v0, vm0, $0x38;
	[tilespmem:$0x19190] =	vst v63  }
0x52: {  	p1 =	por $0x0, $0x0;
	v0 =	vadd.s32 $0x80, v0;
	s16 =	simm.s32 $0x1000  }
0x53: {  	s15 =	sshll.u32 s13, $0x5  }
0x54: {  	s31 =	sshll.u32 s13, $0x4;
	s15 =	sand.u32 $0xFFFFFF00, s15  }
0x55: {  	_ =	swait.ge [sflag:s6], $0xC800;
	s13 =	sand.u32 $0x70, s31;
	s15 =	sadd.s32 s15, s5  }
0x56: {  	s16 =	sadd.s32 $0x800, s14;
	[sflag:s6] =	ssyncset.done $0x0;
	s13 =	sadd.s32 s13, s15  }
0x57: {  	[sflag:s6] =	ssyncadd.s32 $0xFFFF3800;
	s15 =	simm.s32 $0x100;
	s17 =	sadd.s32 $0x0, s13  }
.LBB2_9:
0x58: {  	[hbm:s17] =	stream.linear.scatter [tilespmem:s14], [sflag:$0x3], $0x800, $0x38;
	[tilespmem:$0x19190] =	vst v63  }
0x59: {  	s17 =	smov.u32 s15;
	s14 =	smov.u32 s16;
	p1 =	sne.s32 s15, $0x1800  }
.Ltmp6:
0x5a: {  	s15 =	sadd.s32 $0x100, s15;
	(pc) =	sbr.rel @p1 .LBB2_9-.Ltmp6, $2  }
0x5b: {  	_ =	sdelay $0x2  }
0x5c: {  	s16 =	sadd.s32 $0x800, s16;
	s17 =	sadd.s32 s17, s13  }
.Ltmp7:
0x5d: {  	_ = 	snop;
	(pc) =	sbr.rel .LBB2_10-.Ltmp7, $1  }
0x5e: {  	_ =	sdelay $0x3  }
.LBB2_12:
0x5f: {  	_ =	sfence.sel $0x180000  }
0x60: {  	s1 =	simm.s32 $0x2;
	[bflag:$0x0] =	sbarrier.arrive $0xFFFF  }
0x61: {  	s30 =	simm.s32 $0x3;
	[sflag:s1] =	ssyncpa.u1 $0x1  }
0x62: {  	s31 =	simm.s32 $0x1;
	[sflag:s30] =	ssyncpa.u1 $0x1  }
0x63: {  	[sflag:s31] =	ssyncpa.u1 $0x1  }
0x64: {  	p0 =	sne.s32 s0, $0x0;
	_ =	strace $0x90000047  }
0x65: {  	s0 =	sadd.s32 @!p0 $0x100000, s2;
	[bflag:$0x2] =	sbarrier.arrive $0xFFFF  }
0x66: {  	[sflag:s0] =	ssyncadd.tile.s32 @!p0 $0x1;
	_ =	shalt  }
.Lfunc_end2:
_tile_overlayer_lowered:
.L_overlay_start_2:
0x67: {  	(tag) =	ssettag $0x2  }
0x68: {  	s0 =	rddreg [dreg:$0x0];
	s2 =	stileid.u32  }
0x69: {  	s1 =	rddreg [dreg:$0x1];
	p0 =	sne.s32 s2, $0x0  }
0x6a: {  	s3 =	rddreg [dreg:$0x2];
	[bflag:$0x3] =	sbarrier.arrive $0xFFFF;
	s2 =	simm.s32 @!p0 $0x1C01  }
0x6b: {  	[timem:s3], [sflag:s2] =	dma.local @!p0 [hbm:s0], s1  }
0x6c: {  	s0 =	simm.s32 @!p0 $0x1  }
0x6d: {  	_ =	swait.ge @!p0 [sflag:s0], s1  }
0x6e: {  	s1 =	ssub.s32 @!p0 $0x0, s1;
	[sflag:s0] =	ssyncset.done @!p0 $0x0  }
0x6f: {  	[sflag:s0] =	ssyncadd.s32 @!p0 s1  }
0x70: {  	[bflag:$0x3] =	sbarrier.arrive $0xFFFF  }
0x71: {  	_ =	shalt  }

</sc_bundles>
